<compile_context>
chip_gen: v7x
topology: tpu7x:2x2x1
jax: 0.10.2.dev20260603
libtpu: 0.0.44.dev20260713+nightly
codegen_flags: <defaults>
</compile_context>

<pallas_src>
import functools

import jax
import jax.numpy as jnp
from jax import lax
from jax.experimental import pallas as pl
from jax.experimental.pallas import tpu as pltpu
from jax.experimental.pallas import tpu_sc as plsc

NC = 2
NS = 16
L = 16
NW = NC * NS
DP = 112
CHUNK = 80

_SC_PARAMS = pltpu.CompilerParams(use_tc_tiling_on_sc=False)


NB = 5



def _agg_body(xcp, src3, dst3, acc_out, *rest):
    rows = rest[0:NB]
    src_r = rest[NB:2 * NB]
    dst_r = rest[2 * NB:3 * NB]
    gsem = rest[3 * NB:4 * NB]
    ssem = rest[4 * NB:5 * NB]
    isrc = rest[5 * NB:6 * NB]
    idst = rest[6 * NB:7 * NB]
    acc_sh = rest[7 * NB]
    cid = lax.axis_index("c")
    sid = lax.axis_index("s")
    wid = sid * NC + cid
    n_tile = acc_sh.shape[0] // NS
    nchunk = src3.shape[1]
    ngrp = nchunk // NB
    rem = nchunk % NB

    def zfill(r, carry):
        for k in range(DP // L):
            rows[0][r, pl.ds(k * L, L)] = jnp.zeros((L,), jnp.float32)
        return carry

    lax.fori_loop(0, CHUNK, zfill, 0)
    nfull = n_tile // CHUNK
    tail = n_tile % CHUNK
    for i in range(nfull):
        pltpu.async_copy(
            rows[0], acc_sh.at[pl.ds(sid * n_tile + i * CHUNK, CHUNK)],
            ssem[0])
    if tail:
        pltpu.async_copy(
            rows[0].at[pl.ds(0, tail)],
            acc_sh.at[pl.ds(sid * n_tile + nfull * CHUNK, tail)], ssem[0])
    for i in range(nfull):
        pltpu.make_async_copy(rows[0], acc_sh.at[pl.ds(0, CHUNK)],
                              ssem[0]).wait()
    if tail:
        pltpu.make_async_copy(rows[0].at[pl.ds(0, tail)],
                              acc_sh.at[pl.ds(0, tail)], ssem[0]).wait()
    plsc.subcore_barrier()

    for r in range(rem):
        j = ngrp * NB + r
        pltpu.sync_copy(src3.at[wid, j], src_r[0])
        pltpu.sync_copy(dst3.at[wid, j], dst_r[0])
        pltpu.sync_copy(xcp.at[src_r[0]], rows[0])
        pltpu.sync_copy(rows[0], acc_sh.at[dst_r[0]], add=True)

    def wait_bytes(dst_ref, sem):
        dummy = xcp.at[pl.ds(0, CHUNK)] if dst_ref.ndim == 2 else src3.at[wid, 0]
        pltpu.make_async_copy(dummy, dst_ref, sem).wait()

    for b in range(NB):
        pltpu.async_copy(src3.at[wid, b], src_r[b], isrc[b])
        pltpu.async_copy(dst3.at[wid, b], dst_r[b], idst[b])

    def body(g, carry):
        base = g * NB
        for b in range(NB):
            wait_bytes(src_r[b], isrc[b])
            wait_bytes(dst_r[b], idst[b])
            pltpu.async_copy(xcp.at[src_r[b]], rows[b], gsem[b])
        for b in range(NB):
            wait_bytes(rows[b], gsem[b])
            nxt = jnp.minimum(base + NB + b, nchunk - 1)
            pltpu.async_copy(src3.at[wid, nxt], src_r[b], isrc[b])
            pltpu.async_copy(rows[b], acc_sh.at[dst_r[b]], ssem[b], add=True)
        for b in range(NB):
            wait_bytes(rows[b], ssem[b])
            nxt = jnp.minimum(base + NB + b, nchunk - 1)
            pltpu.async_copy(dst3.at[wid, nxt], dst_r[b], idst[b])
        return carry

    lax.fori_loop(0, ngrp, body, 0)
    for b in range(NB):
        wait_bytes(src_r[b], isrc[b])
        wait_bytes(dst_r[b], idst[b])
    plsc.subcore_barrier()
    pltpu.sync_copy(acc_sh.at[pl.ds(sid * n_tile, n_tile)],
                    acc_out.at[cid, pl.ds(sid * n_tile, n_tile)])


def _mlp_body(xcp_ref, a0_ref, a1_ref, w1_ref, b1_ref, w2_ref, b2_ref,
              wl_ref, bl_ref, s_ref):
    z = xcp_ref[...] + a0_ref[0] + a1_ref[0]
    h = jnp.dot(z, w1_ref[...], preferred_element_type=jnp.float32) + b1_ref[...]
    h = jnp.maximum(h, 0.0)
    h = jnp.dot(h, w2_ref[...], preferred_element_type=jnp.float32) + b2_ref[...]
    s_ref[...] = (jnp.dot(h, wl_ref[...], preferred_element_type=jnp.float32)
                  + bl_ref[0, 0])


_W = 32


def _edge_gather_body(s_hbm, dst3, out_hbm, dst_v, out_v, sem, s_sh):
    cid = lax.axis_index("c")
    sid = lax.axis_index("s")
    wid = sid * NC + cid
    nchunk = dst_v.shape[0]

    @pl.when(sid == 0)
    def _():
        pltpu.sync_copy(s_hbm, s_sh)

    pltpu.sync_copy(dst3.at[wid], dst_v)
    plsc.subcore_barrier()

    def wait_one():
        pltpu.make_async_copy(s_hbm.at[pl.ds(0, CHUNK)], out_v.at[0],
                              sem).wait()

    def body(j, carry):
        pltpu.async_copy(s_sh.at[dst_v.at[j]], out_v.at[j], sem)

        @pl.when(j >= _W)
        def _():
            wait_one()

        return carry

    lax.fori_loop(0, nchunk, body, 0)
    for _ in range(_W):
        wait_one()
    pltpu.sync_copy(out_v, out_hbm.at[wid])


def kernel(x, edge_index, pos_embeddings, W1, b1, W2, b2,
           W1p, b1p, W2p, b2p, Wl, bl):
    _, N, F = x.shape
    P = pos_embeddings.shape[2]
    E = edge_index.shape[1]
    H = W1.shape[1]
    eb = E // NW
    nchunk = eb // CHUNK
    n_tile = N // NS

    xf = x.reshape(N, F)
    pf = pos_embeddings.reshape(N, P)
    xcp = jnp.concatenate(
        [xf, pf, jnp.zeros((N, DP - F - P), jnp.float32)], axis=1)
    w1p = jnp.concatenate(
        [W1, jnp.zeros((DP - F - P, H), W1.dtype)], axis=0)
    src3 = edge_index[0].reshape(NW, nchunk, CHUNK)
    dst3 = edge_index[1].reshape(NW, nchunk, CHUNK)

    mesh = plsc.VectorSubcoreMesh(core_axis_name="c", subcore_axis_name="s")

    agg_call = functools.partial(
        pl.kernel,
        out_type=jax.ShapeDtypeStruct((NC, N, DP), jnp.float32),
        mesh=mesh,
        compiler_params=_SC_PARAMS,
        scratch_types=(
            [pltpu.VMEM((CHUNK, DP), jnp.float32)] * NB
            + [pltpu.VMEM((CHUNK,), jnp.int32)] * (2 * NB)
            + [pltpu.SemaphoreType.DMA] * (4 * NB)
            + [pltpu.VMEM_SHARED((N, DP), jnp.float32)]
        ),
    )(_agg_body)
    acc = agg_call(xcp, src3, dst3)

    BN = 2000
    s2 = pl.pallas_call(
        _mlp_body,
        out_shape=jax.ShapeDtypeStruct((N, 1), jnp.float32),
        grid=(N // BN,),
        in_specs=[
            pl.BlockSpec((BN, DP), lambda i: (i, 0)),
            pl.BlockSpec((1, BN, DP), lambda i: (0, i, 0)),
            pl.BlockSpec((1, BN, DP), lambda i: (1, i, 0)),
            pl.BlockSpec((DP, H), lambda i: (0, 0)),
            pl.BlockSpec((1, H), lambda i: (0, 0)),
            pl.BlockSpec((H, H), lambda i: (0, 0)),
            pl.BlockSpec((1, H), lambda i: (0, 0)),
            pl.BlockSpec((H, 1), lambda i: (0, 0)),
            pl.BlockSpec((1, 1), lambda i: (0, 0)),
        ],
        out_specs=pl.BlockSpec((BN, 1), lambda i: (i, 0)),
    )(xcp, acc, acc, w1p, b1.reshape(1, H), W2, b2.reshape(1, H),
      Wl, bl.reshape(1, 1))

    gather_call = functools.partial(
        pl.kernel,
        out_type=jax.ShapeDtypeStruct((NW, nchunk, CHUNK), jnp.float32),
        mesh=mesh,
        compiler_params=_SC_PARAMS,
        scratch_types=[
            pltpu.VMEM((nchunk, CHUNK), jnp.int32),
            pltpu.VMEM((nchunk, CHUNK), jnp.float32),
            pltpu.SemaphoreType.DMA,
            pltpu.VMEM_SHARED((N,), jnp.float32),
        ],
    )(_edge_gather_body)
    out3 = gather_call(s2.reshape(N), dst3)
    return out3.reshape(E)

# --- scband reference (transcript-rebuilt; emitter-appended) ---
"""Pipeline reference for scband-ginmodel-var1-44770739093602 (READ-ONLY COPY).

The authoritative reference and input builder live on the scoring server;
editing this copy changes nothing except your own understanding.
"""

import jax, jax.numpy as jnp
import numpy as np

N = 10000
E = 640000
H = 256


def setup_inputs(seed: int = 0) -> dict:
    key = jax.random.key(seed)
    ks = jax.random.split(key, 16)
    x = jax.random.normal(ks[0], (1, N, 100), dtype=jnp.float32)
    pos_embeddings = jax.random.normal(ks[1], (1, N, 5), dtype=jnp.float32)
    edge_index = jax.random.randint(ks[2], (2, E), 0, N, dtype=jnp.int32)
    W1 = jax.random.normal(ks[3], (105, H), dtype=jnp.float32) * 0.05
    b1 = jnp.zeros((H,), dtype=jnp.float32)
    W2 = jax.random.normal(ks[4], (H, H), dtype=jnp.float32) * 0.05
    b2 = jnp.zeros((H,), dtype=jnp.float32)
    W1p = jax.random.normal(ks[5], (5, H), dtype=jnp.float32) * 0.05
    b1p = jnp.zeros((H,), dtype=jnp.float32)
    W2p = jax.random.normal(ks[6], (H, H), dtype=jnp.float32) * 0.05
    b2p = jnp.zeros((H,), dtype=jnp.float32)
    Wl = jax.random.normal(ks[7], (H, 1), dtype=jnp.float32) * 0.05
    bl = jnp.zeros((1,), dtype=jnp.float32)
    return {"x": x, "edge_index": edge_index, "pos_embeddings": pos_embeddings,
            "W1": W1, "b1": b1, "W2": W2, "b2": b2,
            "W1p": W1p, "b1p": b1p, "W2p": W2p, "b2p": b2p,
            "Wl": Wl, "bl": bl}


def _gin_conv(h, src, dst, W1, b1, W2, b2):
    # GINConv with eps=0: mlp((1+eps)*x + sum_{j->i} x_j)
    agg = jax.ops.segment_sum(h[src], dst, num_segments=h.shape[0])
    z = h + agg
    z = jnp.maximum(z @ W1 + b1, 0.0)
    return z @ W2 + b2


def reference(x, edge_index, pos_embeddings, W1, b1, W2, b2, W1p, b1p, W2p, b2p, Wl, bl):
    xf = x.reshape(-1, x.shape[2])
    pf = pos_embeddings.reshape(-1, pos_embeddings.shape[2])
    xc = jnp.concatenate([xf, pf], axis=1)
    src = edge_index[0]
    dst = edge_index[1]
    hx = _gin_conv(xc, src, dst, W1, b1, W2, b2)
    hp = _gin_conv(pf, src, dst, W1p, b1p, W2p, b2p)
    # NOTE: original code concatenates along dim=0 (default), giving [2N, H]
    final_output = jnp.concatenate([hx, hp], axis=0) @ Wl + bl
    product_embed = final_output[dst]
    ratings = jnp.sum(product_embed, axis=1)
    return ratings

if __name__ == "__main__":
    import jax
    _d = setup_inputs()
    print(jax.jit(kernel)(*tuple(_d.values())))

</pallas_src>

<mosaic_0001>
#map = affine_map<(d0, d1) -> (0)>
#map1 = affine_map<(d0, d1) -> (0, 0, 0)>
module attributes {stable_mosaic.version = 14 : i64} {
  func.func @_edge_gather_body(%arg0: i32, %arg1: i32, %arg2: memref<10000xf32, #tpu.memory_space<hbm>>, %arg3: memref<32x250x80xi32, #tpu.memory_space<hbm>>, %arg4: memref<32x250x80xf32, #tpu.memory_space<hbm>>, %arg5: memref<250x80xi32, #tpu.memory_space<vmem>>, %arg6: memref<250x80xf32, #tpu.memory_space<vmem>>, %arg7: memref<!tpu.dma_semaphore, #tpu.memory_space<semaphore_mem>>, %arg8: memref<10000xf32, #tpu.memory_space<vmem_shared>>) attributes {dimension_semantics = [#tpu.dimension_semantics<core_parallel>, #tpu.dimension_semantics<subcore_parallel>], iteration_bounds = array<i64: 2, 16>, scalar_prefetch = 0 : i64, scratch_operands = 4 : i64, tpu.core_type = #tpu.core_type<sc_vector_subcore>, window_params = [{transform_indices = #map}, {transform_indices = #map1}, {transform_indices = #map1}]} {
    %mul3A = arith.constant 2 : i32
    %mul3A_0 = arith.muli %arg1, %mul3A : i32
    %add3A = arith.addi %mul3A_0, %arg0 : i32
    %eq3A = arith.constant 0 : i32
    %eq3A_1 = arith.cmpi eq, %arg1, %eq3A : i32
    %convert_element_type3A = arith.extui %eq3A_1 : i1 to i32
    %cond3A = arith.constant 0 : i32
    %cond3A_2 = arith.cmpi ne, %convert_element_type3A, %cond3A : i32
    scf.if %cond3A_2 {
      "tpu.region"() ({
        %run_scoped3A = tpu.sem_alloc : memref<!tpu.dma_semaphore, #tpu.memory_space<semaphore_mem>>
        tpu.enqueue_dma source(%arg2 : memref<10000xf32, #tpu.memory_space<hbm>>) target(%arg8 : memref<10000xf32, #tpu.memory_space<vmem_shared>>) target_semaphore(%run_scoped3A : memref<!tpu.dma_semaphore, #tpu.memory_space<semaphore_mem>>)
        tpu.wait_dma2 semaphore(%run_scoped3A : memref<!tpu.dma_semaphore, #tpu.memory_space<semaphore_mem>>) src(%arg2 : memref<10000xf32, #tpu.memory_space<hbm>>) dst(%arg8 : memref<10000xf32, #tpu.memory_space<vmem_shared>>)
        tpu.yield
      }) : () -> ()
    } else {
    }
    "tpu.region"() ({
      %run_scoped3A = tpu.sem_alloc : memref<!tpu.dma_semaphore, #tpu.memory_space<semaphore_mem>>
      %dma_start3A = arith.constant 0 : i32
      %dma_start3A_359 = arith.constant 0 : i32
      %dma_start3A_360 = tpu.memref_slice %arg3[%add3A, %dma_start3A, %dma_start3A_359] : memref<32x250x80xi32, #tpu.memory_space<hbm>> -> memref<1x250x80xi32, #tpu.memory_space<hbm>>
      %dma_start3A_361 = tpu.memref_squeeze %dma_start3A_360 : memref<1x250x80xi32, #tpu.memory_space<hbm>> -> memref<250x80xi32, #tpu.memory_space<hbm>>
      %dma_start3A_362 = arith.constant 0 : i32
      %dma_start3A_363 = arith.constant 0 : i32
      %dma_start3A_364 = tpu.memref_slice %arg3[%add3A, %dma_start3A_362, %dma_start3A_363] : memref<32x250x80xi32, #tpu.memory_space<hbm>> -> memref<1x250x80xi32, #tpu.memory_space<hbm>>
      %dma_start3A_365 = tpu.memref_squeeze %dma_start3A_364 : memref<1x250x80xi32, #tpu.memory_space<hbm>> -> memref<250x80xi32, #tpu.memory_space<hbm>>
      tpu.enqueue_dma source(%dma_start3A_365 : memref<250x80xi32, #tpu.memory_space<hbm>>) target(%arg5 : memref<250x80xi32, #tpu.memory_space<vmem>>) target_semaphore(%run_scoped3A : memref<!tpu.dma_semaphore, #tpu.memory_space<semaphore_mem>>)
      %dma_wait3A_366 = arith.constant 0 : i32
      %dma_wait3A_367 = arith.constant 0 : i32
      %dma_wait3A_368 = tpu.memref_slice %arg3[%add3A, %dma_wait3A_366, %dma_wait3A_367] : memref<32x250x80xi32, #tpu.memory_space<hbm>> -> memref<1x250x80xi32, #tpu.memory_space<hbm>>
      %dma_wait3A_369 = tpu.memref_squeeze %dma_wait3A_368 : memref<1x250x80xi32, #tpu.memory_space<hbm>> -> memref<250x80xi32, #tpu.memory_space<hbm>>
      %dma_wait3A_370 = arith.constant 0 : i32
      %dma_wait3A_371 = arith.constant 0 : i32
      %dma_wait3A_372 = tpu.memref_slice %arg3[%add3A, %dma_wait3A_370, %dma_wait3A_371] : memref<32x250x80xi32, #tpu.memory_space<hbm>> -> memref<1x250x80xi32, #tpu.memory_space<hbm>>
      %dma_wait3A_373 = tpu.memref_squeeze %dma_wait3A_372 : memref<1x250x80xi32, #tpu.memory_space<hbm>> -> memref<250x80xi32, #tpu.memory_space<hbm>>
      tpu.wait_dma2 semaphore(%run_scoped3A : memref<!tpu.dma_semaphore, #tpu.memory_space<semaphore_mem>>) src(%dma_wait3A_373 : memref<250x80xi32, #tpu.memory_space<hbm>>) dst(%arg5 : memref<250x80xi32, #tpu.memory_space<vmem>>)
      tpu.yield
    }) : () -> ()
    %barrier3A = arith.constant 0 : index
    tpu.barrier barrier_id(%barrier3A)
    %scan3A = arith.constant 0 : i32
    %scan3A_3 = arith.constant 0 : i32
    %scan3A_4 = arith.constant 250 : i32
    %scan3A_5 = arith.addi %scan3A_3, %scan3A_4 : i32
    %scan3A_6 = arith.constant 1 : i32
    scf.for %scan3A_359 = %scan3A_3 to %scan3A_5 step %scan3A_6  : i32 {
      %dma_start3A = arith.constant 0 : i32
      %dma_start3A_360 = tpu.memref_slice %arg6[%scan3A_359, %dma_start3A] : memref<250x80xf32, #tpu.memory_space<vmem>> -> memref<1x80xf32, #tpu.memory_space<vmem>>
      %dma_start3A_361 = tpu.memref_squeeze %dma_start3A_360 : memref<1x80xf32, #tpu.memory_space<vmem>> -> memref<80xf32, #tpu.memory_space<vmem>>
      %dma_start3A_362 = arith.constant 0 : i32
      %dma_start3A_363 = tpu.memref_slice %arg5[%scan3A_359, %dma_start3A_362] : memref<250x80xi32, #tpu.memory_space<vmem>> -> memref<1x80xi32, #tpu.memory_space<vmem>>
      %dma_start3A_364 = tpu.memref_squeeze %dma_start3A_363 : memref<1x80xi32, #tpu.memory_space<vmem>> -> memref<80xi32, #tpu.memory_space<vmem>>
      %dma_start3A_365 = arith.constant 0 : i32
      %dma_start3A_366 = tpu.memref_slice %arg8[%dma_start3A_365] : memref<10000xf32, #tpu.memory_space<vmem_shared>> -> memref<10000xf32, #tpu.memory_space<vmem_shared>>
      tpu.enqueue_indirect_dma source(%dma_start3A_366 : memref<10000xf32, #tpu.memory_space<vmem_shared>>) target(%dma_start3A_361 : memref<80xf32, #tpu.memory_space<vmem>>) offsets(%dma_start3A_364 : memref<80xi32, #tpu.memory_space<vmem>>) semaphore(%arg7 : memref<!tpu.dma_semaphore, #tpu.memory_space<semaphore_mem>>)
      %ge3A = arith.constant 32 : i32
      %ge3A_367 = arith.cmpi sge, %scan3A_359, %ge3A : i32
      %convert_element_type3A_368 = arith.extui %ge3A_367 : i1 to i32
      %cond3A_369 = arith.constant 0 : i32
      %cond3A_370 = arith.cmpi ne, %convert_element_type3A_368, %cond3A_369 : i32
      scf.if %cond3A_370 {
        %dma_wait3A_371 = arith.constant 0 : i32
        %dma_wait3A_372 = arith.constant 0 : i32
        %dma_wait3A_373 = tpu.memref_slice %arg6[%dma_wait3A_371, %dma_wait3A_372] : memref<250x80xf32, #tpu.memory_space<vmem>> -> memref<1x80xf32, #tpu.memory_space<vmem>>
        %dma_wait3A_374 = tpu.memref_squeeze %dma_wait3A_373 : memref<1x80xf32, #tpu.memory_space<vmem>> -> memref<80xf32, #tpu.memory_space<vmem>>
        %dma_wait3A_375 = arith.constant 0 : i32
        %dma_wait3A_376 = tpu.memref_slice %arg2[%dma_wait3A_375] : memref<10000xf32, #tpu.memory_space<hbm>> -> memref<80xf32, #tpu.memory_space<hbm>>
        %dma_wait3A_377 = arith.constant 0 : i32
        %dma_wait3A_378 = tpu.memref_slice %arg6[%dma_wait3A_371, %dma_wait3A_377] : memref<250x80xf32, #tpu.memory_space<vmem>> -> memref<1x80xf32, #tpu.memory_space<vmem>>
        %dma_wait3A_379 = tpu.memref_squeeze %dma_wait3A_378 : memref<1x80xf32, #tpu.memory_space<vmem>> -> memref<80xf32, #tpu.memory_space<vmem>>
        %dma_wait3A_380 = arith.constant 0 : i32
        %dma_wait3A_381 = tpu.memref_slice %arg2[%dma_wait3A_380] : memref<10000xf32, #tpu.memory_space<hbm>> -> memref<80xf32, #tpu.memory_space<hbm>>
        tpu.wait_dma2 semaphore(%arg7 : memref<!tpu.dma_semaphore, #tpu.memory_space<semaphore_mem>>) src(%dma_wait3A_381 : memref<80xf32, #tpu.memory_space<hbm>>) dst(%dma_wait3A_379 : memref<80xf32, #tpu.memory_space<vmem>>)
      } else {
      }
    }
    %scan3A_7 = arith.constant 250 : i32
    %dma_wait3A = arith.constant 0 : i32
    %dma_wait3A_8 = arith.constant 0 : i32
    %dma_wait3A_9 = tpu.memref_slice %arg6[%dma_wait3A, %dma_wait3A_8] : memref<250x80xf32, #tpu.memory_space<vmem>> -> memref<1x80xf32, #tpu.memory_space<vmem>>
    %dma_wait3A_10 = tpu.memref_squeeze %dma_wait3A_9 : memref<1x80xf32, #tpu.memory_space<vmem>> -> memref<80xf32, #tpu.memory_space<vmem>>
    %dma_wait3A_11 = arith.constant 0 : i32
    %dma_wait3A_12 = tpu.memref_slice %arg2[%dma_wait3A_11] : memref<10000xf32, #tpu.memory_space<hbm>> -> memref<80xf32, #tpu.memory_space<hbm>>
    %dma_wait3A_13 = arith.constant 0 : i32
    %dma_wait3A_14 = tpu.memref_slice %arg6[%dma_wait3A, %dma_wait3A_13] : memref<250x80xf32, #tpu.memory_space<vmem>> -> memref<1x80xf32, #tpu.memory_space<vmem>>
    %dma_wait3A_15 = tpu.memref_squeeze %dma_wait3A_14 : memref<1x80xf32, #tpu.memory_space<vmem>> -> memref<80xf32, #tpu.memory_space<vmem>>
    %dma_wait3A_16 = arith.constant 0 : i32
    %dma_wait3A_17 = tpu.memref_slice %arg2[%dma_wait3A_16] : memref<10000xf32, #tpu.memory_space<hbm>> -> memref<80xf32, #tpu.memory_space<hbm>>
    tpu.wait_dma2 semaphore(%arg7 : memref<!tpu.dma_semaphore, #tpu.memory_space<semaphore_mem>>) src(%dma_wait3A_17 : memref<80xf32, #tpu.memory_space<hbm>>) dst(%dma_wait3A_15 : memref<80xf32, #tpu.memory_space<vmem>>)
    %dma_wait3A_18 = arith.constant 0 : i32
    %dma_wait3A_19 = arith.constant 0 : i32
    %dma_wait3A_20 = tpu.memref_slice %arg6[%dma_wait3A_18, %dma_wait3A_19] : memref<250x80xf32, #tpu.memory_space<vmem>> -> memref<1x80xf32, #tpu.memory_space<vmem>>
    %dma_wait3A_21 = tpu.memref_squeeze %dma_wait3A_20 : memref<1x80xf32, #tpu.memory_space<vmem>> -> memref<80xf32, #tpu.memory_space<vmem>>
    %dma_wait3A_22 = arith.constant 0 : i32
    %dma_wait3A_23 = tpu.memref_slice %arg2[%dma_wait3A_22] : memref<10000xf32, #tpu.memory_space<hbm>> -> memref<80xf32, #tpu.memory_space<hbm>>
    %dma_wait3A_24 = arith.constant 0 : i32
    %dma_wait3A_25 = tpu.memref_slice %arg6[%dma_wait3A_18, %dma_wait3A_24] : memref<250x80xf32, #tpu.memory_space<vmem>> -> memref<1x80xf32, #tpu.memory_space<vmem>>
    %dma_wait3A_26 = tpu.memref_squeeze %dma_wait3A_25 : memref<1x80xf32, #tpu.memory_space<vmem>> -> memref<80xf32, #tpu.memory_space<vmem>>
    %dma_wait3A_27 = arith.constant 0 : i32
    %dma_wait3A_28 = tpu.memref_slice %arg2[%dma_wait3A_27] : memref<10000xf32, #tpu.memory_space<hbm>> -> memref<80xf32, #tpu.memory_space<hbm>>
    tpu.wait_dma2 semaphore(%arg7 : memref<!tpu.dma_semaphore, #tpu.memory_space<semaphore_mem>>) src(%dma_wait3A_28 : memref<80xf32, #tpu.memory_space<hbm>>) dst(%dma_wait3A_26 : memref<80xf32, #tpu.memory_space<vmem>>)
    %dma_wait3A_29 = arith.constant 0 : i32
    %dma_wait3A_30 = arith.constant 0 : i32
    %dma_wait3A_31 = tpu.memref_slice %arg6[%dma_wait3A_29, %dma_wait3A_30] : memref<250x80xf32, #tpu.memory_space<vmem>> -> memref<1x80xf32, #tpu.memory_space<vmem>>
    %dma_wait3A_32 = tpu.memref_squeeze %dma_wait3A_31 : memref<1x80xf32, #tpu.memory_space<vmem>> -> memref<80xf32, #tpu.memory_space<vmem>>
    %dma_wait3A_33 = arith.constant 0 : i32
    %dma_wait3A_34 = tpu.memref_slice %arg2[%dma_wait3A_33] : memref<10000xf32, #tpu.memory_space<hbm>> -> memref<80xf32, #tpu.memory_space<hbm>>
    %dma_wait3A_35 = arith.constant 0 : i32
    %dma_wait3A_36 = tpu.memref_slice %arg6[%dma_wait3A_29, %dma_wait3A_35] : memref<250x80xf32, #tpu.memory_space<vmem>> -> memref<1x80xf32, #tpu.memory_space<vmem>>
    %dma_wait3A_37 = tpu.memref_squeeze %dma_wait3A_36 : memref<1x80xf32, #tpu.memory_space<vmem>> -> memref<80xf32, #tpu.memory_space<vmem>>
    %dma_wait3A_38 = arith.constant 0 : i32
    %dma_wait3A_39 = tpu.memref_slice %arg2[%dma_wait3A_38] : memref<10000xf32, #tpu.memory_space<hbm>> -> memref<80xf32, #tpu.memory_space<hbm>>
    tpu.wait_dma2 semaphore(%arg7 : memref<!tpu.dma_semaphore, #tpu.memory_space<semaphore_mem>>) src(%dma_wait3A_39 : memref<80xf32, #tpu.memory_space<hbm>>) dst(%dma_wait3A_37 : memref<80xf32, #tpu.memory_space<vmem>>)
    %dma_wait3A_40 = arith.constant 0 : i32
    %dma_wait3A_41 = arith.constant 0 : i32
    %dma_wait3A_42 = tpu.memref_slice %arg6[%dma_wait3A_40, %dma_wait3A_41] : memref<250x80xf32, #tpu.memory_space<vmem>> -> memref<1x80xf32, #tpu.memory_space<vmem>>
    %dma_wait3A_43 = tpu.memref_squeeze %dma_wait3A_42 : memref<1x80xf32, #tpu.memory_space<vmem>> -> memref<80xf32, #tpu.memory_space<vmem>>
    %dma_wait3A_44 = arith.constant 0 : i32
    %dma_wait3A_45 = tpu.memref_slice %arg2[%dma_wait3A_44] : memref<10000xf32, #tpu.memory_space<hbm>> -> memref<80xf32, #tpu.memory_space<hbm>>
    %dma_wait3A_46 = arith.constant 0 : i32
    %dma_wait3A_47 = tpu.memref_slice %arg6[%dma_wait3A_40, %dma_wait3A_46] : memref<250x80xf32, #tpu.memory_space<vmem>> -> memref<1x80xf32, #tpu.memory_space<vmem>>
    %dma_wait3A_48 = tpu.memref_squeeze %dma_wait3A_47 : memref<1x80xf32, #tpu.memory_space<vmem>> -> memref<80xf32, #tpu.memory_space<vmem>>
    %dma_wait3A_49 = arith.constant 0 : i32
    %dma_wait3A_50 = tpu.memref_slice %arg2[%dma_wait3A_49] : memref<10000xf32, #tpu.memory_space<hbm>> -> memref<80xf32, #tpu.memory_space<hbm>>
    tpu.wait_dma2 semaphore(%arg7 : memref<!tpu.dma_semaphore, #tpu.memory_space<semaphore_mem>>) src(%dma_wait3A_50 : memref<80xf32, #tpu.memory_space<hbm>>) dst(%dma_wait3A_48 : memref<80xf32, #tpu.memory_space<vmem>>)
    %dma_wait3A_51 = arith.constant 0 : i32
    %dma_wait3A_52 = arith.constant 0 : i32
    %dma_wait3A_53 = tpu.memref_slice %arg6[%dma_wait3A_51, %dma_wait3A_52] : memref<250x80xf32, #tpu.memory_space<vmem>> -> memref<1x80xf32, #tpu.memory_space<vmem>>
    %dma_wait3A_54 = tpu.memref_squeeze %dma_wait3A_53 : memref<1x80xf32, #tpu.memory_space<vmem>> -> memref<80xf32, #tpu.memory_space<vmem>>
    %dma_wait3A_55 = arith.constant 0 : i32
    %dma_wait3A_56 = tpu.memref_slice %arg2[%dma_wait3A_55] : memref<10000xf32, #tpu.memory_space<hbm>> -> memref<80xf32, #tpu.memory_space<hbm>>
    %dma_wait3A_57 = arith.constant 0 : i32
    %dma_wait3A_58 = tpu.memref_slice %arg6[%dma_wait3A_51, %dma_wait3A_57] : memref<250x80xf32, #tpu.memory_space<vmem>> -> memref<1x80xf32, #tpu.memory_space<vmem>>
    %dma_wait3A_59 = tpu.memref_squeeze %dma_wait3A_58 : memref<1x80xf32, #tpu.memory_space<vmem>> -> memref<80xf32, #tpu.memory_space<vmem>>
    %dma_wait3A_60 = arith.constant 0 : i32
    %dma_wait3A_61 = tpu.memref_slice %arg2[%dma_wait3A_60] : memref<10000xf32, #tpu.memory_space<hbm>> -> memref<80xf32, #tpu.memory_space<hbm>>
    tpu.wait_dma2 semaphore(%arg7 : memref<!tpu.dma_semaphore, #tpu.memory_space<semaphore_mem>>) src(%dma_wait3A_61 : memref<80xf32, #tpu.memory_space<hbm>>) dst(%dma_wait3A_59 : memref<80xf32, #tpu.memory_space<vmem>>)
    %dma_wait3A_62 = arith.constant 0 : i32
    %dma_wait3A_63 = arith.constant 0 : i32
    %dma_wait3A_64 = tpu.memref_slice %arg6[%dma_wait3A_62, %dma_wait3A_63] : memref<250x80xf32, #tpu.memory_space<vmem>> -> memref<1x80xf32, #tpu.memory_space<vmem>>
    %dma_wait3A_65 = tpu.memref_squeeze %dma_wait3A_64 : memref<1x80xf32, #tpu.memory_space<vmem>> -> memref<80xf32, #tpu.memory_space<vmem>>
    %dma_wait3A_66 = arith.constant 0 : i32
    %dma_wait3A_67 = tpu.memref_slice %arg2[%dma_wait3A_66] : memref<10000xf32, #tpu.memory_space<hbm>> -> memref<80xf32, #tpu.memory_space<hbm>>
    %dma_wait3A_68 = arith.constant 0 : i32
    %dma_wait3A_69 = tpu.memref_slice %arg6[%dma_wait3A_62, %dma_wait3A_68] : memref<250x80xf32, #tpu.memory_space<vmem>> -> memref<1x80xf32, #tpu.memory_space<vmem>>
    %dma_wait3A_70 = tpu.memref_squeeze %dma_wait3A_69 : memref<1x80xf32, #tpu.memory_space<vmem>> -> memref<80xf32, #tpu.memory_space<vmem>>
    %dma_wait3A_71 = arith.constant 0 : i32
    %dma_wait3A_72 = tpu.memref_slice %arg2[%dma_wait3A_71] : memref<10000xf32, #tpu.memory_space<hbm>> -> memref<80xf32, #tpu.memory_space<hbm>>
    tpu.wait_dma2 semaphore(%arg7 : memref<!tpu.dma_semaphore, #tpu.memory_space<semaphore_mem>>) src(%dma_wait3A_72 : memref<80xf32, #tpu.memory_space<hbm>>) dst(%dma_wait3A_70 : memref<80xf32, #tpu.memory_space<vmem>>)
    %dma_wait3A_73 = arith.constant 0 : i32
    %dma_wait3A_74 = arith.constant 0 : i32
    %dma_wait3A_75 = tpu.memref_slice %arg6[%dma_wait3A_73, %dma_wait3A_74] : memref<250x80xf32, #tpu.memory_space<vmem>> -> memref<1x80xf32, #tpu.memory_space<vmem>>
    %dma_wait3A_76 = tpu.memref_squeeze %dma_wait3A_75 : memref<1x80xf32, #tpu.memory_space<vmem>> -> memref<80xf32, #tpu.memory_space<vmem>>
    %dma_wait3A_77 = arith.constant 0 : i32
    %dma_wait3A_78 = tpu.memref_slice %arg2[%dma_wait3A_77] : memref<10000xf32, #tpu.memory_space<hbm>> -> memref<80xf32, #tpu.memory_space<hbm>>
    %dma_wait3A_79 = arith.constant 0 : i32
    %dma_wait3A_80 = tpu.memref_slice %arg6[%dma_wait3A_73, %dma_wait3A_79] : memref<250x80xf32, #tpu.memory_space<vmem>> -> memref<1x80xf32, #tpu.memory_space<vmem>>
    %dma_wait3A_81 = tpu.memref_squeeze %dma_wait3A_80 : memref<1x80xf32, #tpu.memory_space<vmem>> -> memref<80xf32, #tpu.memory_space<vmem>>
    %dma_wait3A_82 = arith.constant 0 : i32
    %dma_wait3A_83 = tpu.memref_slice %arg2[%dma_wait3A_82] : memref<10000xf32, #tpu.memory_space<hbm>> -> memref<80xf32, #tpu.memory_space<hbm>>
    tpu.wait_dma2 semaphore(%arg7 : memref<!tpu.dma_semaphore, #tpu.memory_space<semaphore_mem>>) src(%dma_wait3A_83 : memref<80xf32, #tpu.memory_space<hbm>>) dst(%dma_wait3A_81 : memref<80xf32, #tpu.memory_space<vmem>>)
    %dma_wait3A_84 = arith.constant 0 : i32
    %dma_wait3A_85 = arith.constant 0 : i32
    %dma_wait3A_86 = tpu.memref_slice %arg6[%dma_wait3A_84, %dma_wait3A_85] : memref<250x80xf32, #tpu.memory_space<vmem>> -> memref<1x80xf32, #tpu.memory_space<vmem>>
    %dma_wait3A_87 = tpu.memref_squeeze %dma_wait3A_86 : memref<1x80xf32, #tpu.memory_space<vmem>> -> memref<80xf32, #tpu.memory_space<vmem>>
    %dma_wait3A_88 = arith.constant 0 : i32
    %dma_wait3A_89 = tpu.memref_slice %arg2[%dma_wait3A_88] : memref<10000xf32, #tpu.memory_space<hbm>> -> memref<80xf32, #tpu.memory_space<hbm>>
    %dma_wait3A_90 = arith.constant 0 : i32
    %dma_wait3A_91 = tpu.memref_slice %arg6[%dma_wait3A_84, %dma_wait3A_90] : memref<250x80xf32, #tpu.memory_space<vmem>> -> memref<1x80xf32, #tpu.memory_space<vmem>>
    %dma_wait3A_92 = tpu.memref_squeeze %dma_wait3A_91 : memref<1x80xf32, #tpu.memory_space<vmem>> -> memref<80xf32, #tpu.memory_space<vmem>>
    %dma_wait3A_93 = arith.constant 0 : i32
    %dma_wait3A_94 = tpu.memref_slice %arg2[%dma_wait3A_93] : memref<10000xf32, #tpu.memory_space<hbm>> -> memref<80xf32, #tpu.memory_space<hbm>>
    tpu.wait_dma2 semaphore(%arg7 : memref<!tpu.dma_semaphore, #tpu.memory_space<semaphore_mem>>) src(%dma_wait3A_94 : memref<80xf32, #tpu.memory_space<hbm>>) dst(%dma_wait3A_92 : memref<80xf32, #tpu.memory_space<vmem>>)
    %dma_wait3A_95 = arith.constant 0 : i32
    %dma_wait3A_96 = arith.constant 0 : i32
    %dma_wait3A_97 = tpu.memref_slice %arg6[%dma_wait3A_95, %dma_wait3A_96] : memref<250x80xf32, #tpu.memory_space<vmem>> -> memref<1x80xf32, #tpu.memory_space<vmem>>
    %dma_wait3A_98 = tpu.memref_squeeze %dma_wait3A_97 : memref<1x80xf32, #tpu.memory_space<vmem>> -> memref<80xf32, #tpu.memory_space<vmem>>
    %dma_wait3A_99 = arith.constant 0 : i32
    %dma_wait3A_100 = tpu.memref_slice %arg2[%dma_wait3A_99] : memref<10000xf32, #tpu.memory_space<hbm>> -> memref<80xf32, #tpu.memory_space<hbm>>
    %dma_wait3A_101 = arith.constant 0 : i32
    %dma_wait3A_102 = tpu.memref_slice %arg6[%dma_wait3A_95, %dma_wait3A_101] : memref<250x80xf32, #tpu.memory_space<vmem>> -> memref<1x80xf32, #tpu.memory_space<vmem>>
    %dma_wait3A_103 = tpu.memref_squeeze %dma_wait3A_102 : memref<1x80xf32, #tpu.memory_space<vmem>> -> memref<80xf32, #tpu.memory_space<vmem>>
    %dma_wait3A_104 = arith.constant 0 : i32
    %dma_wait3A_105 = tpu.memref_slice %arg2[%dma_wait3A_104] : memref<10000xf32, #tpu.memory_space<hbm>> -> memref<80xf32, #tpu.memory_space<hbm>>
    tpu.wait_dma2 semaphore(%arg7 : memref<!tpu.dma_semaphore, #tpu.memory_space<semaphore_mem>>) src(%dma_wait3A_105 : memref<80xf32, #tpu.memory_space<hbm>>) dst(%dma_wait3A_103 : memref<80xf32, #tpu.memory_space<vmem>>)
    %dma_wait3A_106 = arith.constant 0 : i32
    %dma_wait3A_107 = arith.constant 0 : i32
    %dma_wait3A_108 = tpu.memref_slice %arg6[%dma_wait3A_106, %dma_wait3A_107] : memref<250x80xf32, #tpu.memory_space<vmem>> -> memref<1x80xf32, #tpu.memory_space<vmem>>
    %dma_wait3A_109 = tpu.memref_squeeze %dma_wait3A_108 : memref<1x80xf32, #tpu.memory_space<vmem>> -> memref<80xf32, #tpu.memory_space<vmem>>
    %dma_wait3A_110 = arith.constant 0 : i32
    %dma_wait3A_111 = tpu.memref_slice %arg2[%dma_wait3A_110] : memref<10000xf32, #tpu.memory_space<hbm>> -> memref<80xf32, #tpu.memory_space<hbm>>
    %dma_wait3A_112 = arith.constant 0 : i32
    %dma_wait3A_113 = tpu.memref_slice %arg6[%dma_wait3A_106, %dma_wait3A_112] : memref<250x80xf32, #tpu.memory_space<vmem>> -> memref<1x80xf32, #tpu.memory_space<vmem>>
    %dma_wait3A_114 = tpu.memref_squeeze %dma_wait3A_113 : memref<1x80xf32, #tpu.memory_space<vmem>> -> memref<80xf32, #tpu.memory_space<vmem>>
    %dma_wait3A_115 = arith.constant 0 : i32
    %dma_wait3A_116 = tpu.memref_slice %arg2[%dma_wait3A_115] : memref<10000xf32, #tpu.memory_space<hbm>> -> memref<80xf32, #tpu.memory_space<hbm>>
    tpu.wait_dma2 semaphore(%arg7 : memref<!tpu.dma_semaphore, #tpu.memory_space<semaphore_mem>>) src(%dma_wait3A_116 : memref<80xf32, #tpu.memory_space<hbm>>) dst(%dma_wait3A_114 : memref<80xf32, #tpu.memory_space<vmem>>)
    %dma_wait3A_117 = arith.constant 0 : i32
    %dma_wait3A_118 = arith.constant 0 : i32
    %dma_wait3A_119 = tpu.memref_slice %arg6[%dma_wait3A_117, %dma_wait3A_118] : memref<250x80xf32, #tpu.memory_space<vmem>> -> memref<1x80xf32, #tpu.memory_space<vmem>>
    %dma_wait3A_120 = tpu.memref_squeeze %dma_wait3A_119 : memref<1x80xf32, #tpu.memory_space<vmem>> -> memref<80xf32, #tpu.memory_space<vmem>>
    %dma_wait3A_121 = arith.constant 0 : i32
    %dma_wait3A_122 = tpu.memref_slice %arg2[%dma_wait3A_121] : memref<10000xf32, #tpu.memory_space<hbm>> -> memref<80xf32, #tpu.memory_space<hbm>>
    %dma_wait3A_123 = arith.constant 0 : i32
    %dma_wait3A_124 = tpu.memref_slice %arg6[%dma_wait3A_117, %dma_wait3A_123] : memref<250x80xf32, #tpu.memory_space<vmem>> -> memref<1x80xf32, #tpu.memory_space<vmem>>
    %dma_wait3A_125 = tpu.memref_squeeze %dma_wait3A_124 : memref<1x80xf32, #tpu.memory_space<vmem>> -> memref<80xf32, #tpu.memory_space<vmem>>
    %dma_wait3A_126 = arith.constant 0 : i32
    %dma_wait3A_127 = tpu.memref_slice %arg2[%dma_wait3A_126] : memref<10000xf32, #tpu.memory_space<hbm>> -> memref<80xf32, #tpu.memory_space<hbm>>
    tpu.wait_dma2 semaphore(%arg7 : memref<!tpu.dma_semaphore, #tpu.memory_space<semaphore_mem>>) src(%dma_wait3A_127 : memref<80xf32, #tpu.memory_space<hbm>>) dst(%dma_wait3A_125 : memref<80xf32, #tpu.memory_space<vmem>>)
    %dma_wait3A_128 = arith.constant 0 : i32
    %dma_wait3A_129 = arith.constant 0 : i32
    %dma_wait3A_130 = tpu.memref_slice %arg6[%dma_wait3A_128, %dma_wait3A_129] : memref<250x80xf32, #tpu.memory_space<vmem>> -> memref<1x80xf32, #tpu.memory_space<vmem>>
    %dma_wait3A_131 = tpu.memref_squeeze %dma_wait3A_130 : memref<1x80xf32, #tpu.memory_space<vmem>> -> memref<80xf32, #tpu.memory_space<vmem>>
    %dma_wait3A_132 = arith.constant 0 : i32
    %dma_wait3A_133 = tpu.memref_slice %arg2[%dma_wait3A_132] : memref<10000xf32, #tpu.memory_space<hbm>> -> memref<80xf32, #tpu.memory_space<hbm>>
    %dma_wait3A_134 = arith.constant 0 : i32
    %dma_wait3A_135 = tpu.memref_slice %arg6[%dma_wait3A_128, %dma_wait3A_134] : memref<250x80xf32, #tpu.memory_space<vmem>> -> memref<1x80xf32, #tpu.memory_space<vmem>>
    %dma_wait3A_136 = tpu.memref_squeeze %dma_wait3A_135 : memref<1x80xf32, #tpu.memory_space<vmem>> -> memref<80xf32, #tpu.memory_space<vmem>>
    %dma_wait3A_137 = arith.constant 0 : i32
    %dma_wait3A_138 = tpu.memref_slice %arg2[%dma_wait3A_137] : memref<10000xf32, #tpu.memory_space<hbm>> -> memref<80xf32, #tpu.memory_space<hbm>>
    tpu.wait_dma2 semaphore(%arg7 : memref<!tpu.dma_semaphore, #tpu.memory_space<semaphore_mem>>) src(%dma_wait3A_138 : memref<80xf32, #tpu.memory_space<hbm>>) dst(%dma_wait3A_136 : memref<80xf32, #tpu.memory_space<vmem>>)
    %dma_wait3A_139 = arith.constant 0 : i32
    %dma_wait3A_140 = arith.constant 0 : i32
    %dma_wait3A_141 = tpu.memref_slice %arg6[%dma_wait3A_139, %dma_wait3A_140] : memref<250x80xf32, #tpu.memory_space<vmem>> -> memref<1x80xf32, #tpu.memory_space<vmem>>
    %dma_wait3A_142 = tpu.memref_squeeze %dma_wait3A_141 : memref<1x80xf32, #tpu.memory_space<vmem>> -> memref<80xf32, #tpu.memory_space<vmem>>
    %dma_wait3A_143 = arith.constant 0 : i32
    %dma_wait3A_144 = tpu.memref_slice %arg2[%dma_wait3A_143] : memref<10000xf32, #tpu.memory_space<hbm>> -> memref<80xf32, #tpu.memory_space<hbm>>
    %dma_wait3A_145 = arith.constant 0 : i32
    %dma_wait3A_146 = tpu.memref_slice %arg6[%dma_wait3A_139, %dma_wait3A_145] : memref<250x80xf32, #tpu.memory_space<vmem>> -> memref<1x80xf32, #tpu.memory_space<vmem>>
    %dma_wait3A_147 = tpu.memref_squeeze %dma_wait3A_146 : memref<1x80xf32, #tpu.memory_space<vmem>> -> memref<80xf32, #tpu.memory_space<vmem>>
    %dma_wait3A_148 = arith.constant 0 : i32
    %dma_wait3A_149 = tpu.memref_slice %arg2[%dma_wait3A_148] : memref<10000xf32, #tpu.memory_space<hbm>> -> memref<80xf32, #tpu.memory_space<hbm>>
    tpu.wait_dma2 semaphore(%arg7 : memref<!tpu.dma_semaphore, #tpu.memory_space<semaphore_mem>>) src(%dma_wait3A_149 : memref<80xf32, #tpu.memory_space<hbm>>) dst(%dma_wait3A_147 : memref<80xf32, #tpu.memory_space<vmem>>)
    %dma_wait3A_150 = arith.constant 0 : i32
    %dma_wait3A_151 = arith.constant 0 : i32
    %dma_wait3A_152 = tpu.memref_slice %arg6[%dma_wait3A_150, %dma_wait3A_151] : memref<250x80xf32, #tpu.memory_space<vmem>> -> memref<1x80xf32, #tpu.memory_space<vmem>>
    %dma_wait3A_153 = tpu.memref_squeeze %dma_wait3A_152 : memref<1x80xf32, #tpu.memory_space<vmem>> -> memref<80xf32, #tpu.memory_space<vmem>>
    %dma_wait3A_154 = arith.constant 0 : i32
    %dma_wait3A_155 = tpu.memref_slice %arg2[%dma_wait3A_154] : memref<10000xf32, #tpu.memory_space<hbm>> -> memref<80xf32, #tpu.memory_space<hbm>>
    %dma_wait3A_156 = arith.constant 0 : i32
    %dma_wait3A_157 = tpu.memref_slice %arg6[%dma_wait3A_150, %dma_wait3A_156] : memref<250x80xf32, #tpu.memory_space<vmem>> -> memref<1x80xf32, #tpu.memory_space<vmem>>
    %dma_wait3A_158 = tpu.memref_squeeze %dma_wait3A_157 : memref<1x80xf32, #tpu.memory_space<vmem>> -> memref<80xf32, #tpu.memory_space<vmem>>
    %dma_wait3A_159 = arith.constant 0 : i32
    %dma_wait3A_160 = tpu.memref_slice %arg2[%dma_wait3A_159] : memref<10000xf32, #tpu.memory_space<hbm>> -> memref<80xf32, #tpu.memory_space<hbm>>
    tpu.wait_dma2 semaphore(%arg7 : memref<!tpu.dma_semaphore, #tpu.memory_space<semaphore_mem>>) src(%dma_wait3A_160 : memref<80xf32, #tpu.memory_space<hbm>>) dst(%dma_wait3A_158 : memref<80xf32, #tpu.memory_space<vmem>>)
    %dma_wait3A_161 = arith.constant 0 : i32
    %dma_wait3A_162 = arith.constant 0 : i32
    %dma_wait3A_163 = tpu.memref_slice %arg6[%dma_wait3A_161, %dma_wait3A_162] : memref<250x80xf32, #tpu.memory_space<vmem>> -> memref<1x80xf32, #tpu.memory_space<vmem>>
    %dma_wait3A_164 = tpu.memref_squeeze %dma_wait3A_163 : memref<1x80xf32, #tpu.memory_space<vmem>> -> memref<80xf32, #tpu.memory_space<vmem>>
    %dma_wait3A_165 = arith.constant 0 : i32
    %dma_wait3A_166 = tpu.memref_slice %arg2[%dma_wait3A_165] : memref<10000xf32, #tpu.memory_space<hbm>> -> memref<80xf32, #tpu.memory_space<hbm>>
    %dma_wait3A_167 = arith.constant 0 : i32
    %dma_wait3A_168 = tpu.memref_slice %arg6[%dma_wait3A_161, %dma_wait3A_167] : memref<250x80xf32, #tpu.memory_space<vmem>> -> memref<1x80xf32, #tpu.memory_space<vmem>>
    %dma_wait3A_169 = tpu.memref_squeeze %dma_wait3A_168 : memref<1x80xf32, #tpu.memory_space<vmem>> -> memref<80xf32, #tpu.memory_space<vmem>>
    %dma_wait3A_170 = arith.constant 0 : i32
    %dma_wait3A_171 = tpu.memref_slice %arg2[%dma_wait3A_170] : memref<10000xf32, #tpu.memory_space<hbm>> -> memref<80xf32, #tpu.memory_space<hbm>>
    tpu.wait_dma2 semaphore(%arg7 : memref<!tpu.dma_semaphore, #tpu.memory_space<semaphore_mem>>) src(%dma_wait3A_171 : memref<80xf32, #tpu.memory_space<hbm>>) dst(%dma_wait3A_169 : memref<80xf32, #tpu.memory_space<vmem>>)
    %dma_wait3A_172 = arith.constant 0 : i32
    %dma_wait3A_173 = arith.constant 0 : i32
    %dma_wait3A_174 = tpu.memref_slice %arg6[%dma_wait3A_172, %dma_wait3A_173] : memref<250x80xf32, #tpu.memory_space<vmem>> -> memref<1x80xf32, #tpu.memory_space<vmem>>
    %dma_wait3A_175 = tpu.memref_squeeze %dma_wait3A_174 : memref<1x80xf32, #tpu.memory_space<vmem>> -> memref<80xf32, #tpu.memory_space<vmem>>
    %dma_wait3A_176 = arith.constant 0 : i32
    %dma_wait3A_177 = tpu.memref_slice %arg2[%dma_wait3A_176] : memref<10000xf32, #tpu.memory_space<hbm>> -> memref<80xf32, #tpu.memory_space<hbm>>
    %dma_wait3A_178 = arith.constant 0 : i32
    %dma_wait3A_179 = tpu.memref_slice %arg6[%dma_wait3A_172, %dma_wait3A_178] : memref<250x80xf32, #tpu.memory_space<vmem>> -> memref<1x80xf32, #tpu.memory_space<vmem>>
    %dma_wait3A_180 = tpu.memref_squeeze %dma_wait3A_179 : memref<1x80xf32, #tpu.memory_space<vmem>> -> memref<80xf32, #tpu.memory_space<vmem>>
    %dma_wait3A_181 = arith.constant 0 : i32
    %dma_wait3A_182 = tpu.memref_slice %arg2[%dma_wait3A_181] : memref<10000xf32, #tpu.memory_space<hbm>> -> memref<80xf32, #tpu.memory_space<hbm>>
    tpu.wait_dma2 semaphore(%arg7 : memref<!tpu.dma_semaphore, #tpu.memory_space<semaphore_mem>>) src(%dma_wait3A_182 : memref<80xf32, #tpu.memory_space<hbm>>) dst(%dma_wait3A_180 : memref<80xf32, #tpu.memory_space<vmem>>)
    %dma_wait3A_183 = arith.constant 0 : i32
    %dma_wait3A_184 = arith.constant 0 : i32
    %dma_wait3A_185 = tpu.memref_slice %arg6[%dma_wait3A_183, %dma_wait3A_184] : memref<250x80xf32, #tpu.memory_space<vmem>> -> memref<1x80xf32, #tpu.memory_space<vmem>>
    %dma_wait3A_186 = tpu.memref_squeeze %dma_wait3A_185 : memref<1x80xf32, #tpu.memory_space<vmem>> -> memref<80xf32, #tpu.memory_space<vmem>>
    %dma_wait3A_187 = arith.constant 0 : i32
    %dma_wait3A_188 = tpu.memref_slice %arg2[%dma_wait3A_187] : memref<10000xf32, #tpu.memory_space<hbm>> -> memref<80xf32, #tpu.memory_space<hbm>>
    %dma_wait3A_189 = arith.constant 0 : i32
    %dma_wait3A_190 = tpu.memref_slice %arg6[%dma_wait3A_183, %dma_wait3A_189] : memref<250x80xf32, #tpu.memory_space<vmem>> -> memref<1x80xf32, #tpu.memory_space<vmem>>
    %dma_wait3A_191 = tpu.memref_squeeze %dma_wait3A_190 : memref<1x80xf32, #tpu.memory_space<vmem>> -> memref<80xf32, #tpu.memory_space<vmem>>
    %dma_wait3A_192 = arith.constant 0 : i32
    %dma_wait3A_193 = tpu.memref_slice %arg2[%dma_wait3A_192] : memref<10000xf32, #tpu.memory_space<hbm>> -> memref<80xf32, #tpu.memory_space<hbm>>
    tpu.wait_dma2 semaphore(%arg7 : memref<!tpu.dma_semaphore, #tpu.memory_space<semaphore_mem>>) src(%dma_wait3A_193 : memref<80xf32, #tpu.memory_space<hbm>>) dst(%dma_wait3A_191 : memref<80xf32, #tpu.memory_space<vmem>>)
    %dma_wait3A_194 = arith.constant 0 : i32
    %dma_wait3A_195 = arith.constant 0 : i32
    %dma_wait3A_196 = tpu.memref_slice %arg6[%dma_wait3A_194, %dma_wait3A_195] : memref<250x80xf32, #tpu.memory_space<vmem>> -> memref<1x80xf32, #tpu.memory_space<vmem>>
    %dma_wait3A_197 = tpu.memref_squeeze %dma_wait3A_196 : memref<1x80xf32, #tpu.memory_space<vmem>> -> memref<80xf32, #tpu.memory_space<vmem>>
    %dma_wait3A_198 = arith.constant 0 : i32
    %dma_wait3A_199 = tpu.memref_slice %arg2[%dma_wait3A_198] : memref<10000xf32, #tpu.memory_space<hbm>> -> memref<80xf32, #tpu.memory_space<hbm>>
    %dma_wait3A_200 = arith.constant 0 : i32
    %dma_wait3A_201 = tpu.memref_slice %arg6[%dma_wait3A_194, %dma_wait3A_200] : memref<250x80xf32, #tpu.memory_space<vmem>> -> memref<1x80xf32, #tpu.memory_space<vmem>>
    %dma_wait3A_202 = tpu.memref_squeeze %dma_wait3A_201 : memref<1x80xf32, #tpu.memory_space<vmem>> -> memref<80xf32, #tpu.memory_space<vmem>>
    %dma_wait3A_203 = arith.constant 0 : i32
    %dma_wait3A_204 = tpu.memref_slice %arg2[%dma_wait3A_203] : memref<10000xf32, #tpu.memory_space<hbm>> -> memref<80xf32, #tpu.memory_space<hbm>>
    tpu.wait_dma2 semaphore(%arg7 : memref<!tpu.dma_semaphore, #tpu.memory_space<semaphore_mem>>) src(%dma_wait3A_204 : memref<80xf32, #tpu.memory_space<hbm>>) dst(%dma_wait3A_202 : memref<80xf32, #tpu.memory_space<vmem>>)
    %dma_wait3A_205 = arith.constant 0 : i32
    %dma_wait3A_206 = arith.constant 0 : i32
    %dma_wait3A_207 = tpu.memref_slice %arg6[%dma_wait3A_205, %dma_wait3A_206] : memref<250x80xf32, #tpu.memory_space<vmem>> -> memref<1x80xf32, #tpu.memory_space<vmem>>
    %dma_wait3A_208 = tpu.memref_squeeze %dma_wait3A_207 : memref<1x80xf32, #tpu.memory_space<vmem>> -> memref<80xf32, #tpu.memory_space<vmem>>
    %dma_wait3A_209 = arith.constant 0 : i32
    %dma_wait3A_210 = tpu.memref_slice %arg2[%dma_wait3A_209] : memref<10000xf32, #tpu.memory_space<hbm>> -> memref<80xf32, #tpu.memory_space<hbm>>
    %dma_wait3A_211 = arith.constant 0 : i32
    %dma_wait3A_212 = tpu.memref_slice %arg6[%dma_wait3A_205, %dma_wait3A_211] : memref<250x80xf32, #tpu.memory_space<vmem>> -> memref<1x80xf32, #tpu.memory_space<vmem>>
    %dma_wait3A_213 = tpu.memref_squeeze %dma_wait3A_212 : memref<1x80xf32, #tpu.memory_space<vmem>> -> memref<80xf32, #tpu.memory_space<vmem>>
    %dma_wait3A_214 = arith.constant 0 : i32
    %dma_wait3A_215 = tpu.memref_slice %arg2[%dma_wait3A_214] : memref<10000xf32, #tpu.memory_space<hbm>> -> memref<80xf32, #tpu.memory_space<hbm>>
    tpu.wait_dma2 semaphore(%arg7 : memref<!tpu.dma_semaphore, #tpu.memory_space<semaphore_mem>>) src(%dma_wait3A_215 : memref<80xf32, #tpu.memory_space<hbm>>) dst(%dma_wait3A_213 : memref<80xf32, #tpu.memory_space<vmem>>)
    %dma_wait3A_216 = arith.constant 0 : i32
    %dma_wait3A_217 = arith.constant 0 : i32
    %dma_wait3A_218 = tpu.memref_slice %arg6[%dma_wait3A_216, %dma_wait3A_217] : memref<250x80xf32, #tpu.memory_space<vmem>> -> memref<1x80xf32, #tpu.memory_space<vmem>>
    %dma_wait3A_219 = tpu.memref_squeeze %dma_wait3A_218 : memref<1x80xf32, #tpu.memory_space<vmem>> -> memref<80xf32, #tpu.memory_space<vmem>>
    %dma_wait3A_220 = arith.constant 0 : i32
    %dma_wait3A_221 = tpu.memref_slice %arg2[%dma_wait3A_220] : memref<10000xf32, #tpu.memory_space<hbm>> -> memref<80xf32, #tpu.memory_space<hbm>>
    %dma_wait3A_222 = arith.constant 0 : i32
    %dma_wait3A_223 = tpu.memref_slice %arg6[%dma_wait3A_216, %dma_wait3A_222] : memref<250x80xf32, #tpu.memory_space<vmem>> -> memref<1x80xf32, #tpu.memory_space<vmem>>
    %dma_wait3A_224 = tpu.memref_squeeze %dma_wait3A_223 : memref<1x80xf32, #tpu.memory_space<vmem>> -> memref<80xf32, #tpu.memory_space<vmem>>
    %dma_wait3A_225 = arith.constant 0 : i32
    %dma_wait3A_226 = tpu.memref_slice %arg2[%dma_wait3A_225] : memref<10000xf32, #tpu.memory_space<hbm>> -> memref<80xf32, #tpu.memory_space<hbm>>
    tpu.wait_dma2 semaphore(%arg7 : memref<!tpu.dma_semaphore, #tpu.memory_space<semaphore_mem>>) src(%dma_wait3A_226 : memref<80xf32, #tpu.memory_space<hbm>>) dst(%dma_wait3A_224 : memref<80xf32, #tpu.memory_space<vmem>>)
    %dma_wait3A_227 = arith.constant 0 : i32
    %dma_wait3A_228 = arith.constant 0 : i32
    %dma_wait3A_229 = tpu.memref_slice %arg6[%dma_wait3A_227, %dma_wait3A_228] : memref<250x80xf32, #tpu.memory_space<vmem>> -> memref<1x80xf32, #tpu.memory_space<vmem>>
    %dma_wait3A_230 = tpu.memref_squeeze %dma_wait3A_229 : memref<1x80xf32, #tpu.memory_space<vmem>> -> memref<80xf32, #tpu.memory_space<vmem>>
    %dma_wait3A_231 = arith.constant 0 : i32
    %dma_wait3A_232 = tpu.memref_slice %arg2[%dma_wait3A_231] : memref<10000xf32, #tpu.memory_space<hbm>> -> memref<80xf32, #tpu.memory_space<hbm>>
    %dma_wait3A_233 = arith.constant 0 : i32
    %dma_wait3A_234 = tpu.memref_slice %arg6[%dma_wait3A_227, %dma_wait3A_233] : memref<250x80xf32, #tpu.memory_space<vmem>> -> memref<1x80xf32, #tpu.memory_space<vmem>>
    %dma_wait3A_235 = tpu.memref_squeeze %dma_wait3A_234 : memref<1x80xf32, #tpu.memory_space<vmem>> -> memref<80xf32, #tpu.memory_space<vmem>>
    %dma_wait3A_236 = arith.constant 0 : i32
    %dma_wait3A_237 = tpu.memref_slice %arg2[%dma_wait3A_236] : memref<10000xf32, #tpu.memory_space<hbm>> -> memref<80xf32, #tpu.memory_space<hbm>>
    tpu.wait_dma2 semaphore(%arg7 : memref<!tpu.dma_semaphore, #tpu.memory_space<semaphore_mem>>) src(%dma_wait3A_237 : memref<80xf32, #tpu.memory_space<hbm>>) dst(%dma_wait3A_235 : memref<80xf32, #tpu.memory_space<vmem>>)
    %dma_wait3A_238 = arith.constant 0 : i32
    %dma_wait3A_239 = arith.constant 0 : i32
    %dma_wait3A_240 = tpu.memref_slice %arg6[%dma_wait3A_238, %dma_wait3A_239] : memref<250x80xf32, #tpu.memory_space<vmem>> -> memref<1x80xf32, #tpu.memory_space<vmem>>
    %dma_wait3A_241 = tpu.memref_squeeze %dma_wait3A_240 : memref<1x80xf32, #tpu.memory_space<vmem>> -> memref<80xf32, #tpu.memory_space<vmem>>
    %dma_wait3A_242 = arith.constant 0 : i32
    %dma_wait3A_243 = tpu.memref_slice %arg2[%dma_wait3A_242] : memref<10000xf32, #tpu.memory_space<hbm>> -> memref<80xf32, #tpu.memory_space<hbm>>
    %dma_wait3A_244 = arith.constant 0 : i32
    %dma_wait3A_245 = tpu.memref_slice %arg6[%dma_wait3A_238, %dma_wait3A_244] : memref<250x80xf32, #tpu.memory_space<vmem>> -> memref<1x80xf32, #tpu.memory_space<vmem>>
    %dma_wait3A_246 = tpu.memref_squeeze %dma_wait3A_245 : memref<1x80xf32, #tpu.memory_space<vmem>> -> memref<80xf32, #tpu.memory_space<vmem>>
    %dma_wait3A_247 = arith.constant 0 : i32
    %dma_wait3A_248 = tpu.memref_slice %arg2[%dma_wait3A_247] : memref<10000xf32, #tpu.memory_space<hbm>> -> memref<80xf32, #tpu.memory_space<hbm>>
    tpu.wait_dma2 semaphore(%arg7 : memref<!tpu.dma_semaphore, #tpu.memory_space<semaphore_mem>>) src(%dma_wait3A_248 : memref<80xf32, #tpu.memory_space<hbm>>) dst(%dma_wait3A_246 : memref<80xf32, #tpu.memory_space<vmem>>)
    %dma_wait3A_249 = arith.constant 0 : i32
    %dma_wait3A_250 = arith.constant 0 : i32
    %dma_wait3A_251 = tpu.memref_slice %arg6[%dma_wait3A_249, %dma_wait3A_250] : memref<250x80xf32, #tpu.memory_space<vmem>> -> memref<1x80xf32, #tpu.memory_space<vmem>>
    %dma_wait3A_252 = tpu.memref_squeeze %dma_wait3A_251 : memref<1x80xf32, #tpu.memory_space<vmem>> -> memref<80xf32, #tpu.memory_space<vmem>>
    %dma_wait3A_253 = arith.constant 0 : i32
    %dma_wait3A_254 = tpu.memref_slice %arg2[%dma_wait3A_253] : memref<10000xf32, #tpu.memory_space<hbm>> -> memref<80xf32, #tpu.memory_space<hbm>>
    %dma_wait3A_255 = arith.constant 0 : i32
    %dma_wait3A_256 = tpu.memref_slice %arg6[%dma_wait3A_249, %dma_wait3A_255] : memref<250x80xf32, #tpu.memory_space<vmem>> -> memref<1x80xf32, #tpu.memory_space<vmem>>
    %dma_wait3A_257 = tpu.memref_squeeze %dma_wait3A_256 : memref<1x80xf32, #tpu.memory_space<vmem>> -> memref<80xf32, #tpu.memory_space<vmem>>
    %dma_wait3A_258 = arith.constant 0 : i32
    %dma_wait3A_259 = tpu.memref_slice %arg2[%dma_wait3A_258] : memref<10000xf32, #tpu.memory_space<hbm>> -> memref<80xf32, #tpu.memory_space<hbm>>
    tpu.wait_dma2 semaphore(%arg7 : memref<!tpu.dma_semaphore, #tpu.memory_space<semaphore_mem>>) src(%dma_wait3A_259 : memref<80xf32, #tpu.memory_space<hbm>>) dst(%dma_wait3A_257 : memref<80xf32, #tpu.memory_space<vmem>>)
    %dma_wait3A_260 = arith.constant 0 : i32
    %dma_wait3A_261 = arith.constant 0 : i32
    %dma_wait3A_262 = tpu.memref_slice %arg6[%dma_wait3A_260, %dma_wait3A_261] : memref<250x80xf32, #tpu.memory_space<vmem>> -> memref<1x80xf32, #tpu.memory_space<vmem>>
    %dma_wait3A_263 = tpu.memref_squeeze %dma_wait3A_262 : memref<1x80xf32, #tpu.memory_space<vmem>> -> memref<80xf32, #tpu.memory_space<vmem>>
    %dma_wait3A_264 = arith.constant 0 : i32
    %dma_wait3A_265 = tpu.memref_slice %arg2[%dma_wait3A_264] : memref<10000xf32, #tpu.memory_space<hbm>> -> memref<80xf32, #tpu.memory_space<hbm>>
    %dma_wait3A_266 = arith.constant 0 : i32
    %dma_wait3A_267 = tpu.memref_slice %arg6[%dma_wait3A_260, %dma_wait3A_266] : memref<250x80xf32, #tpu.memory_space<vmem>> -> memref<1x80xf32, #tpu.memory_space<vmem>>
    %dma_wait3A_268 = tpu.memref_squeeze %dma_wait3A_267 : memref<1x80xf32, #tpu.memory_space<vmem>> -> memref<80xf32, #tpu.memory_space<vmem>>
    %dma_wait3A_269 = arith.constant 0 : i32
    %dma_wait3A_270 = tpu.memref_slice %arg2[%dma_wait3A_269] : memref<10000xf32, #tpu.memory_space<hbm>> -> memref<80xf32, #tpu.memory_space<hbm>>
    tpu.wait_dma2 semaphore(%arg7 : memref<!tpu.dma_semaphore, #tpu.memory_space<semaphore_mem>>) src(%dma_wait3A_270 : memref<80xf32, #tpu.memory_space<hbm>>) dst(%dma_wait3A_268 : memref<80xf32, #tpu.memory_space<vmem>>)
    %dma_wait3A_271 = arith.constant 0 : i32
    %dma_wait3A_272 = arith.constant 0 : i32
    %dma_wait3A_273 = tpu.memref_slice %arg6[%dma_wait3A_271, %dma_wait3A_272] : memref<250x80xf32, #tpu.memory_space<vmem>> -> memref<1x80xf32, #tpu.memory_space<vmem>>
    %dma_wait3A_274 = tpu.memref_squeeze %dma_wait3A_273 : memref<1x80xf32, #tpu.memory_space<vmem>> -> memref<80xf32, #tpu.memory_space<vmem>>
    %dma_wait3A_275 = arith.constant 0 : i32
    %dma_wait3A_276 = tpu.memref_slice %arg2[%dma_wait3A_275] : memref<10000xf32, #tpu.memory_space<hbm>> -> memref<80xf32, #tpu.memory_space<hbm>>
    %dma_wait3A_277 = arith.constant 0 : i32
    %dma_wait3A_278 = tpu.memref_slice %arg6[%dma_wait3A_271, %dma_wait3A_277] : memref<250x80xf32, #tpu.memory_space<vmem>> -> memref<1x80xf32, #tpu.memory_space<vmem>>
    %dma_wait3A_279 = tpu.memref_squeeze %dma_wait3A_278 : memref<1x80xf32, #tpu.memory_space<vmem>> -> memref<80xf32, #tpu.memory_space<vmem>>
    %dma_wait3A_280 = arith.constant 0 : i32
    %dma_wait3A_281 = tpu.memref_slice %arg2[%dma_wait3A_280] : memref<10000xf32, #tpu.memory_space<hbm>> -> memref<80xf32, #tpu.memory_space<hbm>>
    tpu.wait_dma2 semaphore(%arg7 : memref<!tpu.dma_semaphore, #tpu.memory_space<semaphore_mem>>) src(%dma_wait3A_281 : memref<80xf32, #tpu.memory_space<hbm>>) dst(%dma_wait3A_279 : memref<80xf32, #tpu.memory_space<vmem>>)
    %dma_wait3A_282 = arith.constant 0 : i32
    %dma_wait3A_283 = arith.constant 0 : i32
    %dma_wait3A_284 = tpu.memref_slice %arg6[%dma_wait3A_282, %dma_wait3A_283] : memref<250x80xf32, #tpu.memory_space<vmem>> -> memref<1x80xf32, #tpu.memory_space<vmem>>
    %dma_wait3A_285 = tpu.memref_squeeze %dma_wait3A_284 : memref<1x80xf32, #tpu.memory_space<vmem>> -> memref<80xf32, #tpu.memory_space<vmem>>
    %dma_wait3A_286 = arith.constant 0 : i32
    %dma_wait3A_287 = tpu.memref_slice %arg2[%dma_wait3A_286] : memref<10000xf32, #tpu.memory_space<hbm>> -> memref<80xf32, #tpu.memory_space<hbm>>
    %dma_wait3A_288 = arith.constant 0 : i32
    %dma_wait3A_289 = tpu.memref_slice %arg6[%dma_wait3A_282, %dma_wait3A_288] : memref<250x80xf32, #tpu.memory_space<vmem>> -> memref<1x80xf32, #tpu.memory_space<vmem>>
    %dma_wait3A_290 = tpu.memref_squeeze %dma_wait3A_289 : memref<1x80xf32, #tpu.memory_space<vmem>> -> memref<80xf32, #tpu.memory_space<vmem>>
    %dma_wait3A_291 = arith.constant 0 : i32
    %dma_wait3A_292 = tpu.memref_slice %arg2[%dma_wait3A_291] : memref<10000xf32, #tpu.memory_space<hbm>> -> memref<80xf32, #tpu.memory_space<hbm>>
    tpu.wait_dma2 semaphore(%arg7 : memref<!tpu.dma_semaphore, #tpu.memory_space<semaphore_mem>>) src(%dma_wait3A_292 : memref<80xf32, #tpu.memory_space<hbm>>) dst(%dma_wait3A_290 : memref<80xf32, #tpu.memory_space<vmem>>)
    %dma_wait3A_293 = arith.constant 0 : i32
    %dma_wait3A_294 = arith.constant 0 : i32
    %dma_wait3A_295 = tpu.memref_slice %arg6[%dma_wait3A_293, %dma_wait3A_294] : memref<250x80xf32, #tpu.memory_space<vmem>> -> memref<1x80xf32, #tpu.memory_space<vmem>>
    %dma_wait3A_296 = tpu.memref_squeeze %dma_wait3A_295 : memref<1x80xf32, #tpu.memory_space<vmem>> -> memref<80xf32, #tpu.memory_space<vmem>>
    %dma_wait3A_297 = arith.constant 0 : i32
    %dma_wait3A_298 = tpu.memref_slice %arg2[%dma_wait3A_297] : memref<10000xf32, #tpu.memory_space<hbm>> -> memref<80xf32, #tpu.memory_space<hbm>>
    %dma_wait3A_299 = arith.constant 0 : i32
    %dma_wait3A_300 = tpu.memref_slice %arg6[%dma_wait3A_293, %dma_wait3A_299] : memref<250x80xf32, #tpu.memory_space<vmem>> -> memref<1x80xf32, #tpu.memory_space<vmem>>
    %dma_wait3A_301 = tpu.memref_squeeze %dma_wait3A_300 : memref<1x80xf32, #tpu.memory_space<vmem>> -> memref<80xf32, #tpu.memory_space<vmem>>
    %dma_wait3A_302 = arith.constant 0 : i32
    %dma_wait3A_303 = tpu.memref_slice %arg2[%dma_wait3A_302] : memref<10000xf32, #tpu.memory_space<hbm>> -> memref<80xf32, #tpu.memory_space<hbm>>
    tpu.wait_dma2 semaphore(%arg7 : memref<!tpu.dma_semaphore, #tpu.memory_space<semaphore_mem>>) src(%dma_wait3A_303 : memref<80xf32, #tpu.memory_space<hbm>>) dst(%dma_wait3A_301 : memref<80xf32, #tpu.memory_space<vmem>>)
    %dma_wait3A_304 = arith.constant 0 : i32
    %dma_wait3A_305 = arith.constant 0 : i32
    %dma_wait3A_306 = tpu.memref_slice %arg6[%dma_wait3A_304, %dma_wait3A_305] : memref<250x80xf32, #tpu.memory_space<vmem>> -> memref<1x80xf32, #tpu.memory_space<vmem>>
    %dma_wait3A_307 = tpu.memref_squeeze %dma_wait3A_306 : memref<1x80xf32, #tpu.memory_space<vmem>> -> memref<80xf32, #tpu.memory_space<vmem>>
    %dma_wait3A_308 = arith.constant 0 : i32
    %dma_wait3A_309 = tpu.memref_slice %arg2[%dma_wait3A_308] : memref<10000xf32, #tpu.memory_space<hbm>> -> memref<80xf32, #tpu.memory_space<hbm>>
    %dma_wait3A_310 = arith.constant 0 : i32
    %dma_wait3A_311 = tpu.memref_slice %arg6[%dma_wait3A_304, %dma_wait3A_310] : memref<250x80xf32, #tpu.memory_space<vmem>> -> memref<1x80xf32, #tpu.memory_space<vmem>>
    %dma_wait3A_312 = tpu.memref_squeeze %dma_wait3A_311 : memref<1x80xf32, #tpu.memory_space<vmem>> -> memref<80xf32, #tpu.memory_space<vmem>>
    %dma_wait3A_313 = arith.constant 0 : i32
    %dma_wait3A_314 = tpu.memref_slice %arg2[%dma_wait3A_313] : memref<10000xf32, #tpu.memory_space<hbm>> -> memref<80xf32, #tpu.memory_space<hbm>>
    tpu.wait_dma2 semaphore(%arg7 : memref<!tpu.dma_semaphore, #tpu.memory_space<semaphore_mem>>) src(%dma_wait3A_314 : memref<80xf32, #tpu.memory_space<hbm>>) dst(%dma_wait3A_312 : memref<80xf32, #tpu.memory_space<vmem>>)
    %dma_wait3A_315 = arith.constant 0 : i32
    %dma_wait3A_316 = arith.constant 0 : i32
    %dma_wait3A_317 = tpu.memref_slice %arg6[%dma_wait3A_315, %dma_wait3A_316] : memref<250x80xf32, #tpu.memory_space<vmem>> -> memref<1x80xf32, #tpu.memory_space<vmem>>
    %dma_wait3A_318 = tpu.memref_squeeze %dma_wait3A_317 : memref<1x80xf32, #tpu.memory_space<vmem>> -> memref<80xf32, #tpu.memory_space<vmem>>
    %dma_wait3A_319 = arith.constant 0 : i32
    %dma_wait3A_320 = tpu.memref_slice %arg2[%dma_wait3A_319] : memref<10000xf32, #tpu.memory_space<hbm>> -> memref<80xf32, #tpu.memory_space<hbm>>
    %dma_wait3A_321 = arith.constant 0 : i32
    %dma_wait3A_322 = tpu.memref_slice %arg6[%dma_wait3A_315, %dma_wait3A_321] : memref<250x80xf32, #tpu.memory_space<vmem>> -> memref<1x80xf32, #tpu.memory_space<vmem>>
    %dma_wait3A_323 = tpu.memref_squeeze %dma_wait3A_322 : memref<1x80xf32, #tpu.memory_space<vmem>> -> memref<80xf32, #tpu.memory_space<vmem>>
    %dma_wait3A_324 = arith.constant 0 : i32
    %dma_wait3A_325 = tpu.memref_slice %arg2[%dma_wait3A_324] : memref<10000xf32, #tpu.memory_space<hbm>> -> memref<80xf32, #tpu.memory_space<hbm>>
    tpu.wait_dma2 semaphore(%arg7 : memref<!tpu.dma_semaphore, #tpu.memory_space<semaphore_mem>>) src(%dma_wait3A_325 : memref<80xf32, #tpu.memory_space<hbm>>) dst(%dma_wait3A_323 : memref<80xf32, #tpu.memory_space<vmem>>)
    %dma_wait3A_326 = arith.constant 0 : i32
    %dma_wait3A_327 = arith.constant 0 : i32
    %dma_wait3A_328 = tpu.memref_slice %arg6[%dma_wait3A_326, %dma_wait3A_327] : memref<250x80xf32, #tpu.memory_space<vmem>> -> memref<1x80xf32, #tpu.memory_space<vmem>>
    %dma_wait3A_329 = tpu.memref_squeeze %dma_wait3A_328 : memref<1x80xf32, #tpu.memory_space<vmem>> -> memref<80xf32, #tpu.memory_space<vmem>>
    %dma_wait3A_330 = arith.constant 0 : i32
    %dma_wait3A_331 = tpu.memref_slice %arg2[%dma_wait3A_330] : memref<10000xf32, #tpu.memory_space<hbm>> -> memref<80xf32, #tpu.memory_space<hbm>>
    %dma_wait3A_332 = arith.constant 0 : i32
    %dma_wait3A_333 = tpu.memref_slice %arg6[%dma_wait3A_326, %dma_wait3A_332] : memref<250x80xf32, #tpu.memory_space<vmem>> -> memref<1x80xf32, #tpu.memory_space<vmem>>
    %dma_wait3A_334 = tpu.memref_squeeze %dma_wait3A_333 : memref<1x80xf32, #tpu.memory_space<vmem>> -> memref<80xf32, #tpu.memory_space<vmem>>
    %dma_wait3A_335 = arith.constant 0 : i32
    %dma_wait3A_336 = tpu.memref_slice %arg2[%dma_wait3A_335] : memref<10000xf32, #tpu.memory_space<hbm>> -> memref<80xf32, #tpu.memory_space<hbm>>
    tpu.wait_dma2 semaphore(%arg7 : memref<!tpu.dma_semaphore, #tpu.memory_space<semaphore_mem>>) src(%dma_wait3A_336 : memref<80xf32, #tpu.memory_space<hbm>>) dst(%dma_wait3A_334 : memref<80xf32, #tpu.memory_space<vmem>>)
    %dma_wait3A_337 = arith.constant 0 : i32
    %dma_wait3A_338 = arith.constant 0 : i32
    %dma_wait3A_339 = tpu.memref_slice %arg6[%dma_wait3A_337, %dma_wait3A_338] : memref<250x80xf32, #tpu.memory_space<vmem>> -> memref<1x80xf32, #tpu.memory_space<vmem>>
    %dma_wait3A_340 = tpu.memref_squeeze %dma_wait3A_339 : memref<1x80xf32, #tpu.memory_space<vmem>> -> memref<80xf32, #tpu.memory_space<vmem>>
    %dma_wait3A_341 = arith.constant 0 : i32
    %dma_wait3A_342 = tpu.memref_slice %arg2[%dma_wait3A_341] : memref<10000xf32, #tpu.memory_space<hbm>> -> memref<80xf32, #tpu.memory_space<hbm>>
    %dma_wait3A_343 = arith.constant 0 : i32
    %dma_wait3A_344 = tpu.memref_slice %arg6[%dma_wait3A_337, %dma_wait3A_343] : memref<250x80xf32, #tpu.memory_space<vmem>> -> memref<1x80xf32, #tpu.memory_space<vmem>>
    %dma_wait3A_345 = tpu.memref_squeeze %dma_wait3A_344 : memref<1x80xf32, #tpu.memory_space<vmem>> -> memref<80xf32, #tpu.memory_space<vmem>>
    %dma_wait3A_346 = arith.constant 0 : i32
    %dma_wait3A_347 = tpu.memref_slice %arg2[%dma_wait3A_346] : memref<10000xf32, #tpu.memory_space<hbm>> -> memref<80xf32, #tpu.memory_space<hbm>>
    tpu.wait_dma2 semaphore(%arg7 : memref<!tpu.dma_semaphore, #tpu.memory_space<semaphore_mem>>) src(%dma_wait3A_347 : memref<80xf32, #tpu.memory_space<hbm>>) dst(%dma_wait3A_345 : memref<80xf32, #tpu.memory_space<vmem>>)
    %dma_wait3A_348 = arith.constant 0 : i32
    %dma_wait3A_349 = arith.constant 0 : i32
    %dma_wait3A_350 = tpu.memref_slice %arg6[%dma_wait3A_348, %dma_wait3A_349] : memref<250x80xf32, #tpu.memory_space<vmem>> -> memref<1x80xf32, #tpu.memory_space<vmem>>
    %dma_wait3A_351 = tpu.memref_squeeze %dma_wait3A_350 : memref<1x80xf32, #tpu.memory_space<vmem>> -> memref<80xf32, #tpu.memory_space<vmem>>
    %dma_wait3A_352 = arith.constant 0 : i32
    %dma_wait3A_353 = tpu.memref_slice %arg2[%dma_wait3A_352] : memref<10000xf32, #tpu.memory_space<hbm>> -> memref<80xf32, #tpu.memory_space<hbm>>
    %dma_wait3A_354 = arith.constant 0 : i32
    %dma_wait3A_355 = tpu.memref_slice %arg6[%dma_wait3A_348, %dma_wait3A_354] : memref<250x80xf32, #tpu.memory_space<vmem>> -> memref<1x80xf32, #tpu.memory_space<vmem>>
    %dma_wait3A_356 = tpu.memref_squeeze %dma_wait3A_355 : memref<1x80xf32, #tpu.memory_space<vmem>> -> memref<80xf32, #tpu.memory_space<vmem>>
    %dma_wait3A_357 = arith.constant 0 : i32
    %dma_wait3A_358 = tpu.memref_slice %arg2[%dma_wait3A_357] : memref<10000xf32, #tpu.memory_space<hbm>> -> memref<80xf32, #tpu.memory_space<hbm>>
    tpu.wait_dma2 semaphore(%arg7 : memref<!tpu.dma_semaphore, #tpu.memory_space<semaphore_mem>>) src(%dma_wait3A_358 : memref<80xf32, #tpu.memory_space<hbm>>) dst(%dma_wait3A_356 : memref<80xf32, #tpu.memory_space<vmem>>)
    "tpu.region"() ({
      %run_scoped3A = tpu.sem_alloc : memref<!tpu.dma_semaphore, #tpu.memory_space<semaphore_mem>>
      %dma_start3A = arith.constant 0 : i32
      %dma_start3A_359 = arith.constant 0 : i32
      %dma_start3A_360 = tpu.memref_slice %arg4[%add3A, %dma_start3A, %dma_start3A_359] : memref<32x250x80xf32, #tpu.memory_space<hbm>> -> memref<1x250x80xf32, #tpu.memory_space<hbm>>
      %dma_start3A_361 = tpu.memref_squeeze %dma_start3A_360 : memref<1x250x80xf32, #tpu.memory_space<hbm>> -> memref<250x80xf32, #tpu.memory_space<hbm>>
      %dma_start3A_362 = arith.constant 0 : i32
      %dma_start3A_363 = arith.constant 0 : i32
      %dma_start3A_364 = tpu.memref_slice %arg4[%add3A, %dma_start3A_362, %dma_start3A_363] : memref<32x250x80xf32, #tpu.memory_space<hbm>> -> memref<1x250x80xf32, #tpu.memory_space<hbm>>
      %dma_start3A_365 = tpu.memref_squeeze %dma_start3A_364 : memref<1x250x80xf32, #tpu.memory_space<hbm>> -> memref<250x80xf32, #tpu.memory_space<hbm>>
      tpu.enqueue_dma source(%arg6 : memref<250x80xf32, #tpu.memory_space<vmem>>) target(%dma_start3A_365 : memref<250x80xf32, #tpu.memory_space<hbm>>) target_semaphore(%run_scoped3A : memref<!tpu.dma_semaphore, #tpu.memory_space<semaphore_mem>>)
      %dma_wait3A_366 = arith.constant 0 : i32
      %dma_wait3A_367 = arith.constant 0 : i32
      %dma_wait3A_368 = tpu.memref_slice %arg4[%add3A, %dma_wait3A_366, %dma_wait3A_367] : memref<32x250x80xf32, #tpu.memory_space<hbm>> -> memref<1x250x80xf32, #tpu.memory_space<hbm>>
      %dma_wait3A_369 = tpu.memref_squeeze %dma_wait3A_368 : memref<1x250x80xf32, #tpu.memory_space<hbm>> -> memref<250x80xf32, #tpu.memory_space<hbm>>
      %dma_wait3A_370 = arith.constant 0 : i32
      %dma_wait3A_371 = arith.constant 0 : i32
      %dma_wait3A_372 = tpu.memref_slice %arg4[%add3A, %dma_wait3A_370, %dma_wait3A_371] : memref<32x250x80xf32, #tpu.memory_space<hbm>> -> memref<1x250x80xf32, #tpu.memory_space<hbm>>
      %dma_wait3A_373 = tpu.memref_squeeze %dma_wait3A_372 : memref<1x250x80xf32, #tpu.memory_space<hbm>> -> memref<250x80xf32, #tpu.memory_space<hbm>>
      tpu.wait_dma2 semaphore(%run_scoped3A : memref<!tpu.dma_semaphore, #tpu.memory_space<semaphore_mem>>) src(%arg6 : memref<250x80xf32, #tpu.memory_space<vmem>>) dst(%dma_wait3A_373 : memref<250x80xf32, #tpu.memory_space<hbm>>)
      tpu.yield
    }) : () -> ()
    return
  }
}

#map = affine_map<(d0, d1) -> (0, 0)>
#map1 = affine_map<(d0, d1) -> (0, 0, 0)>
module attributes {stable_mosaic.version = 14 : i64} {
  func.func @_agg_body(%arg0: i32, %arg1: i32, %arg2: memref<10000x112xf32, #tpu.memory_space<hbm>>, %arg3: memref<32x250x80xi32, #tpu.memory_space<hbm>>, %arg4: memref<32x250x80xi32, #tpu.memory_space<hbm>>, %arg5: memref<2x10000x112xf32, #tpu.memory_space<hbm>>, %arg6: memref<80x112xf32, #tpu.memory_space<vmem>>, %arg7: memref<80x112xf32, #tpu.memory_space<vmem>>, %arg8: memref<80x112xf32, #tpu.memory_space<vmem>>, %arg9: memref<80x112xf32, #tpu.memory_space<vmem>>, %arg10: memref<80x112xf32, #tpu.memory_space<vmem>>, %arg11: memref<80xi32, #tpu.memory_space<vmem>>, %arg12: memref<80xi32, #tpu.memory_space<vmem>>, %arg13: memref<80xi32, #tpu.memory_space<vmem>>, %arg14: memref<80xi32, #tpu.memory_space<vmem>>, %arg15: memref<80xi32, #tpu.memory_space<vmem>>, %arg16: memref<80xi32, #tpu.memory_space<vmem>>, %arg17: memref<80xi32, #tpu.memory_space<vmem>>, %arg18: memref<80xi32, #tpu.memory_space<vmem>>, %arg19: memref<80xi32, #tpu.memory_space<vmem>>, %arg20: memref<80xi32, #tpu.memory_space<vmem>>, %arg21: memref<!tpu.dma_semaphore, #tpu.memory_space<semaphore_mem>>, %arg22: memref<!tpu.dma_semaphore, #tpu.memory_space<semaphore_mem>>, %arg23: memref<!tpu.dma_semaphore, #tpu.memory_space<semaphore_mem>>, %arg24: memref<!tpu.dma_semaphore, #tpu.memory_space<semaphore_mem>>, %arg25: memref<!tpu.dma_semaphore, #tpu.memory_space<semaphore_mem>>, %arg26: memref<!tpu.dma_semaphore, #tpu.memory_space<semaphore_mem>>, %arg27: memref<!tpu.dma_semaphore, #tpu.memory_space<semaphore_mem>>, %arg28: memref<!tpu.dma_semaphore, #tpu.memory_space<semaphore_mem>>, %arg29: memref<!tpu.dma_semaphore, #tpu.memory_space<semaphore_mem>>, %arg30: memref<!tpu.dma_semaphore, #tpu.memory_space<semaphore_mem>>, %arg31: memref<!tpu.dma_semaphore, #tpu.memory_space<semaphore_mem>>, %arg32: memref<!tpu.dma_semaphore, #tpu.memory_space<semaphore_mem>>, %arg33: memref<!tpu.dma_semaphore, #tpu.memory_space<semaphore_mem>>, %arg34: memref<!tpu.dma_semaphore, #tpu.memory_space<semaphore_mem>>, %arg35: memref<!tpu.dma_semaphore, #tpu.memory_space<semaphore_mem>>, %arg36: memref<!tpu.dma_semaphore, #tpu.memory_space<semaphore_mem>>, %arg37: memref<!tpu.dma_semaphore, #tpu.memory_space<semaphore_mem>>, %arg38: memref<!tpu.dma_semaphore, #tpu.memory_space<semaphore_mem>>, %arg39: memref<!tpu.dma_semaphore, #tpu.memory_space<semaphore_mem>>, %arg40: memref<!tpu.dma_semaphore, #tpu.memory_space<semaphore_mem>>, %arg41: memref<10000x112xf32, #tpu.memory_space<vmem_shared>>) attributes {dimension_semantics = [#tpu.dimension_semantics<core_parallel>, #tpu.dimension_semantics<subcore_parallel>], iteration_bounds = array<i64: 2, 16>, scalar_prefetch = 0 : i64, scratch_operands = 36 : i64, tpu.core_type = #tpu.core_type<sc_vector_subcore>, window_params = [{transform_indices = #map}, {transform_indices = #map1}, {transform_indices = #map1}, {transform_indices = #map1}]} {
    %mul3A = arith.constant 2 : i32
    %mul3A_0 = arith.muli %arg1, %mul3A : i32
    %add3A = arith.addi %mul3A_0, %arg0 : i32
    %scan3A = arith.constant 0 : i32
    %scan3A_1 = arith.constant 0 : i32
    %scan3A_2 = arith.constant 80 : i32
    %scan3A_3 = arith.addi %scan3A_1, %scan3A_2 : i32
    %scan3A_4 = arith.constant 1 : i32
    scf.for %scan3A_279 = %scan3A_1 to %scan3A_3 step %scan3A_4  : i32 {
      %broadcast_in_dim3A = arith.constant 0.000000e+00 : f32
      %broadcast_in_dim3A_280 = vector.broadcast %broadcast_in_dim3A : f32 to vector<16xf32>
      %swap3A = arith.index_cast %scan3A_279 : i32 to index
      %swap3A_281 = arith.constant 0 : index
      %swap3A_282 = tpu.vector_load %arg6[%swap3A, %swap3A_281] {strides = array<i32>} : memref<80x112xf32, #tpu.memory_space<vmem>>, vector<1x16xf32>,
      %swap3A_283 = vector.shape_cast %swap3A_282 : vector<1x16xf32> to vector<16xf32>
      %swap3A_284 = vector.shape_cast %broadcast_in_dim3A_280 : vector<16xf32> to vector<1x16xf32>
      tpu.vector_store %arg6[%swap3A, %swap3A_281], %swap3A_284 {strides = array<i32>} : memref<80x112xf32, #tpu.memory_space<vmem>>, vector<1x16xf32>,
      %broadcast_in_dim3A_285 = arith.constant 0.000000e+00 : f32
      %broadcast_in_dim3A_286 = vector.broadcast %broadcast_in_dim3A_285 : f32 to vector<16xf32>
      %swap3A_287 = arith.index_cast %scan3A_279 : i32 to index
      %swap3A_288 = arith.constant 16 : index
      %swap3A_289 = tpu.vector_load %arg6[%swap3A_287, %swap3A_288] {strides = array<i32>} : memref<80x112xf32, #tpu.memory_space<vmem>>, vector<1x16xf32>,
      %swap3A_290 = vector.shape_cast %swap3A_289 : vector<1x16xf32> to vector<16xf32>
      %swap3A_291 = vector.shape_cast %broadcast_in_dim3A_286 : vector<16xf32> to vector<1x16xf32>
      tpu.vector_store %arg6[%swap3A_287, %swap3A_288], %swap3A_291 {strides = array<i32>} : memref<80x112xf32, #tpu.memory_space<vmem>>, vector<1x16xf32>,
      %broadcast_in_dim3A_292 = arith.constant 0.000000e+00 : f32
      %broadcast_in_dim3A_293 = vector.broadcast %broadcast_in_dim3A_292 : f32 to vector<16xf32>
      %swap3A_294 = arith.index_cast %scan3A_279 : i32 to index
      %swap3A_295 = arith.constant 32 : index
      %swap3A_296 = tpu.vector_load %arg6[%swap3A_294, %swap3A_295] {strides = array<i32>} : memref<80x112xf32, #tpu.memory_space<vmem>>, vector<1x16xf32>,
      %swap3A_297 = vector.shape_cast %swap3A_296 : vector<1x16xf32> to vector<16xf32>
      %swap3A_298 = vector.shape_cast %broadcast_in_dim3A_293 : vector<16xf32> to vector<1x16xf32>
      tpu.vector_store %arg6[%swap3A_294, %swap3A_295], %swap3A_298 {strides = array<i32>} : memref<80x112xf32, #tpu.memory_space<vmem>>, vector<1x16xf32>,
      %broadcast_in_dim3A_299 = arith.constant 0.000000e+00 : f32
      %broadcast_in_dim3A_300 = vector.broadcast %broadcast_in_dim3A_299 : f32 to vector<16xf32>
      %swap3A_301 = arith.index_cast %scan3A_279 : i32 to index
      %swap3A_302 = arith.constant 48 : index
      %swap3A_303 = tpu.vector_load %arg6[%swap3A_301, %swap3A_302] {strides = array<i32>} : memref<80x112xf32, #tpu.memory_space<vmem>>, vector<1x16xf32>,
      %swap3A_304 = vector.shape_cast %swap3A_303 : vector<1x16xf32> to vector<16xf32>
      %swap3A_305 = vector.shape_cast %broadcast_in_dim3A_300 : vector<16xf32> to vector<1x16xf32>
      tpu.vector_store %arg6[%swap3A_301, %swap3A_302], %swap3A_305 {strides = array<i32>} : memref<80x112xf32, #tpu.memory_space<vmem>>, vector<1x16xf32>,
      %broadcast_in_dim3A_306 = arith.constant 0.000000e+00 : f32
      %broadcast_in_dim3A_307 = vector.broadcast %broadcast_in_dim3A_306 : f32 to vector<16xf32>
      %swap3A_308 = arith.index_cast %scan3A_279 : i32 to index
      %swap3A_309 = arith.constant 64 : index
      %swap3A_310 = tpu.vector_load %arg6[%swap3A_308, %swap3A_309] {strides = array<i32>} : memref<80x112xf32, #tpu.memory_space<vmem>>, vector<1x16xf32>,
      %swap3A_311 = vector.shape_cast %swap3A_310 : vector<1x16xf32> to vector<16xf32>
      %swap3A_312 = vector.shape_cast %broadcast_in_dim3A_307 : vector<16xf32> to vector<1x16xf32>
      tpu.vector_store %arg6[%swap3A_308, %swap3A_309], %swap3A_312 {strides = array<i32>} : memref<80x112xf32, #tpu.memory_space<vmem>>, vector<1x16xf32>,
      %broadcast_in_dim3A_313 = arith.constant 0.000000e+00 : f32
      %broadcast_in_dim3A_314 = vector.broadcast %broadcast_in_dim3A_313 : f32 to vector<16xf32>
      %swap3A_315 = arith.index_cast %scan3A_279 : i32 to index
      %swap3A_316 = arith.constant 80 : index
      %swap3A_317 = tpu.vector_load %arg6[%swap3A_315, %swap3A_316] {strides = array<i32>} : memref<80x112xf32, #tpu.memory_space<vmem>>, vector<1x16xf32>,
      %swap3A_318 = vector.shape_cast %swap3A_317 : vector<1x16xf32> to vector<16xf32>
      %swap3A_319 = vector.shape_cast %broadcast_in_dim3A_314 : vector<16xf32> to vector<1x16xf32>
      tpu.vector_store %arg6[%swap3A_315, %swap3A_316], %swap3A_319 {strides = array<i32>} : memref<80x112xf32, #tpu.memory_space<vmem>>, vector<1x16xf32>,
      %broadcast_in_dim3A_320 = arith.constant 0.000000e+00 : f32
      %broadcast_in_dim3A_321 = vector.broadcast %broadcast_in_dim3A_320 : f32 to vector<16xf32>
      %swap3A_322 = arith.index_cast %scan3A_279 : i32 to index
      %swap3A_323 = arith.constant 96 : index
      %swap3A_324 = tpu.vector_load %arg6[%swap3A_322, %swap3A_323] {strides = array<i32>} : memref<80x112xf32, #tpu.memory_space<vmem>>, vector<1x16xf32>,
      %swap3A_325 = vector.shape_cast %swap3A_324 : vector<1x16xf32> to vector<16xf32>
      %swap3A_326 = vector.shape_cast %broadcast_in_dim3A_321 : vector<16xf32> to vector<1x16xf32>
      tpu.vector_store %arg6[%swap3A_322, %swap3A_323], %swap3A_326 {strides = array<i32>} : memref<80x112xf32, #tpu.memory_space<vmem>>, vector<1x16xf32>,
    }
    %scan3A_5 = arith.constant 80 : i32
    %mul3A_6 = arith.constant 625 : i32
    %mul3A_7 = arith.muli %arg1, %mul3A_6 : i32
    %add3A_8 = arith.constant 0 : i32
    %add3A_9 = arith.addi %mul3A_7, %add3A_8 : i32
    %dma_start3A = arith.constant 0 : i32
    %dma_start3A_10 = tpu.memref_slice %arg41[%add3A_9, %dma_start3A] : memref<10000x112xf32, #tpu.memory_space<vmem_shared>> -> memref<80x112xf32, #tpu.memory_space<vmem_shared>>
    %dma_start3A_11 = arith.constant 0 : i32
    %dma_start3A_12 = tpu.memref_slice %arg41[%add3A_9, %dma_start3A_11] : memref<10000x112xf32, #tpu.memory_space<vmem_shared>> -> memref<80x112xf32, #tpu.memory_space<vmem_shared>>
    tpu.enqueue_dma source(%arg6 : memref<80x112xf32, #tpu.memory_space<vmem>>) target(%dma_start3A_12 : memref<80x112xf32, #tpu.memory_space<vmem_shared>>) target_semaphore(%arg26 : memref<!tpu.dma_semaphore, #tpu.memory_space<semaphore_mem>>)
    %mul3A_13 = arith.constant 625 : i32
    %mul3A_14 = arith.muli %arg1, %mul3A_13 : i32
    %add3A_15 = arith.constant 80 : i32
    %add3A_16 = arith.addi %mul3A_14, %add3A_15 : i32
    %dma_start3A_17 = arith.constant 0 : i32
    %dma_start3A_18 = tpu.memref_slice %arg41[%add3A_16, %dma_start3A_17] : memref<10000x112xf32, #tpu.memory_space<vmem_shared>> -> memref<80x112xf32, #tpu.memory_space<vmem_shared>>
    %dma_start3A_19 = arith.constant 0 : i32
    %dma_start3A_20 = tpu.memref_slice %arg41[%add3A_16, %dma_start3A_19] : memref<10000x112xf32, #tpu.memory_space<vmem_shared>> -> memref<80x112xf32, #tpu.memory_space<vmem_shared>>
    tpu.enqueue_dma source(%arg6 : memref<80x112xf32, #tpu.memory_space<vmem>>) target(%dma_start3A_20 : memref<80x112xf32, #tpu.memory_space<vmem_shared>>) target_semaphore(%arg26 : memref<!tpu.dma_semaphore, #tpu.memory_space<semaphore_mem>>)
    %mul3A_21 = arith.constant 625 : i32
    %mul3A_22 = arith.muli %arg1, %mul3A_21 : i32
    %add3A_23 = arith.constant 160 : i32
    %add3A_24 = arith.addi %mul3A_22, %add3A_23 : i32
    %dma_start3A_25 = arith.constant 0 : i32
    %dma_start3A_26 = tpu.memref_slice %arg41[%add3A_24, %dma_start3A_25] : memref<10000x112xf32, #tpu.memory_space<vmem_shared>> -> memref<80x112xf32, #tpu.memory_space<vmem_shared>>
    %dma_start3A_27 = arith.constant 0 : i32
    %dma_start3A_28 = tpu.memref_slice %arg41[%add3A_24, %dma_start3A_27] : memref<10000x112xf32, #tpu.memory_space<vmem_shared>> -> memref<80x112xf32, #tpu.memory_space<vmem_shared>>
    tpu.enqueue_dma source(%arg6 : memref<80x112xf32, #tpu.memory_space<vmem>>) target(%dma_start3A_28 : memref<80x112xf32, #tpu.memory_space<vmem_shared>>) target_semaphore(%arg26 : memref<!tpu.dma_semaphore, #tpu.memory_space<semaphore_mem>>)
    %mul3A_29 = arith.constant 625 : i32
    %mul3A_30 = arith.muli %arg1, %mul3A_29 : i32
    %add3A_31 = arith.constant 240 : i32
    %add3A_32 = arith.addi %mul3A_30, %add3A_31 : i32
    %dma_start3A_33 = arith.constant 0 : i32
    %dma_start3A_34 = tpu.memref_slice %arg41[%add3A_32, %dma_start3A_33] : memref<10000x112xf32, #tpu.memory_space<vmem_shared>> -> memref<80x112xf32, #tpu.memory_space<vmem_shared>>
    %dma_start3A_35 = arith.constant 0 : i32
    %dma_start3A_36 = tpu.memref_slice %arg41[%add3A_32, %dma_start3A_35] : memref<10000x112xf32, #tpu.memory_space<vmem_shared>> -> memref<80x112xf32, #tpu.memory_space<vmem_shared>>
    tpu.enqueue_dma source(%arg6 : memref<80x112xf32, #tpu.memory_space<vmem>>) target(%dma_start3A_36 : memref<80x112xf32, #tpu.memory_space<vmem_shared>>) target_semaphore(%arg26 : memref<!tpu.dma_semaphore, #tpu.memory_space<semaphore_mem>>)
    %mul3A_37 = arith.constant 625 : i32
    %mul3A_38 = arith.muli %arg1, %mul3A_37 : i32
    %add3A_39 = arith.constant 320 : i32
    %add3A_40 = arith.addi %mul3A_38, %add3A_39 : i32
    %dma_start3A_41 = arith.constant 0 : i32
    %dma_start3A_42 = tpu.memref_slice %arg41[%add3A_40, %dma_start3A_41] : memref<10000x112xf32, #tpu.memory_space<vmem_shared>> -> memref<80x112xf32, #tpu.memory_space<vmem_shared>>
    %dma_start3A_43 = arith.constant 0 : i32
    %dma_start3A_44 = tpu.memref_slice %arg41[%add3A_40, %dma_start3A_43] : memref<10000x112xf32, #tpu.memory_space<vmem_shared>> -> memref<80x112xf32, #tpu.memory_space<vmem_shared>>
    tpu.enqueue_dma source(%arg6 : memref<80x112xf32, #tpu.memory_space<vmem>>) target(%dma_start3A_44 : memref<80x112xf32, #tpu.memory_space<vmem_shared>>) target_semaphore(%arg26 : memref<!tpu.dma_semaphore, #tpu.memory_space<semaphore_mem>>)
    %mul3A_45 = arith.constant 625 : i32
    %mul3A_46 = arith.muli %arg1, %mul3A_45 : i32
    %add3A_47 = arith.constant 400 : i32
    %add3A_48 = arith.addi %mul3A_46, %add3A_47 : i32
    %dma_start3A_49 = arith.constant 0 : i32
    %dma_start3A_50 = tpu.memref_slice %arg41[%add3A_48, %dma_start3A_49] : memref<10000x112xf32, #tpu.memory_space<vmem_shared>> -> memref<80x112xf32, #tpu.memory_space<vmem_shared>>
    %dma_start3A_51 = arith.constant 0 : i32
    %dma_start3A_52 = tpu.memref_slice %arg41[%add3A_48, %dma_start3A_51] : memref<10000x112xf32, #tpu.memory_space<vmem_shared>> -> memref<80x112xf32, #tpu.memory_space<vmem_shared>>
    tpu.enqueue_dma source(%arg6 : memref<80x112xf32, #tpu.memory_space<vmem>>) target(%dma_start3A_52 : memref<80x112xf32, #tpu.memory_space<vmem_shared>>) target_semaphore(%arg26 : memref<!tpu.dma_semaphore, #tpu.memory_space<semaphore_mem>>)
    %mul3A_53 = arith.constant 625 : i32
    %mul3A_54 = arith.muli %arg1, %mul3A_53 : i32
    %add3A_55 = arith.constant 480 : i32
    %add3A_56 = arith.addi %mul3A_54, %add3A_55 : i32
    %dma_start3A_57 = arith.constant 0 : i32
    %dma_start3A_58 = tpu.memref_slice %arg41[%add3A_56, %dma_start3A_57] : memref<10000x112xf32, #tpu.memory_space<vmem_shared>> -> memref<80x112xf32, #tpu.memory_space<vmem_shared>>
    %dma_start3A_59 = arith.constant 0 : i32
    %dma_start3A_60 = tpu.memref_slice %arg41[%add3A_56, %dma_start3A_59] : memref<10000x112xf32, #tpu.memory_space<vmem_shared>> -> memref<80x112xf32, #tpu.memory_space<vmem_shared>>
    tpu.enqueue_dma source(%arg6 : memref<80x112xf32, #tpu.memory_space<vmem>>) target(%dma_start3A_60 : memref<80x112xf32, #tpu.memory_space<vmem_shared>>) target_semaphore(%arg26 : memref<!tpu.dma_semaphore, #tpu.memory_space<semaphore_mem>>)
    %mul3A_61 = arith.constant 625 : i32
    %mul3A_62 = arith.muli %arg1, %mul3A_61 : i32
    %add3A_63 = arith.constant 560 : i32
    %add3A_64 = arith.addi %mul3A_62, %add3A_63 : i32
    %dma_start3A_65 = arith.constant 0 : i32
    %dma_start3A_66 = arith.constant 0 : i32
    %dma_start3A_67 = tpu.memref_slice %arg6[%dma_start3A_65, %dma_start3A_66] : memref<80x112xf32, #tpu.memory_space<vmem>> -> memref<65x112xf32, #tpu.memory_space<vmem>>
    %dma_start3A_68 = arith.constant 0 : i32
    %dma_start3A_69 = tpu.memref_slice %arg41[%add3A_64, %dma_start3A_68] : memref<10000x112xf32, #tpu.memory_space<vmem_shared>> -> memref<65x112xf32, #tpu.memory_space<vmem_shared>>
    %dma_start3A_70 = arith.constant 0 : i32
    %dma_start3A_71 = tpu.memref_slice %arg41[%add3A_64, %dma_start3A_70] : memref<10000x112xf32, #tpu.memory_space<vmem_shared>> -> memref<65x112xf32, #tpu.memory_space<vmem_shared>>
    %dma_start3A_72 = arith.constant 0 : i32
    %dma_start3A_73 = arith.constant 0 : i32
    %dma_start3A_74 = tpu.memref_slice %arg6[%dma_start3A_72, %dma_start3A_73] : memref<80x112xf32, #tpu.memory_space<vmem>> -> memref<65x112xf32, #tpu.memory_space<vmem>>
    tpu.enqueue_dma source(%dma_start3A_74 : memref<65x112xf32, #tpu.memory_space<vmem>>) target(%dma_start3A_71 : memref<65x112xf32, #tpu.memory_space<vmem_shared>>) target_semaphore(%arg26 : memref<!tpu.dma_semaphore, #tpu.memory_space<semaphore_mem>>)
    %dma_wait3A = arith.constant 0 : i32
    %dma_wait3A_75 = arith.constant 0 : i32
    %dma_wait3A_76 = tpu.memref_slice %arg41[%dma_wait3A, %dma_wait3A_75] : memref<10000x112xf32, #tpu.memory_space<vmem_shared>> -> memref<80x112xf32, #tpu.memory_space<vmem_shared>>
    %dma_wait3A_77 = arith.constant 0 : i32
    %dma_wait3A_78 = arith.constant 0 : i32
    %dma_wait3A_79 = tpu.memref_slice %arg41[%dma_wait3A_77, %dma_wait3A_78] : memref<10000x112xf32, #tpu.memory_space<vmem_shared>> -> memref<80x112xf32, #tpu.memory_space<vmem_shared>>
    tpu.wait_dma2 semaphore(%arg26 : memref<!tpu.dma_semaphore, #tpu.memory_space<semaphore_mem>>) src(%arg6 : memref<80x112xf32, #tpu.memory_space<vmem>>) dst(%dma_wait3A_79 : memref<80x112xf32, #tpu.memory_space<vmem_shared>>)
    %dma_wait3A_80 = arith.constant 0 : i32
    %dma_wait3A_81 = arith.constant 0 : i32
    %dma_wait3A_82 = tpu.memref_slice %arg41[%dma_wait3A_80, %dma_wait3A_81] : memref<10000x112xf32, #tpu.memory_space<vmem_shared>> -> memref<80x112xf32, #tpu.memory_space<vmem_shared>>
    %dma_wait3A_83 = arith.constant 0 : i32
    %dma_wait3A_84 = arith.constant 0 : i32
    %dma_wait3A_85 = tpu.memref_slice %arg41[%dma_wait3A_83, %dma_wait3A_84] : memref<10000x112xf32, #tpu.memory_space<vmem_shared>> -> memref<80x112xf32, #tpu.memory_space<vmem_shared>>
    tpu.wait_dma2 semaphore(%arg26 : memref<!tpu.dma_semaphore, #tpu.memory_space<semaphore_mem>>) src(%arg6 : memref<80x112xf32, #tpu.memory_space<vmem>>) dst(%dma_wait3A_85 : memref<80x112xf32, #tpu.memory_space<vmem_shared>>)
    %dma_wait3A_86 = arith.constant 0 : i32
    %dma_wait3A_87 = arith.constant 0 : i32
    %dma_wait3A_88 = tpu.memref_slice %arg41[%dma_wait3A_86, %dma_wait3A_87] : memref<10000x112xf32, #tpu.memory_space<vmem_shared>> -> memref<80x112xf32, #tpu.memory_space<vmem_shared>>
    %dma_wait3A_89 = arith.constant 0 : i32
    %dma_wait3A_90 = arith.constant 0 : i32
    %dma_wait3A_91 = tpu.memref_slice %arg41[%dma_wait3A_89, %dma_wait3A_90] : memref<10000x112xf32, #tpu.memory_space<vmem_shared>> -> memref<80x112xf32, #tpu.memory_space<vmem_shared>>
    tpu.wait_dma2 semaphore(%arg26 : memref<!tpu.dma_semaphore, #tpu.memory_space<semaphore_mem>>) src(%arg6 : memref<80x112xf32, #tpu.memory_space<vmem>>) dst(%dma_wait3A_91 : memref<80x112xf32, #tpu.memory_space<vmem_shared>>)
    %dma_wait3A_92 = arith.constant 0 : i32
    %dma_wait3A_93 = arith.constant 0 : i32
    %dma_wait3A_94 = tpu.memref_slice %arg41[%dma_wait3A_92, %dma_wait3A_93] : memref<10000x112xf32, #tpu.memory_space<vmem_shared>> -> memref<80x112xf32, #tpu.memory_space<vmem_shared>>
    %dma_wait3A_95 = arith.constant 0 : i32
    %dma_wait3A_96 = arith.constant 0 : i32
    %dma_wait3A_97 = tpu.memref_slice %arg41[%dma_wait3A_95, %dma_wait3A_96] : memref<10000x112xf32, #tpu.memory_space<vmem_shared>> -> memref<80x112xf32, #tpu.memory_space<vmem_shared>>
    tpu.wait_dma2 semaphore(%arg26 : memref<!tpu.dma_semaphore, #tpu.memory_space<semaphore_mem>>) src(%arg6 : memref<80x112xf32, #tpu.memory_space<vmem>>) dst(%dma_wait3A_97 : memref<80x112xf32, #tpu.memory_space<vmem_shared>>)
    %dma_wait3A_98 = arith.constant 0 : i32
    %dma_wait3A_99 = arith.constant 0 : i32
    %dma_wait3A_100 = tpu.memref_slice %arg41[%dma_wait3A_98, %dma_wait3A_99] : memref<10000x112xf32, #tpu.memory_space<vmem_shared>> -> memref<80x112xf32, #tpu.memory_space<vmem_shared>>
    %dma_wait3A_101 = arith.constant 0 : i32
    %dma_wait3A_102 = arith.constant 0 : i32
    %dma_wait3A_103 = tpu.memref_slice %arg41[%dma_wait3A_101, %dma_wait3A_102] : memref<10000x112xf32, #tpu.memory_space<vmem_shared>> -> memref<80x112xf32, #tpu.memory_space<vmem_shared>>
    tpu.wait_dma2 semaphore(%arg26 : memref<!tpu.dma_semaphore, #tpu.memory_space<semaphore_mem>>) src(%arg6 : memref<80x112xf32, #tpu.memory_space<vmem>>) dst(%dma_wait3A_103 : memref<80x112xf32, #tpu.memory_space<vmem_shared>>)
    %dma_wait3A_104 = arith.constant 0 : i32
    %dma_wait3A_105 = arith.constant 0 : i32
    %dma_wait3A_106 = tpu.memref_slice %arg41[%dma_wait3A_104, %dma_wait3A_105] : memref<10000x112xf32, #tpu.memory_space<vmem_shared>> -> memref<80x112xf32, #tpu.memory_space<vmem_shared>>
    %dma_wait3A_107 = arith.constant 0 : i32
    %dma_wait3A_108 = arith.constant 0 : i32
    %dma_wait3A_109 = tpu.memref_slice %arg41[%dma_wait3A_107, %dma_wait3A_108] : memref<10000x112xf32, #tpu.memory_space<vmem_shared>> -> memref<80x112xf32, #tpu.memory_space<vmem_shared>>
    tpu.wait_dma2 semaphore(%arg26 : memref<!tpu.dma_semaphore, #tpu.memory_space<semaphore_mem>>) src(%arg6 : memref<80x112xf32, #tpu.memory_space<vmem>>) dst(%dma_wait3A_109 : memref<80x112xf32, #tpu.memory_space<vmem_shared>>)
    %dma_wait3A_110 = arith.constant 0 : i32
    %dma_wait3A_111 = arith.constant 0 : i32
    %dma_wait3A_112 = tpu.memref_slice %arg41[%dma_wait3A_110, %dma_wait3A_111] : memref<10000x112xf32, #tpu.memory_space<vmem_shared>> -> memref<80x112xf32, #tpu.memory_space<vmem_shared>>
    %dma_wait3A_113 = arith.constant 0 : i32
    %dma_wait3A_114 = arith.constant 0 : i32
    %dma_wait3A_115 = tpu.memref_slice %arg41[%dma_wait3A_113, %dma_wait3A_114] : memref<10000x112xf32, #tpu.memory_space<vmem_shared>> -> memref<80x112xf32, #tpu.memory_space<vmem_shared>>
    tpu.wait_dma2 semaphore(%arg26 : memref<!tpu.dma_semaphore, #tpu.memory_space<semaphore_mem>>) src(%arg6 : memref<80x112xf32, #tpu.memory_space<vmem>>) dst(%dma_wait3A_115 : memref<80x112xf32, #tpu.memory_space<vmem_shared>>)
    %dma_wait3A_116 = arith.constant 0 : i32
    %dma_wait3A_117 = arith.constant 0 : i32
    %dma_wait3A_118 = tpu.memref_slice %arg6[%dma_wait3A_116, %dma_wait3A_117] : memref<80x112xf32, #tpu.memory_space<vmem>> -> memref<65x112xf32, #tpu.memory_space<vmem>>
    %dma_wait3A_119 = arith.constant 0 : i32
    %dma_wait3A_120 = arith.constant 0 : i32
    %dma_wait3A_121 = tpu.memref_slice %arg41[%dma_wait3A_119, %dma_wait3A_120] : memref<10000x112xf32, #tpu.memory_space<vmem_shared>> -> memref<65x112xf32, #tpu.memory_space<vmem_shared>>
    %dma_wait3A_122 = arith.constant 0 : i32
    %dma_wait3A_123 = arith.constant 0 : i32
    %dma_wait3A_124 = tpu.memref_slice %arg41[%dma_wait3A_122, %dma_wait3A_123] : memref<10000x112xf32, #tpu.memory_space<vmem_shared>> -> memref<65x112xf32, #tpu.memory_space<vmem_shared>>
    %dma_wait3A_125 = arith.constant 0 : i32
    %dma_wait3A_126 = arith.constant 0 : i32
    %dma_wait3A_127 = tpu.memref_slice %arg6[%dma_wait3A_125, %dma_wait3A_126] : memref<80x112xf32, #tpu.memory_space<vmem>> -> memref<65x112xf32, #tpu.memory_space<vmem>>
    tpu.wait_dma2 semaphore(%arg26 : memref<!tpu.dma_semaphore, #tpu.memory_space<semaphore_mem>>) src(%dma_wait3A_127 : memref<65x112xf32, #tpu.memory_space<vmem>>) dst(%dma_wait3A_124 : memref<65x112xf32, #tpu.memory_space<vmem_shared>>)
    %barrier3A = arith.constant 0 : index
    tpu.barrier barrier_id(%barrier3A)
    %dma_start3A_128 = arith.constant 0 : i32
    %dma_start3A_129 = arith.constant 0 : i32
    %dma_start3A_130 = tpu.memref_slice %arg3[%add3A, %dma_start3A_128, %dma_start3A_129] : memref<32x250x80xi32, #tpu.memory_space<hbm>> -> memref<1x1x80xi32, #tpu.memory_space<hbm>>
    %dma_start3A_131 = tpu.memref_squeeze %dma_start3A_130 : memref<1x1x80xi32, #tpu.memory_space<hbm>> -> memref<80xi32, #tpu.memory_space<hbm>>
    %dma_start3A_132 = arith.constant 0 : i32
    %dma_start3A_133 = tpu.memref_slice %arg3[%add3A, %dma_start3A_128, %dma_start3A_132] : memref<32x250x80xi32, #tpu.memory_space<hbm>> -> memref<1x1x80xi32, #tpu.memory_space<hbm>>
    %dma_start3A_134 = tpu.memref_squeeze %dma_start3A_133 : memref<1x1x80xi32, #tpu.memory_space<hbm>> -> memref<80xi32, #tpu.memory_space<hbm>>
    tpu.enqueue_dma source(%dma_start3A_134 : memref<80xi32, #tpu.memory_space<hbm>>) target(%arg11 : memref<80xi32, #tpu.memory_space<vmem>>) target_semaphore(%arg31 : memref<!tpu.dma_semaphore, #tpu.memory_space<semaphore_mem>>)
    %dma_start3A_135 = arith.constant 0 : i32
    %dma_start3A_136 = arith.constant 0 : i32
    %dma_start3A_137 = tpu.memref_slice %arg4[%add3A, %dma_start3A_135, %dma_start3A_136] : memref<32x250x80xi32, #tpu.memory_space<hbm>> -> memref<1x1x80xi32, #tpu.memory_space<hbm>>
    %dma_start3A_138 = tpu.memref_squeeze %dma_start3A_137 : memref<1x1x80xi32, #tpu.memory_space<hbm>> -> memref<80xi32, #tpu.memory_space<hbm>>
    %dma_start3A_139 = arith.constant 0 : i32
    %dma_start3A_140 = tpu.memref_slice %arg4[%add3A, %dma_start3A_135, %dma_start3A_139] : memref<32x250x80xi32, #tpu.memory_space<hbm>> -> memref<1x1x80xi32, #tpu.memory_space<hbm>>
    %dma_start3A_141 = tpu.memref_squeeze %dma_start3A_140 : memref<1x1x80xi32, #tpu.memory_space<hbm>> -> memref<80xi32, #tpu.memory_space<hbm>>
    tpu.enqueue_dma source(%dma_start3A_141 : memref<80xi32, #tpu.memory_space<hbm>>) target(%arg16 : memref<80xi32, #tpu.memory_space<vmem>>) target_semaphore(%arg36 : memref<!tpu.dma_semaphore, #tpu.memory_space<semaphore_mem>>)
    %dma_start3A_142 = arith.constant 1 : i32
    %dma_start3A_143 = arith.constant 0 : i32
    %dma_start3A_144 = tpu.memref_slice %arg3[%add3A, %dma_start3A_142, %dma_start3A_143] : memref<32x250x80xi32, #tpu.memory_space<hbm>> -> memref<1x1x80xi32, #tpu.memory_space<hbm>>
    %dma_start3A_145 = tpu.memref_squeeze %dma_start3A_144 : memref<1x1x80xi32, #tpu.memory_space<hbm>> -> memref<80xi32, #tpu.memory_space<hbm>>
    %dma_start3A_146 = arith.constant 0 : i32
    %dma_start3A_147 = tpu.memref_slice %arg3[%add3A, %dma_start3A_142, %dma_start3A_146] : memref<32x250x80xi32, #tpu.memory_space<hbm>> -> memref<1x1x80xi32, #tpu.memory_space<hbm>>
    %dma_start3A_148 = tpu.memref_squeeze %dma_start3A_147 : memref<1x1x80xi32, #tpu.memory_space<hbm>> -> memref<80xi32, #tpu.memory_space<hbm>>
    tpu.enqueue_dma source(%dma_start3A_148 : memref<80xi32, #tpu.memory_space<hbm>>) target(%arg12 : memref<80xi32, #tpu.memory_space<vmem>>) target_semaphore(%arg32 : memref<!tpu.dma_semaphore, #tpu.memory_space<semaphore_mem>>)
    %dma_start3A_149 = arith.constant 1 : i32
    %dma_start3A_150 = arith.constant 0 : i32
    %dma_start3A_151 = tpu.memref_slice %arg4[%add3A, %dma_start3A_149, %dma_start3A_150] : memref<32x250x80xi32, #tpu.memory_space<hbm>> -> memref<1x1x80xi32, #tpu.memory_space<hbm>>
    %dma_start3A_152 = tpu.memref_squeeze %dma_start3A_151 : memref<1x1x80xi32, #tpu.memory_space<hbm>> -> memref<80xi32, #tpu.memory_space<hbm>>
    %dma_start3A_153 = arith.constant 0 : i32
    %dma_start3A_154 = tpu.memref_slice %arg4[%add3A, %dma_start3A_149, %dma_start3A_153] : memref<32x250x80xi32, #tpu.memory_space<hbm>> -> memref<1x1x80xi32, #tpu.memory_space<hbm>>
    %dma_start3A_155 = tpu.memref_squeeze %dma_start3A_154 : memref<1x1x80xi32, #tpu.memory_space<hbm>> -> memref<80xi32, #tpu.memory_space<hbm>>
    tpu.enqueue_dma source(%dma_start3A_155 : memref<80xi32, #tpu.memory_space<hbm>>) target(%arg17 : memref<80xi32, #tpu.memory_space<vmem>>) target_semaphore(%arg37 : memref<!tpu.dma_semaphore, #tpu.memory_space<semaphore_mem>>)
    %dma_start3A_156 = arith.constant 2 : i32
    %dma_start3A_157 = arith.constant 0 : i32
    %dma_start3A_158 = tpu.memref_slice %arg3[%add3A, %dma_start3A_156, %dma_start3A_157] : memref<32x250x80xi32, #tpu.memory_space<hbm>> -> memref<1x1x80xi32, #tpu.memory_space<hbm>>
    %dma_start3A_159 = tpu.memref_squeeze %dma_start3A_158 : memref<1x1x80xi32, #tpu.memory_space<hbm>> -> memref<80xi32, #tpu.memory_space<hbm>>
    %dma_start3A_160 = arith.constant 0 : i32
    %dma_start3A_161 = tpu.memref_slice %arg3[%add3A, %dma_start3A_156, %dma_start3A_160] : memref<32x250x80xi32, #tpu.memory_space<hbm>> -> memref<1x1x80xi32, #tpu.memory_space<hbm>>
    %dma_start3A_162 = tpu.memref_squeeze %dma_start3A_161 : memref<1x1x80xi32, #tpu.memory_space<hbm>> -> memref<80xi32, #tpu.memory_space<hbm>>
    tpu.enqueue_dma source(%dma_start3A_162 : memref<80xi32, #tpu.memory_space<hbm>>) target(%arg13 : memref<80xi32, #tpu.memory_space<vmem>>) target_semaphore(%arg33 : memref<!tpu.dma_semaphore, #tpu.memory_space<semaphore_mem>>)
    %dma_start3A_163 = arith.constant 2 : i32
    %dma_start3A_164 = arith.constant 0 : i32
    %dma_start3A_165 = tpu.memref_slice %arg4[%add3A, %dma_start3A_163, %dma_start3A_164] : memref<32x250x80xi32, #tpu.memory_space<hbm>> -> memref<1x1x80xi32, #tpu.memory_space<hbm>>
    %dma_start3A_166 = tpu.memref_squeeze %dma_start3A_165 : memref<1x1x80xi32, #tpu.memory_space<hbm>> -> memref<80xi32, #tpu.memory_space<hbm>>
    %dma_start3A_167 = arith.constant 0 : i32
    %dma_start3A_168 = tpu.memref_slice %arg4[%add3A, %dma_start3A_163, %dma_start3A_167] : memref<32x250x80xi32, #tpu.memory_space<hbm>> -> memref<1x1x80xi32, #tpu.memory_space<hbm>>
    %dma_start3A_169 = tpu.memref_squeeze %dma_start3A_168 : memref<1x1x80xi32, #tpu.memory_space<hbm>> -> memref<80xi32, #tpu.memory_space<hbm>>
    tpu.enqueue_dma source(%dma_start3A_169 : memref<80xi32, #tpu.memory_space<hbm>>) target(%arg18 : memref<80xi32, #tpu.memory_space<vmem>>) target_semaphore(%arg38 : memref<!tpu.dma_semaphore, #tpu.memory_space<semaphore_mem>>)
    %dma_start3A_170 = arith.constant 3 : i32
    %dma_start3A_171 = arith.constant 0 : i32
    %dma_start3A_172 = tpu.memref_slice %arg3[%add3A, %dma_start3A_170, %dma_start3A_171] : memref<32x250x80xi32, #tpu.memory_space<hbm>> -> memref<1x1x80xi32, #tpu.memory_space<hbm>>
    %dma_start3A_173 = tpu.memref_squeeze %dma_start3A_172 : memref<1x1x80xi32, #tpu.memory_space<hbm>> -> memref<80xi32, #tpu.memory_space<hbm>>
    %dma_start3A_174 = arith.constant 0 : i32
    %dma_start3A_175 = tpu.memref_slice %arg3[%add3A, %dma_start3A_170, %dma_start3A_174] : memref<32x250x80xi32, #tpu.memory_space<hbm>> -> memref<1x1x80xi32, #tpu.memory_space<hbm>>
    %dma_start3A_176 = tpu.memref_squeeze %dma_start3A_175 : memref<1x1x80xi32, #tpu.memory_space<hbm>> -> memref<80xi32, #tpu.memory_space<hbm>>
    tpu.enqueue_dma source(%dma_start3A_176 : memref<80xi32, #tpu.memory_space<hbm>>) target(%arg14 : memref<80xi32, #tpu.memory_space<vmem>>) target_semaphore(%arg34 : memref<!tpu.dma_semaphore, #tpu.memory_space<semaphore_mem>>)
    %dma_start3A_177 = arith.constant 3 : i32
    %dma_start3A_178 = arith.constant 0 : i32
    %dma_start3A_179 = tpu.memref_slice %arg4[%add3A, %dma_start3A_177, %dma_start3A_178] : memref<32x250x80xi32, #tpu.memory_space<hbm>> -> memref<1x1x80xi32, #tpu.memory_space<hbm>>
    %dma_start3A_180 = tpu.memref_squeeze %dma_start3A_179 : memref<1x1x80xi32, #tpu.memory_space<hbm>> -> memref<80xi32, #tpu.memory_space<hbm>>
    %dma_start3A_181 = arith.constant 0 : i32
    %dma_start3A_182 = tpu.memref_slice %arg4[%add3A, %dma_start3A_177, %dma_start3A_181] : memref<32x250x80xi32, #tpu.memory_space<hbm>> -> memref<1x1x80xi32, #tpu.memory_space<hbm>>
    %dma_start3A_183 = tpu.memref_squeeze %dma_start3A_182 : memref<1x1x80xi32, #tpu.memory_space<hbm>> -> memref<80xi32, #tpu.memory_space<hbm>>
    tpu.enqueue_dma source(%dma_start3A_183 : memref<80xi32, #tpu.memory_space<hbm>>) target(%arg19 : memref<80xi32, #tpu.memory_space<vmem>>) target_semaphore(%arg39 : memref<!tpu.dma_semaphore, #tpu.memory_space<semaphore_mem>>)
    %dma_start3A_184 = arith.constant 4 : i32
    %dma_start3A_185 = arith.constant 0 : i32
    %dma_start3A_186 = tpu.memref_slice %arg3[%add3A, %dma_start3A_184, %dma_start3A_185] : memref<32x250x80xi32, #tpu.memory_space<hbm>> -> memref<1x1x80xi32, #tpu.memory_space<hbm>>
    %dma_start3A_187 = tpu.memref_squeeze %dma_start3A_186 : memref<1x1x80xi32, #tpu.memory_space<hbm>> -> memref<80xi32, #tpu.memory_space<hbm>>
    %dma_start3A_188 = arith.constant 0 : i32
    %dma_start3A_189 = tpu.memref_slice %arg3[%add3A, %dma_start3A_184, %dma_start3A_188] : memref<32x250x80xi32, #tpu.memory_space<hbm>> -> memref<1x1x80xi32, #tpu.memory_space<hbm>>
    %dma_start3A_190 = tpu.memref_squeeze %dma_start3A_189 : memref<1x1x80xi32, #tpu.memory_space<hbm>> -> memref<80xi32, #tpu.memory_space<hbm>>
    tpu.enqueue_dma source(%dma_start3A_190 : memref<80xi32, #tpu.memory_space<hbm>>) target(%arg15 : memref<80xi32, #tpu.memory_space<vmem>>) target_semaphore(%arg35 : memref<!tpu.dma_semaphore, #tpu.memory_space<semaphore_mem>>)
    %dma_start3A_191 = arith.constant 4 : i32
    %dma_start3A_192 = arith.constant 0 : i32
    %dma_start3A_193 = tpu.memref_slice %arg4[%add3A, %dma_start3A_191, %dma_start3A_192] : memref<32x250x80xi32, #tpu.memory_space<hbm>> -> memref<1x1x80xi32, #tpu.memory_space<hbm>>
    %dma_start3A_194 = tpu.memref_squeeze %dma_start3A_193 : memref<1x1x80xi32, #tpu.memory_space<hbm>> -> memref<80xi32, #tpu.memory_space<hbm>>
    %dma_start3A_195 = arith.constant 0 : i32
    %dma_start3A_196 = tpu.memref_slice %arg4[%add3A, %dma_start3A_191, %dma_start3A_195] : memref<32x250x80xi32, #tpu.memory_space<hbm>> -> memref<1x1x80xi32, #tpu.memory_space<hbm>>
    %dma_start3A_197 = tpu.memref_squeeze %dma_start3A_196 : memref<1x1x80xi32, #tpu.memory_space<hbm>> -> memref<80xi32, #tpu.memory_space<hbm>>
    tpu.enqueue_dma source(%dma_start3A_197 : memref<80xi32, #tpu.memory_space<hbm>>) target(%arg20 : memref<80xi32, #tpu.memory_space<vmem>>) target_semaphore(%arg40 : memref<!tpu.dma_semaphore, #tpu.memory_space<semaphore_mem>>)
    %scan3A_198 = arith.constant 0 : i32
    %scan3A_199 = arith.constant 0 : i32
    %scan3A_200 = arith.constant 50 : i32
    %scan3A_201 = arith.addi %scan3A_199, %scan3A_200 : i32
    %scan3A_202 = arith.constant 1 : i32
    scf.for %scan3A_279 = %scan3A_199 to %scan3A_201 step %scan3A_202  : i32 {
      %mul3A_280 = arith.constant 5 : i32
      %mul3A_281 = arith.muli %scan3A_279, %mul3A_280 : i32
      %dma_wait3A_282 = arith.constant 0 : i32
      %dma_wait3A_283 = arith.constant 0 : i32
      %dma_wait3A_284 = tpu.memref_slice %arg3[%add3A, %dma_wait3A_282, %dma_wait3A_283] : memref<32x250x80xi32, #tpu.memory_space<hbm>> -> memref<1x1x80xi32, #tpu.memory_space<hbm>>
      %dma_wait3A_285 = tpu.memref_squeeze %dma_wait3A_284 : memref<1x1x80xi32, #tpu.memory_space<hbm>> -> memref<80xi32, #tpu.memory_space<hbm>>
      %dma_wait3A_286 = arith.constant 0 : i32
      %dma_wait3A_287 = tpu.memref_slice %arg3[%add3A, %dma_wait3A_282, %dma_wait3A_286] : memref<32x250x80xi32, #tpu.memory_space<hbm>> -> memref<1x1x80xi32, #tpu.memory_space<hbm>>
      %dma_wait3A_288 = tpu.memref_squeeze %dma_wait3A_287 : memref<1x1x80xi32, #tpu.memory_space<hbm>> -> memref<80xi32, #tpu.memory_space<hbm>>
      tpu.wait_dma2 semaphore(%arg31 : memref<!tpu.dma_semaphore, #tpu.memory_space<semaphore_mem>>) src(%dma_wait3A_288 : memref<80xi32, #tpu.memory_space<hbm>>) dst(%arg11 : memref<80xi32, #tpu.memory_space<vmem>>)
      %dma_wait3A_289 = arith.constant 0 : i32
      %dma_wait3A_290 = arith.constant 0 : i32
      %dma_wait3A_291 = tpu.memref_slice %arg3[%add3A, %dma_wait3A_289, %dma_wait3A_290] : memref<32x250x80xi32, #tpu.memory_space<hbm>> -> memref<1x1x80xi32, #tpu.memory_space<hbm>>
      %dma_wait3A_292 = tpu.memref_squeeze %dma_wait3A_291 : memref<1x1x80xi32, #tpu.memory_space<hbm>> -> memref<80xi32, #tpu.memory_space<hbm>>
      %dma_wait3A_293 = arith.constant 0 : i32
      %dma_wait3A_294 = tpu.memref_slice %arg3[%add3A, %dma_wait3A_289, %dma_wait3A_293] : memref<32x250x80xi32, #tpu.memory_space<hbm>> -> memref<1x1x80xi32, #tpu.memory_space<hbm>>
      %dma_wait3A_295 = tpu.memref_squeeze %dma_wait3A_294 : memref<1x1x80xi32, #tpu.memory_space<hbm>> -> memref<80xi32, #tpu.memory_space<hbm>>
      tpu.wait_dma2 semaphore(%arg36 : memref<!tpu.dma_semaphore, #tpu.memory_space<semaphore_mem>>) src(%dma_wait3A_295 : memref<80xi32, #tpu.memory_space<hbm>>) dst(%arg16 : memref<80xi32, #tpu.memory_space<vmem>>)
      %dma_start3A_296 = arith.constant 0 : i32
      %dma_start3A_297 = arith.constant 0 : i32
      %dma_start3A_298 = tpu.memref_slice %arg2[%dma_start3A_296, %dma_start3A_297] : memref<10000x112xf32, #tpu.memory_space<hbm>> -> memref<10000x112xf32, #tpu.memory_space<hbm>>
      tpu.enqueue_indirect_dma source(%dma_start3A_298 : memref<10000x112xf32, #tpu.memory_space<hbm>>) target(%arg6 : memref<80x112xf32, #tpu.memory_space<vmem>>) offsets(%arg11 : memref<80xi32, #tpu.memory_space<vmem>>) semaphore(%arg21 : memref<!tpu.dma_semaphore, #tpu.memory_space<semaphore_mem>>)
      %dma_wait3A_299 = arith.constant 0 : i32
      %dma_wait3A_300 = arith.constant 0 : i32
      %dma_wait3A_301 = tpu.memref_slice %arg3[%add3A, %dma_wait3A_299, %dma_wait3A_300] : memref<32x250x80xi32, #tpu.memory_space<hbm>> -> memref<1x1x80xi32, #tpu.memory_space<hbm>>
      %dma_wait3A_302 = tpu.memref_squeeze %dma_wait3A_301 : memref<1x1x80xi32, #tpu.memory_space<hbm>> -> memref<80xi32, #tpu.memory_space<hbm>>
      %dma_wait3A_303 = arith.constant 0 : i32
      %dma_wait3A_304 = tpu.memref_slice %arg3[%add3A, %dma_wait3A_299, %dma_wait3A_303] : memref<32x250x80xi32, #tpu.memory_space<hbm>> -> memref<1x1x80xi32, #tpu.memory_space<hbm>>
      %dma_wait3A_305 = tpu.memref_squeeze %dma_wait3A_304 : memref<1x1x80xi32, #tpu.memory_space<hbm>> -> memref<80xi32, #tpu.memory_space<hbm>>
      tpu.wait_dma2 semaphore(%arg32 : memref<!tpu.dma_semaphore, #tpu.memory_space<semaphore_mem>>) src(%dma_wait3A_305 : memref<80xi32, #tpu.memory_space<hbm>>) dst(%arg12 : memref<80xi32, #tpu.memory_space<vmem>>)
      %dma_wait3A_306 = arith.constant 0 : i32
      %dma_wait3A_307 = arith.constant 0 : i32
      %dma_wait3A_308 = tpu.memref_slice %arg3[%add3A, %dma_wait3A_306, %dma_wait3A_307] : memref<32x250x80xi32, #tpu.memory_space<hbm>> -> memref<1x1x80xi32, #tpu.memory_space<hbm>>
      %dma_wait3A_309 = tpu.memref_squeeze %dma_wait3A_308 : memref<1x1x80xi32, #tpu.memory_space<hbm>> -> memref<80xi32, #tpu.memory_space<hbm>>
      %dma_wait3A_310 = arith.constant 0 : i32
      %dma_wait3A_311 = tpu.memref_slice %arg3[%add3A, %dma_wait3A_306, %dma_wait3A_310] : memref<32x250x80xi32, #tpu.memory_space<hbm>> -> memref<1x1x80xi32, #tpu.memory_space<hbm>>
      %dma_wait3A_312 = tpu.memref_squeeze %dma_wait3A_311 : memref<1x1x80xi32, #tpu.memory_space<hbm>> -> memref<80xi32, #tpu.memory_space<hbm>>
      tpu.wait_dma2 semaphore(%arg37 : memref<!tpu.dma_semaphore, #tpu.memory_space<semaphore_mem>>) src(%dma_wait3A_312 : memref<80xi32, #tpu.memory_space<hbm>>) dst(%arg17 : memref<80xi32, #tpu.memory_space<vmem>>)
      %dma_start3A_313 = arith.constant 0 : i32
      %dma_start3A_314 = arith.constant 0 : i32
      %dma_start3A_315 = tpu.memref_slice %arg2[%dma_start3A_313, %dma_start3A_314] : memref<10000x112xf32, #tpu.memory_space<hbm>> -> memref<10000x112xf32, #tpu.memory_space<hbm>>
      tpu.enqueue_indirect_dma source(%dma_start3A_315 : memref<10000x112xf32, #tpu.memory_space<hbm>>) target(%arg7 : memref<80x112xf32, #tpu.memory_space<vmem>>) offsets(%arg12 : memref<80xi32, #tpu.memory_space<vmem>>) semaphore(%arg22 : memref<!tpu.dma_semaphore, #tpu.memory_space<semaphore_mem>>)
      %dma_wait3A_316 = arith.constant 0 : i32
      %dma_wait3A_317 = arith.constant 0 : i32
      %dma_wait3A_318 = tpu.memref_slice %arg3[%add3A, %dma_wait3A_316, %dma_wait3A_317] : memref<32x250x80xi32, #tpu.memory_space<hbm>> -> memref<1x1x80xi32, #tpu.memory_space<hbm>>
      %dma_wait3A_319 = tpu.memref_squeeze %dma_wait3A_318 : memref<1x1x80xi32, #tpu.memory_space<hbm>> -> memref<80xi32, #tpu.memory_space<hbm>>
      %dma_wait3A_320 = arith.constant 0 : i32
      %dma_wait3A_321 = tpu.memref_slice %arg3[%add3A, %dma_wait3A_316, %dma_wait3A_320] : memref<32x250x80xi32, #tpu.memory_space<hbm>> -> memref<1x1x80xi32, #tpu.memory_space<hbm>>
      %dma_wait3A_322 = tpu.memref_squeeze %dma_wait3A_321 : memref<1x1x80xi32, #tpu.memory_space<hbm>> -> memref<80xi32, #tpu.memory_space<hbm>>
      tpu.wait_dma2 semaphore(%arg33 : memref<!tpu.dma_semaphore, #tpu.memory_space<semaphore_mem>>) src(%dma_wait3A_322 : memref<80xi32, #tpu.memory_space<hbm>>) dst(%arg13 : memref<80xi32, #tpu.memory_space<vmem>>)
      %dma_wait3A_323 = arith.constant 0 : i32
      %dma_wait3A_324 = arith.constant 0 : i32
      %dma_wait3A_325 = tpu.memref_slice %arg3[%add3A, %dma_wait3A_323, %dma_wait3A_324] : memref<32x250x80xi32, #tpu.memory_space<hbm>> -> memref<1x1x80xi32, #tpu.memory_space<hbm>>
      %dma_wait3A_326 = tpu.memref_squeeze %dma_wait3A_325 : memref<1x1x80xi32, #tpu.memory_space<hbm>> -> memref<80xi32, #tpu.memory_space<hbm>>
      %dma_wait3A_327 = arith.constant 0 : i32
      %dma_wait3A_328 = tpu.memref_slice %arg3[%add3A, %dma_wait3A_323, %dma_wait3A_327] : memref<32x250x80xi32, #tpu.memory_space<hbm>> -> memref<1x1x80xi32, #tpu.memory_space<hbm>>
      %dma_wait3A_329 = tpu.memref_squeeze %dma_wait3A_328 : memref<1x1x80xi32, #tpu.memory_space<hbm>> -> memref<80xi32, #tpu.memory_space<hbm>>
      tpu.wait_dma2 semaphore(%arg38 : memref<!tpu.dma_semaphore, #tpu.memory_space<semaphore_mem>>) src(%dma_wait3A_329 : memref<80xi32, #tpu.memory_space<hbm>>) dst(%arg18 : memref<80xi32, #tpu.memory_space<vmem>>)
      %dma_start3A_330 = arith.constant 0 : i32
      %dma_start3A_331 = arith.constant 0 : i32
      %dma_start3A_332 = tpu.memref_slice %arg2[%dma_start3A_330, %dma_start3A_331] : memref<10000x112xf32, #tpu.memory_space<hbm>> -> memref<10000x112xf32, #tpu.memory_space<hbm>>
      tpu.enqueue_indirect_dma source(%dma_start3A_332 : memref<10000x112xf32, #tpu.memory_space<hbm>>) target(%arg8 : memref<80x112xf32, #tpu.memory_space<vmem>>) offsets(%arg13 : memref<80xi32, #tpu.memory_space<vmem>>) semaphore(%arg23 : memref<!tpu.dma_semaphore, #tpu.memory_space<semaphore_mem>>)
      %dma_wait3A_333 = arith.constant 0 : i32
      %dma_wait3A_334 = arith.constant 0 : i32
      %dma_wait3A_335 = tpu.memref_slice %arg3[%add3A, %dma_wait3A_333, %dma_wait3A_334] : memref<32x250x80xi32, #tpu.memory_space<hbm>> -> memref<1x1x80xi32, #tpu.memory_space<hbm>>
      %dma_wait3A_336 = tpu.memref_squeeze %dma_wait3A_335 : memref<1x1x80xi32, #tpu.memory_space<hbm>> -> memref<80xi32, #tpu.memory_space<hbm>>
      %dma_wait3A_337 = arith.constant 0 : i32
      %dma_wait3A_338 = tpu.memref_slice %arg3[%add3A, %dma_wait3A_333, %dma_wait3A_337] : memref<32x250x80xi32, #tpu.memory_space<hbm>> -> memref<1x1x80xi32, #tpu.memory_space<hbm>>
      %dma_wait3A_339 = tpu.memref_squeeze %dma_wait3A_338 : memref<1x1x80xi32, #tpu.memory_space<hbm>> -> memref<80xi32, #tpu.memory_space<hbm>>
      tpu.wait_dma2 semaphore(%arg34 : memref<!tpu.dma_semaphore, #tpu.memory_space<semaphore_mem>>) src(%dma_wait3A_339 : memref<80xi32, #tpu.memory_space<hbm>>) dst(%arg14 : memref<80xi32, #tpu.memory_space<vmem>>)
      %dma_wait3A_340 = arith.constant 0 : i32
      %dma_wait3A_341 = arith.constant 0 : i32
      %dma_wait3A_342 = tpu.memref_slice %arg3[%add3A, %dma_wait3A_340, %dma_wait3A_341] : memref<32x250x80xi32, #tpu.memory_space<hbm>> -> memref<1x1x80xi32, #tpu.memory_space<hbm>>
      %dma_wait3A_343 = tpu.memref_squeeze %dma_wait3A_342 : memref<1x1x80xi32, #tpu.memory_space<hbm>> -> memref<80xi32, #tpu.memory_space<hbm>>
      %dma_wait3A_344 = arith.constant 0 : i32
      %dma_wait3A_345 = tpu.memref_slice %arg3[%add3A, %dma_wait3A_340, %dma_wait3A_344] : memref<32x250x80xi32, #tpu.memory_space<hbm>> -> memref<1x1x80xi32, #tpu.memory_space<hbm>>
      %dma_wait3A_346 = tpu.memref_squeeze %dma_wait3A_345 : memref<1x1x80xi32, #tpu.memory_space<hbm>> -> memref<80xi32, #tpu.memory_space<hbm>>
      tpu.wait_dma2 semaphore(%arg39 : memref<!tpu.dma_semaphore, #tpu.memory_space<semaphore_mem>>) src(%dma_wait3A_346 : memref<80xi32, #tpu.memory_space<hbm>>) dst(%arg19 : memref<80xi32, #tpu.memory_space<vmem>>)
      %dma_start3A_347 = arith.constant 0 : i32
      %dma_start3A_348 = arith.constant 0 : i32
      %dma_start3A_349 = tpu.memref_slice %arg2[%dma_start3A_347, %dma_start3A_348] : memref<10000x112xf32, #tpu.memory_space<hbm>> -> memref<10000x112xf32, #tpu.memory_space<hbm>>
      tpu.enqueue_indirect_dma source(%dma_start3A_349 : memref<10000x112xf32, #tpu.memory_space<hbm>>) target(%arg9 : memref<80x112xf32, #tpu.memory_space<vmem>>) offsets(%arg14 : memref<80xi32, #tpu.memory_space<vmem>>) semaphore(%arg24 : memref<!tpu.dma_semaphore, #tpu.memory_space<semaphore_mem>>)
      %dma_wait3A_350 = arith.constant 0 : i32
      %dma_wait3A_351 = arith.constant 0 : i32
      %dma_wait3A_352 = tpu.memref_slice %arg3[%add3A, %dma_wait3A_350, %dma_wait3A_351] : memref<32x250x80xi32, #tpu.memory_space<hbm>> -> memref<1x1x80xi32, #tpu.memory_space<hbm>>
      %dma_wait3A_353 = tpu.memref_squeeze %dma_wait3A_352 : memref<1x1x80xi32, #tpu.memory_space<hbm>> -> memref<80xi32, #tpu.memory_space<hbm>>
      %dma_wait3A_354 = arith.constant 0 : i32
      %dma_wait3A_355 = tpu.memref_slice %arg3[%add3A, %dma_wait3A_350, %dma_wait3A_354] : memref<32x250x80xi32, #tpu.memory_space<hbm>> -> memref<1x1x80xi32, #tpu.memory_space<hbm>>
      %dma_wait3A_356 = tpu.memref_squeeze %dma_wait3A_355 : memref<1x1x80xi32, #tpu.memory_space<hbm>> -> memref<80xi32, #tpu.memory_space<hbm>>
      tpu.wait_dma2 semaphore(%arg35 : memref<!tpu.dma_semaphore, #tpu.memory_space<semaphore_mem>>) src(%dma_wait3A_356 : memref<80xi32, #tpu.memory_space<hbm>>) dst(%arg15 : memref<80xi32, #tpu.memory_space<vmem>>)
      %dma_wait3A_357 = arith.constant 0 : i32
      %dma_wait3A_358 = arith.constant 0 : i32
      %dma_wait3A_359 = tpu.memref_slice %arg3[%add3A, %dma_wait3A_357, %dma_wait3A_358] : memref<32x250x80xi32, #tpu.memory_space<hbm>> -> memref<1x1x80xi32, #tpu.memory_space<hbm>>
      %dma_wait3A_360 = tpu.memref_squeeze %dma_wait3A_359 : memref<1x1x80xi32, #tpu.memory_space<hbm>> -> memref<80xi32, #tpu.memory_space<hbm>>
      %dma_wait3A_361 = arith.constant 0 : i32
      %dma_wait3A_362 = tpu.memref_slice %arg3[%add3A, %dma_wait3A_357, %dma_wait3A_361] : memref<32x250x80xi32, #tpu.memory_space<hbm>> -> memref<1x1x80xi32, #tpu.memory_space<hbm>>
      %dma_wait3A_363 = tpu.memref_squeeze %dma_wait3A_362 : memref<1x1x80xi32, #tpu.memory_space<hbm>> -> memref<80xi32, #tpu.memory_space<hbm>>
      tpu.wait_dma2 semaphore(%arg40 : memref<!tpu.dma_semaphore, #tpu.memory_space<semaphore_mem>>) src(%dma_wait3A_363 : memref<80xi32, #tpu.memory_space<hbm>>) dst(%arg20 : memref<80xi32, #tpu.memory_space<vmem>>)
      %dma_start3A_364 = arith.constant 0 : i32
      %dma_start3A_365 = arith.constant 0 : i32
      %dma_start3A_366 = tpu.memref_slice %arg2[%dma_start3A_364, %dma_start3A_365] : memref<10000x112xf32, #tpu.memory_space<hbm>> -> memref<10000x112xf32, #tpu.memory_space<hbm>>
      tpu.enqueue_indirect_dma source(%dma_start3A_366 : memref<10000x112xf32, #tpu.memory_space<hbm>>) target(%arg10 : memref<80x112xf32, #tpu.memory_space<vmem>>) offsets(%arg15 : memref<80xi32, #tpu.memory_space<vmem>>) semaphore(%arg25 : memref<!tpu.dma_semaphore, #tpu.memory_space<semaphore_mem>>)
      %dma_wait3A_367 = arith.constant 0 : i32
      %dma_wait3A_368 = arith.constant 0 : i32
      %dma_wait3A_369 = tpu.memref_slice %arg2[%dma_wait3A_367, %dma_wait3A_368] : memref<10000x112xf32, #tpu.memory_space<hbm>> -> memref<80x112xf32, #tpu.memory_space<hbm>>
      %dma_wait3A_370 = arith.constant 0 : i32
      %dma_wait3A_371 = arith.constant 0 : i32
      %dma_wait3A_372 = tpu.memref_slice %arg2[%dma_wait3A_370, %dma_wait3A_371] : memref<10000x112xf32, #tpu.memory_space<hbm>> -> memref<80x112xf32, #tpu.memory_space<hbm>>
      tpu.wait_dma2 semaphore(%arg21 : memref<!tpu.dma_semaphore, #tpu.memory_space<semaphore_mem>>) src(%dma_wait3A_372 : memref<80x112xf32, #tpu.memory_space<hbm>>) dst(%arg6 : memref<80x112xf32, #tpu.memory_space<vmem>>)
      %add3A_373 = arith.constant 5 : i32
      %add3A_374 = arith.addi %mul3A_281, %add3A_373 : i32
      %add3A_375 = arith.constant 0 : i32
      %add3A_376 = arith.addi %add3A_374, %add3A_375 : i32
      %min3A = arith.constant 249 : i32
      %min3A_377 = arith.minsi %add3A_376, %min3A : i32
      %dma_start3A_378 = arith.constant 0 : i32
      %dma_start3A_379 = tpu.memref_slice %arg3[%add3A, %min3A_377, %dma_start3A_378] : memref<32x250x80xi32, #tpu.memory_space<hbm>> -> memref<1x1x80xi32, #tpu.memory_space<hbm>>
      %dma_start3A_380 = tpu.memref_squeeze %dma_start3A_379 : memref<1x1x80xi32, #tpu.memory_space<hbm>> -> memref<80xi32, #tpu.memory_space<hbm>>
      %dma_start3A_381 = arith.constant 0 : i32
      %dma_start3A_382 = tpu.memref_slice %arg3[%add3A, %min3A_377, %dma_start3A_381] : memref<32x250x80xi32, #tpu.memory_space<hbm>> -> memref<1x1x80xi32, #tpu.memory_space<hbm>>
      %dma_start3A_383 = tpu.memref_squeeze %dma_start3A_382 : memref<1x1x80xi32, #tpu.memory_space<hbm>> -> memref<80xi32, #tpu.memory_space<hbm>>
      tpu.enqueue_dma source(%dma_start3A_383 : memref<80xi32, #tpu.memory_space<hbm>>) target(%arg11 : memref<80xi32, #tpu.memory_space<vmem>>) target_semaphore(%arg31 : memref<!tpu.dma_semaphore, #tpu.memory_space<semaphore_mem>>)
      %dma_start3A_384 = arith.constant 0 : i32
      %dma_start3A_385 = arith.constant 0 : i32
      %dma_start3A_386 = tpu.memref_slice %arg41[%dma_start3A_384, %dma_start3A_385] : memref<10000x112xf32, #tpu.memory_space<vmem_shared>> -> memref<10000x112xf32, #tpu.memory_space<vmem_shared>>
      tpu.enqueue_indirect_dma source(%arg6 : memref<80x112xf32, #tpu.memory_space<vmem>>) target(%dma_start3A_386 : memref<10000x112xf32, #tpu.memory_space<vmem_shared>>) offsets(%arg16 : memref<80xi32, #tpu.memory_space<vmem>>) semaphore(%arg26 : memref<!tpu.dma_semaphore, #tpu.memory_space<semaphore_mem>>) {add = true}
      %dma_wait3A_387 = arith.constant 0 : i32
      %dma_wait3A_388 = arith.constant 0 : i32
      %dma_wait3A_389 = tpu.memref_slice %arg2[%dma_wait3A_387, %dma_wait3A_388] : memref<10000x112xf32, #tpu.memory_space<hbm>> -> memref<80x112xf32, #tpu.memory_space<hbm>>
      %dma_wait3A_390 = arith.constant 0 : i32
      %dma_wait3A_391 = arith.constant 0 : i32
      %dma_wait3A_392 = tpu.memref_slice %arg2[%dma_wait3A_390, %dma_wait3A_391] : memref<10000x112xf32, #tpu.memory_space<hbm>> -> memref<80x112xf32, #tpu.memory_space<hbm>>
      tpu.wait_dma2 semaphore(%arg22 : memref<!tpu.dma_semaphore, #tpu.memory_space<semaphore_mem>>) src(%dma_wait3A_392 : memref<80x112xf32, #tpu.memory_space<hbm>>) dst(%arg7 : memref<80x112xf32, #tpu.memory_space<vmem>>)
      %add3A_393 = arith.constant 5 : i32
      %add3A_394 = arith.addi %mul3A_281, %add3A_393 : i32
      %add3A_395 = arith.constant 1 : i32
      %add3A_396 = arith.addi %add3A_394, %add3A_395 : i32
      %min3A_397 = arith.constant 249 : i32
      %min3A_398 = arith.minsi %add3A_396, %min3A_397 : i32
      %dma_start3A_399 = arith.constant 0 : i32
      %dma_start3A_400 = tpu.memref_slice %arg3[%add3A, %min3A_398, %dma_start3A_399] : memref<32x250x80xi32, #tpu.memory_space<hbm>> -> memref<1x1x80xi32, #tpu.memory_space<hbm>>
      %dma_start3A_401 = tpu.memref_squeeze %dma_start3A_400 : memref<1x1x80xi32, #tpu.memory_space<hbm>> -> memref<80xi32, #tpu.memory_space<hbm>>
      %dma_start3A_402 = arith.constant 0 : i32
      %dma_start3A_403 = tpu.memref_slice %arg3[%add3A, %min3A_398, %dma_start3A_402] : memref<32x250x80xi32, #tpu.memory_space<hbm>> -> memref<1x1x80xi32, #tpu.memory_space<hbm>>
      %dma_start3A_404 = tpu.memref_squeeze %dma_start3A_403 : memref<1x1x80xi32, #tpu.memory_space<hbm>> -> memref<80xi32, #tpu.memory_space<hbm>>
      tpu.enqueue_dma source(%dma_start3A_404 : memref<80xi32, #tpu.memory_space<hbm>>) target(%arg12 : memref<80xi32, #tpu.memory_space<vmem>>) target_semaphore(%arg32 : memref<!tpu.dma_semaphore, #tpu.memory_space<semaphore_mem>>)
      %dma_start3A_405 = arith.constant 0 : i32
      %dma_start3A_406 = arith.constant 0 : i32
      %dma_start3A_407 = tpu.memref_slice %arg41[%dma_start3A_405, %dma_start3A_406] : memref<10000x112xf32, #tpu.memory_space<vmem_shared>> -> memref<10000x112xf32, #tpu.memory_space<vmem_shared>>
      tpu.enqueue_indirect_dma source(%arg7 : memref<80x112xf32, #tpu.memory_space<vmem>>) target(%dma_start3A_407 : memref<10000x112xf32, #tpu.memory_space<vmem_shared>>) offsets(%arg17 : memref<80xi32, #tpu.memory_space<vmem>>) semaphore(%arg27 : memref<!tpu.dma_semaphore, #tpu.memory_space<semaphore_mem>>) {add = true}
      %dma_wait3A_408 = arith.constant 0 : i32
      %dma_wait3A_409 = arith.constant 0 : i32
      %dma_wait3A_410 = tpu.memref_slice %arg2[%dma_wait3A_408, %dma_wait3A_409] : memref<10000x112xf32, #tpu.memory_space<hbm>> -> memref<80x112xf32, #tpu.memory_space<hbm>>
      %dma_wait3A_411 = arith.constant 0 : i32
      %dma_wait3A_412 = arith.constant 0 : i32
      %dma_wait3A_413 = tpu.memref_slice %arg2[%dma_wait3A_411, %dma_wait3A_412] : memref<10000x112xf32, #tpu.memory_space<hbm>> -> memref<80x112xf32, #tpu.memory_space<hbm>>
      tpu.wait_dma2 semaphore(%arg23 : memref<!tpu.dma_semaphore, #tpu.memory_space<semaphore_mem>>) src(%dma_wait3A_413 : memref<80x112xf32, #tpu.memory_space<hbm>>) dst(%arg8 : memref<80x112xf32, #tpu.memory_space<vmem>>)
      %add3A_414 = arith.constant 5 : i32
      %add3A_415 = arith.addi %mul3A_281, %add3A_414 : i32
      %add3A_416 = arith.constant 2 : i32
      %add3A_417 = arith.addi %add3A_415, %add3A_416 : i32
      %min3A_418 = arith.constant 249 : i32
      %min3A_419 = arith.minsi %add3A_417, %min3A_418 : i32
      %dma_start3A_420 = arith.constant 0 : i32
      %dma_start3A_421 = tpu.memref_slice %arg3[%add3A, %min3A_419, %dma_start3A_420] : memref<32x250x80xi32, #tpu.memory_space<hbm>> -> memref<1x1x80xi32, #tpu.memory_space<hbm>>
      %dma_start3A_422 = tpu.memref_squeeze %dma_start3A_421 : memref<1x1x80xi32, #tpu.memory_space<hbm>> -> memref<80xi32, #tpu.memory_space<hbm>>
      %dma_start3A_423 = arith.constant 0 : i32
      %dma_start3A_424 = tpu.memref_slice %arg3[%add3A, %min3A_419, %dma_start3A_423] : memref<32x250x80xi32, #tpu.memory_space<hbm>> -> memref<1x1x80xi32, #tpu.memory_space<hbm>>
      %dma_start3A_425 = tpu.memref_squeeze %dma_start3A_424 : memref<1x1x80xi32, #tpu.memory_space<hbm>> -> memref<80xi32, #tpu.memory_space<hbm>>
      tpu.enqueue_dma source(%dma_start3A_425 : memref<80xi32, #tpu.memory_space<hbm>>) target(%arg13 : memref<80xi32, #tpu.memory_space<vmem>>) target_semaphore(%arg33 : memref<!tpu.dma_semaphore, #tpu.memory_space<semaphore_mem>>)
      %dma_start3A_426 = arith.constant 0 : i32
      %dma_start3A_427 = arith.constant 0 : i32
      %dma_start3A_428 = tpu.memref_slice %arg41[%dma_start3A_426, %dma_start3A_427] : memref<10000x112xf32, #tpu.memory_space<vmem_shared>> -> memref<10000x112xf32, #tpu.memory_space<vmem_shared>>
      tpu.enqueue_indirect_dma source(%arg8 : memref<80x112xf32, #tpu.memory_space<vmem>>) target(%dma_start3A_428 : memref<10000x112xf32, #tpu.memory_space<vmem_shared>>) offsets(%arg18 : memref<80xi32, #tpu.memory_space<vmem>>) semaphore(%arg28 : memref<!tpu.dma_semaphore, #tpu.memory_space<semaphore_mem>>) {add = true}
      %dma_wait3A_429 = arith.constant 0 : i32
      %dma_wait3A_430 = arith.constant 0 : i32
      %dma_wait3A_431 = tpu.memref_slice %arg2[%dma_wait3A_429, %dma_wait3A_430] : memref<10000x112xf32, #tpu.memory_space<hbm>> -> memref<80x112xf32, #tpu.memory_space<hbm>>
      %dma_wait3A_432 = arith.constant 0 : i32
      %dma_wait3A_433 = arith.constant 0 : i32
      %dma_wait3A_434 = tpu.memref_slice %arg2[%dma_wait3A_432, %dma_wait3A_433] : memref<10000x112xf32, #tpu.memory_space<hbm>> -> memref<80x112xf32, #tpu.memory_space<hbm>>
      tpu.wait_dma2 semaphore(%arg24 : memref<!tpu.dma_semaphore, #tpu.memory_space<semaphore_mem>>) src(%dma_wait3A_434 : memref<80x112xf32, #tpu.memory_space<hbm>>) dst(%arg9 : memref<80x112xf32, #tpu.memory_space<vmem>>)
      %add3A_435 = arith.constant 5 : i32
      %add3A_436 = arith.addi %mul3A_281, %add3A_435 : i32
      %add3A_437 = arith.constant 3 : i32
      %add3A_438 = arith.addi %add3A_436, %add3A_437 : i32
      %min3A_439 = arith.constant 249 : i32
      %min3A_440 = arith.minsi %add3A_438, %min3A_439 : i32
      %dma_start3A_441 = arith.constant 0 : i32
      %dma_start3A_442 = tpu.memref_slice %arg3[%add3A, %min3A_440, %dma_start3A_441] : memref<32x250x80xi32, #tpu.memory_space<hbm>> -> memref<1x1x80xi32, #tpu.memory_space<hbm>>
      %dma_start3A_443 = tpu.memref_squeeze %dma_start3A_442 : memref<1x1x80xi32, #tpu.memory_space<hbm>> -> memref<80xi32, #tpu.memory_space<hbm>>
      %dma_start3A_444 = arith.constant 0 : i32
      %dma_start3A_445 = tpu.memref_slice %arg3[%add3A, %min3A_440, %dma_start3A_444] : memref<32x250x80xi32, #tpu.memory_space<hbm>> -> memref<1x1x80xi32, #tpu.memory_space<hbm>>
      %dma_start3A_446 = tpu.memref_squeeze %dma_start3A_445 : memref<1x1x80xi32, #tpu.memory_space<hbm>> -> memref<80xi32, #tpu.memory_space<hbm>>
      tpu.enqueue_dma source(%dma_start3A_446 : memref<80xi32, #tpu.memory_space<hbm>>) target(%arg14 : memref<80xi32, #tpu.memory_space<vmem>>) target_semaphore(%arg34 : memref<!tpu.dma_semaphore, #tpu.memory_space<semaphore_mem>>)
      %dma_start3A_447 = arith.constant 0 : i32
      %dma_start3A_448 = arith.constant 0 : i32
      %dma_start3A_449 = tpu.memref_slice %arg41[%dma_start3A_447, %dma_start3A_448] : memref<10000x112xf32, #tpu.memory_space<vmem_shared>> -> memref<10000x112xf32, #tpu.memory_space<vmem_shared>>
      tpu.enqueue_indirect_dma source(%arg9 : memref<80x112xf32, #tpu.memory_space<vmem>>) target(%dma_start3A_449 : memref<10000x112xf32, #tpu.memory_space<vmem_shared>>) offsets(%arg19 : memref<80xi32, #tpu.memory_space<vmem>>) semaphore(%arg29 : memref<!tpu.dma_semaphore, #tpu.memory_space<semaphore_mem>>) {add = true}
      %dma_wait3A_450 = arith.constant 0 : i32
      %dma_wait3A_451 = arith.constant 0 : i32
      %dma_wait3A_452 = tpu.memref_slice %arg2[%dma_wait3A_450, %dma_wait3A_451] : memref<10000x112xf32, #tpu.memory_space<hbm>> -> memref<80x112xf32, #tpu.memory_space<hbm>>
      %dma_wait3A_453 = arith.constant 0 : i32
      %dma_wait3A_454 = arith.constant 0 : i32
      %dma_wait3A_455 = tpu.memref_slice %arg2[%dma_wait3A_453, %dma_wait3A_454] : memref<10000x112xf32, #tpu.memory_space<hbm>> -> memref<80x112xf32, #tpu.memory_space<hbm>>
      tpu.wait_dma2 semaphore(%arg25 : memref<!tpu.dma_semaphore, #tpu.memory_space<semaphore_mem>>) src(%dma_wait3A_455 : memref<80x112xf32, #tpu.memory_space<hbm>>) dst(%arg10 : memref<80x112xf32, #tpu.memory_space<vmem>>)
      %add3A_456 = arith.constant 5 : i32
      %add3A_457 = arith.addi %mul3A_281, %add3A_456 : i32
      %add3A_458 = arith.constant 4 : i32
      %add3A_459 = arith.addi %add3A_457, %add3A_458 : i32
      %min3A_460 = arith.constant 249 : i32
      %min3A_461 = arith.minsi %add3A_459, %min3A_460 : i32
      %dma_start3A_462 = arith.constant 0 : i32
      %dma_start3A_463 = tpu.memref_slice %arg3[%add3A, %min3A_461, %dma_start3A_462] : memref<32x250x80xi32, #tpu.memory_space<hbm>> -> memref<1x1x80xi32, #tpu.memory_space<hbm>>
      %dma_start3A_464 = tpu.memref_squeeze %dma_start3A_463 : memref<1x1x80xi32, #tpu.memory_space<hbm>> -> memref<80xi32, #tpu.memory_space<hbm>>
      %dma_start3A_465 = arith.constant 0 : i32
      %dma_start3A_466 = tpu.memref_slice %arg3[%add3A, %min3A_461, %dma_start3A_465] : memref<32x250x80xi32, #tpu.memory_space<hbm>> -> memref<1x1x80xi32, #tpu.memory_space<hbm>>
      %dma_start3A_467 = tpu.memref_squeeze %dma_start3A_466 : memref<1x1x80xi32, #tpu.memory_space<hbm>> -> memref<80xi32, #tpu.memory_space<hbm>>
      tpu.enqueue_dma source(%dma_start3A_467 : memref<80xi32, #tpu.memory_space<hbm>>) target(%arg15 : memref<80xi32, #tpu.memory_space<vmem>>) target_semaphore(%arg35 : memref<!tpu.dma_semaphore, #tpu.memory_space<semaphore_mem>>)
      %dma_start3A_468 = arith.constant 0 : i32
      %dma_start3A_469 = arith.constant 0 : i32
      %dma_start3A_470 = tpu.memref_slice %arg41[%dma_start3A_468, %dma_start3A_469] : memref<10000x112xf32, #tpu.memory_space<vmem_shared>> -> memref<10000x112xf32, #tpu.memory_space<vmem_shared>>
      tpu.enqueue_indirect_dma source(%arg10 : memref<80x112xf32, #tpu.memory_space<vmem>>) target(%dma_start3A_470 : memref<10000x112xf32, #tpu.memory_space<vmem_shared>>) offsets(%arg20 : memref<80xi32, #tpu.memory_space<vmem>>) semaphore(%arg30 : memref<!tpu.dma_semaphore, #tpu.memory_space<semaphore_mem>>) {add = true}
      %dma_wait3A_471 = arith.constant 0 : i32
      %dma_wait3A_472 = arith.constant 0 : i32
      %dma_wait3A_473 = tpu.memref_slice %arg2[%dma_wait3A_471, %dma_wait3A_472] : memref<10000x112xf32, #tpu.memory_space<hbm>> -> memref<80x112xf32, #tpu.memory_space<hbm>>
      %dma_wait3A_474 = arith.constant 0 : i32
      %dma_wait3A_475 = arith.constant 0 : i32
      %dma_wait3A_476 = tpu.memref_slice %arg2[%dma_wait3A_474, %dma_wait3A_475] : memref<10000x112xf32, #tpu.memory_space<hbm>> -> memref<80x112xf32, #tpu.memory_space<hbm>>
      tpu.wait_dma2 semaphore(%arg26 : memref<!tpu.dma_semaphore, #tpu.memory_space<semaphore_mem>>) src(%dma_wait3A_476 : memref<80x112xf32, #tpu.memory_space<hbm>>) dst(%arg6 : memref<80x112xf32, #tpu.memory_space<vmem>>)
      %add3A_477 = arith.constant 5 : i32
      %add3A_478 = arith.addi %mul3A_281, %add3A_477 : i32
      %add3A_479 = arith.constant 0 : i32
      %add3A_480 = arith.addi %add3A_478, %add3A_479 : i32
      %min3A_481 = arith.constant 249 : i32
      %min3A_482 = arith.minsi %add3A_480, %min3A_481 : i32
      %dma_start3A_483 = arith.constant 0 : i32
      %dma_start3A_484 = tpu.memref_slice %arg4[%add3A, %min3A_482, %dma_start3A_483] : memref<32x250x80xi32, #tpu.memory_space<hbm>> -> memref<1x1x80xi32, #tpu.memory_space<hbm>>
      %dma_start3A_485 = tpu.memref_squeeze %dma_start3A_484 : memref<1x1x80xi32, #tpu.memory_space<hbm>> -> memref<80xi32, #tpu.memory_space<hbm>>
      %dma_start3A_486 = arith.constant 0 : i32
      %dma_start3A_487 = tpu.memref_slice %arg4[%add3A, %min3A_482, %dma_start3A_486] : memref<32x250x80xi32, #tpu.memory_space<hbm>> -> memref<1x1x80xi32, #tpu.memory_space<hbm>>
      %dma_start3A_488 = tpu.memref_squeeze %dma_start3A_487 : memref<1x1x80xi32, #tpu.memory_space<hbm>> -> memref<80xi32, #tpu.memory_space<hbm>>
      tpu.enqueue_dma source(%dma_start3A_488 : memref<80xi32, #tpu.memory_space<hbm>>) target(%arg16 : memref<80xi32, #tpu.memory_space<vmem>>) target_semaphore(%arg36 : memref<!tpu.dma_semaphore, #tpu.memory_space<semaphore_mem>>)
      %dma_wait3A_489 = arith.constant 0 : i32
      %dma_wait3A_490 = arith.constant 0 : i32
      %dma_wait3A_491 = tpu.memref_slice %arg2[%dma_wait3A_489, %dma_wait3A_490] : memref<10000x112xf32, #tpu.memory_space<hbm>> -> memref<80x112xf32, #tpu.memory_space<hbm>>
      %dma_wait3A_492 = arith.constant 0 : i32
      %dma_wait3A_493 = arith.constant 0 : i32
      %dma_wait3A_494 = tpu.memref_slice %arg2[%dma_wait3A_492, %dma_wait3A_493] : memref<10000x112xf32, #tpu.memory_space<hbm>> -> memref<80x112xf32, #tpu.memory_space<hbm>>
      tpu.wait_dma2 semaphore(%arg27 : memref<!tpu.dma_semaphore, #tpu.memory_space<semaphore_mem>>) src(%dma_wait3A_494 : memref<80x112xf32, #tpu.memory_space<hbm>>) dst(%arg7 : memref<80x112xf32, #tpu.memory_space<vmem>>)
      %add3A_495 = arith.constant 5 : i32
      %add3A_496 = arith.addi %mul3A_281, %add3A_495 : i32
      %add3A_497 = arith.constant 1 : i32
      %add3A_498 = arith.addi %add3A_496, %add3A_497 : i32
      %min3A_499 = arith.constant 249 : i32
      %min3A_500 = arith.minsi %add3A_498, %min3A_499 : i32
      %dma_start3A_501 = arith.constant 0 : i32
      %dma_start3A_502 = tpu.memref_slice %arg4[%add3A, %min3A_500, %dma_start3A_501] : memref<32x250x80xi32, #tpu.memory_space<hbm>> -> memref<1x1x80xi32, #tpu.memory_space<hbm>>
      %dma_start3A_503 = tpu.memref_squeeze %dma_start3A_502 : memref<1x1x80xi32, #tpu.memory_space<hbm>> -> memref<80xi32, #tpu.memory_space<hbm>>
      %dma_start3A_504 = arith.constant 0 : i32
      %dma_start3A_505 = tpu.memref_slice %arg4[%add3A, %min3A_500, %dma_start3A_504] : memref<32x250x80xi32, #tpu.memory_space<hbm>> -> memref<1x1x80xi32, #tpu.memory_space<hbm>>
      %dma_start3A_506 = tpu.memref_squeeze %dma_start3A_505 : memref<1x1x80xi32, #tpu.memory_space<hbm>> -> memref<80xi32, #tpu.memory_space<hbm>>
      tpu.enqueue_dma source(%dma_start3A_506 : memref<80xi32, #tpu.memory_space<hbm>>) target(%arg17 : memref<80xi32, #tpu.memory_space<vmem>>) target_semaphore(%arg37 : memref<!tpu.dma_semaphore, #tpu.memory_space<semaphore_mem>>)
      %dma_wait3A_507 = arith.constant 0 : i32
      %dma_wait3A_508 = arith.constant 0 : i32
      %dma_wait3A_509 = tpu.memref_slice %arg2[%dma_wait3A_507, %dma_wait3A_508] : memref<10000x112xf32, #tpu.memory_space<hbm>> -> memref<80x112xf32, #tpu.memory_space<hbm>>
      %dma_wait3A_510 = arith.constant 0 : i32
      %dma_wait3A_511 = arith.constant 0 : i32
      %dma_wait3A_512 = tpu.memref_slice %arg2[%dma_wait3A_510, %dma_wait3A_511] : memref<10000x112xf32, #tpu.memory_space<hbm>> -> memref<80x112xf32, #tpu.memory_space<hbm>>
      tpu.wait_dma2 semaphore(%arg28 : memref<!tpu.dma_semaphore, #tpu.memory_space<semaphore_mem>>) src(%dma_wait3A_512 : memref<80x112xf32, #tpu.memory_space<hbm>>) dst(%arg8 : memref<80x112xf32, #tpu.memory_space<vmem>>)
      %add3A_513 = arith.constant 5 : i32
      %add3A_514 = arith.addi %mul3A_281, %add3A_513 : i32
      %add3A_515 = arith.constant 2 : i32
      %add3A_516 = arith.addi %add3A_514, %add3A_515 : i32
      %min3A_517 = arith.constant 249 : i32
      %min3A_518 = arith.minsi %add3A_516, %min3A_517 : i32
      %dma_start3A_519 = arith.constant 0 : i32
      %dma_start3A_520 = tpu.memref_slice %arg4[%add3A, %min3A_518, %dma_start3A_519] : memref<32x250x80xi32, #tpu.memory_space<hbm>> -> memref<1x1x80xi32, #tpu.memory_space<hbm>>
      %dma_start3A_521 = tpu.memref_squeeze %dma_start3A_520 : memref<1x1x80xi32, #tpu.memory_space<hbm>> -> memref<80xi32, #tpu.memory_space<hbm>>
      %dma_start3A_522 = arith.constant 0 : i32
      %dma_start3A_523 = tpu.memref_slice %arg4[%add3A, %min3A_518, %dma_start3A_522] : memref<32x250x80xi32, #tpu.memory_space<hbm>> -> memref<1x1x80xi32, #tpu.memory_space<hbm>>
      %dma_start3A_524 = tpu.memref_squeeze %dma_start3A_523 : memref<1x1x80xi32, #tpu.memory_space<hbm>> -> memref<80xi32, #tpu.memory_space<hbm>>
      tpu.enqueue_dma source(%dma_start3A_524 : memref<80xi32, #tpu.memory_space<hbm>>) target(%arg18 : memref<80xi32, #tpu.memory_space<vmem>>) target_semaphore(%arg38 : memref<!tpu.dma_semaphore, #tpu.memory_space<semaphore_mem>>)
      %dma_wait3A_525 = arith.constant 0 : i32
      %dma_wait3A_526 = arith.constant 0 : i32
      %dma_wait3A_527 = tpu.memref_slice %arg2[%dma_wait3A_525, %dma_wait3A_526] : memref<10000x112xf32, #tpu.memory_space<hbm>> -> memref<80x112xf32, #tpu.memory_space<hbm>>
      %dma_wait3A_528 = arith.constant 0 : i32
      %dma_wait3A_529 = arith.constant 0 : i32
      %dma_wait3A_530 = tpu.memref_slice %arg2[%dma_wait3A_528, %dma_wait3A_529] : memref<10000x112xf32, #tpu.memory_space<hbm>> -> memref<80x112xf32, #tpu.memory_space<hbm>>
      tpu.wait_dma2 semaphore(%arg29 : memref<!tpu.dma_semaphore, #tpu.memory_space<semaphore_mem>>) src(%dma_wait3A_530 : memref<80x112xf32, #tpu.memory_space<hbm>>) dst(%arg9 : memref<80x112xf32, #tpu.memory_space<vmem>>)
      %add3A_531 = arith.constant 5 : i32
      %add3A_532 = arith.addi %mul3A_281, %add3A_531 : i32
      %add3A_533 = arith.constant 3 : i32
      %add3A_534 = arith.addi %add3A_532, %add3A_533 : i32
      %min3A_535 = arith.constant 249 : i32
      %min3A_536 = arith.minsi %add3A_534, %min3A_535 : i32
      %dma_start3A_537 = arith.constant 0 : i32
      %dma_start3A_538 = tpu.memref_slice %arg4[%add3A, %min3A_536, %dma_start3A_537] : memref<32x250x80xi32, #tpu.memory_space<hbm>> -> memref<1x1x80xi32, #tpu.memory_space<hbm>>
      %dma_start3A_539 = tpu.memref_squeeze %dma_start3A_538 : memref<1x1x80xi32, #tpu.memory_space<hbm>> -> memref<80xi32, #tpu.memory_space<hbm>>
      %dma_start3A_540 = arith.constant 0 : i32
      %dma_start3A_541 = tpu.memref_slice %arg4[%add3A, %min3A_536, %dma_start3A_540] : memref<32x250x80xi32, #tpu.memory_space<hbm>> -> memref<1x1x80xi32, #tpu.memory_space<hbm>>
      %dma_start3A_542 = tpu.memref_squeeze %dma_start3A_541 : memref<1x1x80xi32, #tpu.memory_space<hbm>> -> memref<80xi32, #tpu.memory_space<hbm>>
      tpu.enqueue_dma source(%dma_start3A_542 : memref<80xi32, #tpu.memory_space<hbm>>) target(%arg19 : memref<80xi32, #tpu.memory_space<vmem>>) target_semaphore(%arg39 : memref<!tpu.dma_semaphore, #tpu.memory_space<semaphore_mem>>)
      %dma_wait3A_543 = arith.constant 0 : i32
      %dma_wait3A_544 = arith.constant 0 : i32
      %dma_wait3A_545 = tpu.memref_slice %arg2[%dma_wait3A_543, %dma_wait3A_544] : memref<10000x112xf32, #tpu.memory_space<hbm>> -> memref<80x112xf32, #tpu.memory_space<hbm>>
      %dma_wait3A_546 = arith.constant 0 : i32
      %dma_wait3A_547 = arith.constant 0 : i32
      %dma_wait3A_548 = tpu.memref_slice %arg2[%dma_wait3A_546, %dma_wait3A_547] : memref<10000x112xf32, #tpu.memory_space<hbm>> -> memref<80x112xf32, #tpu.memory_space<hbm>>
      tpu.wait_dma2 semaphore(%arg30 : memref<!tpu.dma_semaphore, #tpu.memory_space<semaphore_mem>>) src(%dma_wait3A_548 : memref<80x112xf32, #tpu.memory_space<hbm>>) dst(%arg10 : memref<80x112xf32, #tpu.memory_space<vmem>>)
      %add3A_549 = arith.constant 5 : i32
      %add3A_550 = arith.addi %mul3A_281, %add3A_549 : i32
      %add3A_551 = arith.constant 4 : i32
      %add3A_552 = arith.addi %add3A_550, %add3A_551 : i32
      %min3A_553 = arith.constant 249 : i32
      %min3A_554 = arith.minsi %add3A_552, %min3A_553 : i32
      %dma_start3A_555 = arith.constant 0 : i32
      %dma_start3A_556 = tpu.memref_slice %arg4[%add3A, %min3A_554, %dma_start3A_555] : memref<32x250x80xi32, #tpu.memory_space<hbm>> -> memref<1x1x80xi32, #tpu.memory_space<hbm>>
      %dma_start3A_557 = tpu.memref_squeeze %dma_start3A_556 : memref<1x1x80xi32, #tpu.memory_space<hbm>> -> memref<80xi32, #tpu.memory_space<hbm>>
      %dma_start3A_558 = arith.constant 0 : i32
      %dma_start3A_559 = tpu.memref_slice %arg4[%add3A, %min3A_554, %dma_start3A_558] : memref<32x250x80xi32, #tpu.memory_space<hbm>> -> memref<1x1x80xi32, #tpu.memory_space<hbm>>
      %dma_start3A_560 = tpu.memref_squeeze %dma_start3A_559 : memref<1x1x80xi32, #tpu.memory_space<hbm>> -> memref<80xi32, #tpu.memory_space<hbm>>
      tpu.enqueue_dma source(%dma_start3A_560 : memref<80xi32, #tpu.memory_space<hbm>>) target(%arg20 : memref<80xi32, #tpu.memory_space<vmem>>) target_semaphore(%arg40 : memref<!tpu.dma_semaphore, #tpu.memory_space<semaphore_mem>>)
    }
    %scan3A_203 = arith.constant 50 : i32
    %dma_wait3A_204 = arith.constant 0 : i32
    %dma_wait3A_205 = arith.constant 0 : i32
    %dma_wait3A_206 = tpu.memref_slice %arg3[%add3A, %dma_wait3A_204, %dma_wait3A_205] : memref<32x250x80xi32, #tpu.memory_space<hbm>> -> memref<1x1x80xi32, #tpu.memory_space<hbm>>
    %dma_wait3A_207 = tpu.memref_squeeze %dma_wait3A_206 : memref<1x1x80xi32, #tpu.memory_space<hbm>> -> memref<80xi32, #tpu.memory_space<hbm>>
    %dma_wait3A_208 = arith.constant 0 : i32
    %dma_wait3A_209 = tpu.memref_slice %arg3[%add3A, %dma_wait3A_204, %dma_wait3A_208] : memref<32x250x80xi32, #tpu.memory_space<hbm>> -> memref<1x1x80xi32, #tpu.memory_space<hbm>>
    %dma_wait3A_210 = tpu.memref_squeeze %dma_wait3A_209 : memref<1x1x80xi32, #tpu.memory_space<hbm>> -> memref<80xi32, #tpu.memory_space<hbm>>
    tpu.wait_dma2 semaphore(%arg31 : memref<!tpu.dma_semaphore, #tpu.memory_space<semaphore_mem>>) src(%dma_wait3A_210 : memref<80xi32, #tpu.memory_space<hbm>>) dst(%arg11 : memref<80xi32, #tpu.memory_space<vmem>>)
    %dma_wait3A_211 = arith.constant 0 : i32
    %dma_wait3A_212 = arith.constant 0 : i32
    %dma_wait3A_213 = tpu.memref_slice %arg3[%add3A, %dma_wait3A_211, %dma_wait3A_212] : memref<32x250x80xi32, #tpu.memory_space<hbm>> -> memref<1x1x80xi32, #tpu.memory_space<hbm>>
    %dma_wait3A_214 = tpu.memref_squeeze %dma_wait3A_213 : memref<1x1x80xi32, #tpu.memory_space<hbm>> -> memref<80xi32, #tpu.memory_space<hbm>>
    %dma_wait3A_215 = arith.constant 0 : i32
    %dma_wait3A_216 = tpu.memref_slice %arg3[%add3A, %dma_wait3A_211, %dma_wait3A_215] : memref<32x250x80xi32, #tpu.memory_space<hbm>> -> memref<1x1x80xi32, #tpu.memory_space<hbm>>
    %dma_wait3A_217 = tpu.memref_squeeze %dma_wait3A_216 : memref<1x1x80xi32, #tpu.memory_space<hbm>> -> memref<80xi32, #tpu.memory_space<hbm>>
    tpu.wait_dma2 semaphore(%arg36 : memref<!tpu.dma_semaphore, #tpu.memory_space<semaphore_mem>>) src(%dma_wait3A_217 : memref<80xi32, #tpu.memory_space<hbm>>) dst(%arg16 : memref<80xi32, #tpu.memory_space<vmem>>)
    %dma_wait3A_218 = arith.constant 0 : i32
    %dma_wait3A_219 = arith.constant 0 : i32
    %dma_wait3A_220 = tpu.memref_slice %arg3[%add3A, %dma_wait3A_218, %dma_wait3A_219] : memref<32x250x80xi32, #tpu.memory_space<hbm>> -> memref<1x1x80xi32, #tpu.memory_space<hbm>>
    %dma_wait3A_221 = tpu.memref_squeeze %dma_wait3A_220 : memref<1x1x80xi32, #tpu.memory_space<hbm>> -> memref<80xi32, #tpu.memory_space<hbm>>
    %dma_wait3A_222 = arith.constant 0 : i32
    %dma_wait3A_223 = tpu.memref_slice %arg3[%add3A, %dma_wait3A_218, %dma_wait3A_222] : memref<32x250x80xi32, #tpu.memory_space<hbm>> -> memref<1x1x80xi32, #tpu.memory_space<hbm>>
    %dma_wait3A_224 = tpu.memref_squeeze %dma_wait3A_223 : memref<1x1x80xi32, #tpu.memory_space<hbm>> -> memref<80xi32, #tpu.memory_space<hbm>>
    tpu.wait_dma2 semaphore(%arg32 : memref<!tpu.dma_semaphore, #tpu.memory_space<semaphore_mem>>) src(%dma_wait3A_224 : memref<80xi32, #tpu.memory_space<hbm>>) dst(%arg12 : memref<80xi32, #tpu.memory_space<vmem>>)
    %dma_wait3A_225 = arith.constant 0 : i32
    %dma_wait3A_226 = arith.constant 0 : i32
    %dma_wait3A_227 = tpu.memref_slice %arg3[%add3A, %dma_wait3A_225, %dma_wait3A_226] : memref<32x250x80xi32, #tpu.memory_space<hbm>> -> memref<1x1x80xi32, #tpu.memory_space<hbm>>
    %dma_wait3A_228 = tpu.memref_squeeze %dma_wait3A_227 : memref<1x1x80xi32, #tpu.memory_space<hbm>> -> memref<80xi32, #tpu.memory_space<hbm>>
    %dma_wait3A_229 = arith.constant 0 : i32
    %dma_wait3A_230 = tpu.memref_slice %arg3[%add3A, %dma_wait3A_225, %dma_wait3A_229] : memref<32x250x80xi32, #tpu.memory_space<hbm>> -> memref<1x1x80xi32, #tpu.memory_space<hbm>>
    %dma_wait3A_231 = tpu.memref_squeeze %dma_wait3A_230 : memref<1x1x80xi32, #tpu.memory_space<hbm>> -> memref<80xi32, #tpu.memory_space<hbm>>
    tpu.wait_dma2 semaphore(%arg37 : memref<!tpu.dma_semaphore, #tpu.memory_space<semaphore_mem>>) src(%dma_wait3A_231 : memref<80xi32, #tpu.memory_space<hbm>>) dst(%arg17 : memref<80xi32, #tpu.memory_space<vmem>>)
    %dma_wait3A_232 = arith.constant 0 : i32
    %dma_wait3A_233 = arith.constant 0 : i32
    %dma_wait3A_234 = tpu.memref_slice %arg3[%add3A, %dma_wait3A_232, %dma_wait3A_233] : memref<32x250x80xi32, #tpu.memory_space<hbm>> -> memref<1x1x80xi32, #tpu.memory_space<hbm>>
    %dma_wait3A_235 = tpu.memref_squeeze %dma_wait3A_234 : memref<1x1x80xi32, #tpu.memory_space<hbm>> -> memref<80xi32, #tpu.memory_space<hbm>>
    %dma_wait3A_236 = arith.constant 0 : i32
    %dma_wait3A_237 = tpu.memref_slice %arg3[%add3A, %dma_wait3A_232, %dma_wait3A_236] : memref<32x250x80xi32, #tpu.memory_space<hbm>> -> memref<1x1x80xi32, #tpu.memory_space<hbm>>
    %dma_wait3A_238 = tpu.memref_squeeze %dma_wait3A_237 : memref<1x1x80xi32, #tpu.memory_space<hbm>> -> memref<80xi32, #tpu.memory_space<hbm>>
    tpu.wait_dma2 semaphore(%arg33 : memref<!tpu.dma_semaphore, #tpu.memory_space<semaphore_mem>>) src(%dma_wait3A_238 : memref<80xi32, #tpu.memory_space<hbm>>) dst(%arg13 : memref<80xi32, #tpu.memory_space<vmem>>)
    %dma_wait3A_239 = arith.constant 0 : i32
    %dma_wait3A_240 = arith.constant 0 : i32
    %dma_wait3A_241 = tpu.memref_slice %arg3[%add3A, %dma_wait3A_239, %dma_wait3A_240] : memref<32x250x80xi32, #tpu.memory_space<hbm>> -> memref<1x1x80xi32, #tpu.memory_space<hbm>>
    %dma_wait3A_242 = tpu.memref_squeeze %dma_wait3A_241 : memref<1x1x80xi32, #tpu.memory_space<hbm>> -> memref<80xi32, #tpu.memory_space<hbm>>
    %dma_wait3A_243 = arith.constant 0 : i32
    %dma_wait3A_244 = tpu.memref_slice %arg3[%add3A, %dma_wait3A_239, %dma_wait3A_243] : memref<32x250x80xi32, #tpu.memory_space<hbm>> -> memref<1x1x80xi32, #tpu.memory_space<hbm>>
    %dma_wait3A_245 = tpu.memref_squeeze %dma_wait3A_244 : memref<1x1x80xi32, #tpu.memory_space<hbm>> -> memref<80xi32, #tpu.memory_space<hbm>>
    tpu.wait_dma2 semaphore(%arg38 : memref<!tpu.dma_semaphore, #tpu.memory_space<semaphore_mem>>) src(%dma_wait3A_245 : memref<80xi32, #tpu.memory_space<hbm>>) dst(%arg18 : memref<80xi32, #tpu.memory_space<vmem>>)
    %dma_wait3A_246 = arith.constant 0 : i32
    %dma_wait3A_247 = arith.constant 0 : i32
    %dma_wait3A_248 = tpu.memref_slice %arg3[%add3A, %dma_wait3A_246, %dma_wait3A_247] : memref<32x250x80xi32, #tpu.memory_space<hbm>> -> memref<1x1x80xi32, #tpu.memory_space<hbm>>
    %dma_wait3A_249 = tpu.memref_squeeze %dma_wait3A_248 : memref<1x1x80xi32, #tpu.memory_space<hbm>> -> memref<80xi32, #tpu.memory_space<hbm>>
    %dma_wait3A_250 = arith.constant 0 : i32
    %dma_wait3A_251 = tpu.memref_slice %arg3[%add3A, %dma_wait3A_246, %dma_wait3A_250] : memref<32x250x80xi32, #tpu.memory_space<hbm>> -> memref<1x1x80xi32, #tpu.memory_space<hbm>>
    %dma_wait3A_252 = tpu.memref_squeeze %dma_wait3A_251 : memref<1x1x80xi32, #tpu.memory_space<hbm>> -> memref<80xi32, #tpu.memory_space<hbm>>
    tpu.wait_dma2 semaphore(%arg34 : memref<!tpu.dma_semaphore, #tpu.memory_space<semaphore_mem>>) src(%dma_wait3A_252 : memref<80xi32, #tpu.memory_space<hbm>>) dst(%arg14 : memref<80xi32, #tpu.memory_space<vmem>>)
    %dma_wait3A_253 = arith.constant 0 : i32
    %dma_wait3A_254 = arith.constant 0 : i32
    %dma_wait3A_255 = tpu.memref_slice %arg3[%add3A, %dma_wait3A_253, %dma_wait3A_254] : memref<32x250x80xi32, #tpu.memory_space<hbm>> -> memref<1x1x80xi32, #tpu.memory_space<hbm>>
    %dma_wait3A_256 = tpu.memref_squeeze %dma_wait3A_255 : memref<1x1x80xi32, #tpu.memory_space<hbm>> -> memref<80xi32, #tpu.memory_space<hbm>>
    %dma_wait3A_257 = arith.constant 0 : i32
    %dma_wait3A_258 = tpu.memref_slice %arg3[%add3A, %dma_wait3A_253, %dma_wait3A_257] : memref<32x250x80xi32, #tpu.memory_space<hbm>> -> memref<1x1x80xi32, #tpu.memory_space<hbm>>
    %dma_wait3A_259 = tpu.memref_squeeze %dma_wait3A_258 : memref<1x1x80xi32, #tpu.memory_space<hbm>> -> memref<80xi32, #tpu.memory_space<hbm>>
    tpu.wait_dma2 semaphore(%arg39 : memref<!tpu.dma_semaphore, #tpu.memory_space<semaphore_mem>>) src(%dma_wait3A_259 : memref<80xi32, #tpu.memory_space<hbm>>) dst(%arg19 : memref<80xi32, #tpu.memory_space<vmem>>)
    %dma_wait3A_260 = arith.constant 0 : i32
    %dma_wait3A_261 = arith.constant 0 : i32
    %dma_wait3A_262 = tpu.memref_slice %arg3[%add3A, %dma_wait3A_260, %dma_wait3A_261] : memref<32x250x80xi32, #tpu.memory_space<hbm>> -> memref<1x1x80xi32, #tpu.memory_space<hbm>>
    %dma_wait3A_263 = tpu.memref_squeeze %dma_wait3A_262 : memref<1x1x80xi32, #tpu.memory_space<hbm>> -> memref<80xi32, #tpu.memory_space<hbm>>
    %dma_wait3A_264 = arith.constant 0 : i32
    %dma_wait3A_265 = tpu.memref_slice %arg3[%add3A, %dma_wait3A_260, %dma_wait3A_264] : memref<32x250x80xi32, #tpu.memory_space<hbm>> -> memref<1x1x80xi32, #tpu.memory_space<hbm>>
    %dma_wait3A_266 = tpu.memref_squeeze %dma_wait3A_265 : memref<1x1x80xi32, #tpu.memory_space<hbm>> -> memref<80xi32, #tpu.memory_space<hbm>>
    tpu.wait_dma2 semaphore(%arg35 : memref<!tpu.dma_semaphore, #tpu.memory_space<semaphore_mem>>) src(%dma_wait3A_266 : memref<80xi32, #tpu.memory_space<hbm>>) dst(%arg15 : memref<80xi32, #tpu.memory_space<vmem>>)
    %dma_wait3A_267 = arith.constant 0 : i32
    %dma_wait3A_268 = arith.constant 0 : i32
    %dma_wait3A_269 = tpu.memref_slice %arg3[%add3A, %dma_wait3A_267, %dma_wait3A_268] : memref<32x250x80xi32, #tpu.memory_space<hbm>> -> memref<1x1x80xi32, #tpu.memory_space<hbm>>
    %dma_wait3A_270 = tpu.memref_squeeze %dma_wait3A_269 : memref<1x1x80xi32, #tpu.memory_space<hbm>> -> memref<80xi32, #tpu.memory_space<hbm>>
    %dma_wait3A_271 = arith.constant 0 : i32
    %dma_wait3A_272 = tpu.memref_slice %arg3[%add3A, %dma_wait3A_267, %dma_wait3A_271] : memref<32x250x80xi32, #tpu.memory_space<hbm>> -> memref<1x1x80xi32, #tpu.memory_space<hbm>>
    %dma_wait3A_273 = tpu.memref_squeeze %dma_wait3A_272 : memref<1x1x80xi32, #tpu.memory_space<hbm>> -> memref<80xi32, #tpu.memory_space<hbm>>
    tpu.wait_dma2 semaphore(%arg40 : memref<!tpu.dma_semaphore, #tpu.memory_space<semaphore_mem>>) src(%dma_wait3A_273 : memref<80xi32, #tpu.memory_space<hbm>>) dst(%arg20 : memref<80xi32, #tpu.memory_space<vmem>>)
    %barrier3A_274 = arith.constant 0 : index
    tpu.barrier barrier_id(%barrier3A_274)
    %mul3A_275 = arith.constant 625 : i32
    %mul3A_276 = arith.muli %arg1, %mul3A_275 : i32
    %mul3A_277 = arith.constant 625 : i32
    %mul3A_278 = arith.muli %arg1, %mul3A_277 : i32
    "tpu.region"() ({
      %run_scoped3A = tpu.sem_alloc : memref<!tpu.dma_semaphore, #tpu.memory_space<semaphore_mem>>
      %dma_start3A_279 = arith.constant 0 : i32
      %dma_start3A_280 = tpu.memref_slice %arg5[%arg0, %mul3A_278, %dma_start3A_279] : memref<2x10000x112xf32, #tpu.memory_space<hbm>> -> memref<1x625x112xf32, #tpu.memory_space<hbm>>
      %dma_start3A_281 = tpu.memref_squeeze %dma_start3A_280 : memref<1x625x112xf32, #tpu.memory_space<hbm>> -> memref<625x112xf32, #tpu.memory_space<hbm>>
      %dma_start3A_282 = arith.constant 0 : i32
      %dma_start3A_283 = tpu.memref_slice %arg41[%mul3A_276, %dma_start3A_282] : memref<10000x112xf32, #tpu.memory_space<vmem_shared>> -> memref<625x112xf32, #tpu.memory_space<vmem_shared>>
      tpu.enqueue_dma source(%dma_start3A_283 : memref<625x112xf32, #tpu.memory_space<vmem_shared>>) target(%dma_start3A_281 : memref<625x112xf32, #tpu.memory_space<hbm>>) target_semaphore(%run_scoped3A : memref<!tpu.dma_semaphore, #tpu.memory_space<semaphore_mem>>)
      %dma_wait3A_284 = arith.constant 0 : i32
      %dma_wait3A_285 = tpu.memref_slice %arg5[%arg0, %mul3A_278, %dma_wait3A_284] : memref<2x10000x112xf32, #tpu.memory_space<hbm>> -> memref<1x625x112xf32, #tpu.memory_space<hbm>>
      %dma_wait3A_286 = tpu.memref_squeeze %dma_wait3A_285 : memref<1x625x112xf32, #tpu.memory_space<hbm>> -> memref<625x112xf32, #tpu.memory_space<hbm>>
      %dma_wait3A_287 = arith.constant 0 : i32
      %dma_wait3A_288 = tpu.memref_slice %arg41[%mul3A_276, %dma_wait3A_287] : memref<10000x112xf32, #tpu.memory_space<vmem_shared>> -> memref<625x112xf32, #tpu.memory_space<vmem_shared>>
      tpu.wait_dma2 semaphore(%run_scoped3A : memref<!tpu.dma_semaphore, #tpu.memory_space<semaphore_mem>>) src(%dma_wait3A_288 : memref<625x112xf32, #tpu.memory_space<vmem_shared>>) dst(%dma_wait3A_286 : memref<625x112xf32, #tpu.memory_space<hbm>>)
      tpu.yield
    }) : () -> ()
    return
  }
}

module attributes {stable_mosaic.version = 14 : i64} {
  func.func @_mlp_body(%arg0: i32, %arg1: memref<2000x112xf32, #tpu.memory_space<vmem>>, %arg2: memref<1x2000x112xf32, #tpu.memory_space<vmem>>, %arg3: memref<1x2000x112xf32, #tpu.memory_space<vmem>>, %arg4: memref<112x256xf32, #tpu.memory_space<vmem>>, %arg5: memref<1x256xf32, #tpu.memory_space<vmem>>, %arg6: memref<256x256xf32, #tpu.memory_space<vmem>>, %arg7: memref<1x256xf32, #tpu.memory_space<vmem>>, %arg8: memref<256x1xf32, #tpu.memory_space<vmem>>, %arg9: memref<1x1xf32, #tpu.memory_space<vmem>>, %arg10: memref<2000x1xf32, #tpu.memory_space<vmem>>) attributes {dimension_semantics = [#tpu.dimension_semantics<arbitrary>], iteration_bounds = array<i64: 5>, scalar_prefetch = 0 : i64, scratch_operands = 0 : i64, tpu.core_type = #tpu.core_type<tc>, window_params = [{transform_indices = @transform_0, window_bounds = array<i64: 2000, 112>}, {transform_indices = @transform_1, window_bounds = array<i64: 1, 2000, 112>}, {transform_indices = @transform_2, window_bounds = array<i64: 1, 2000, 112>}, {pipeline_mode = #tpu.pipeline_mode<synchronous>, transform_indices = @transform_3, window_bounds = array<i64: 112, 256>}, {pipeline_mode = #tpu.pipeline_mode<synchronous>, transform_indices = @transform_4, window_bounds = array<i64: 1, 256>}, {pipeline_mode = #tpu.pipeline_mode<synchronous>, transform_indices = @transform_5, window_bounds = array<i64: 256, 256>}, {pipeline_mode = #tpu.pipeline_mode<synchronous>, transform_indices = @transform_6, window_bounds = array<i64: 1, 256>}, {pipeline_mode = #tpu.pipeline_mode<synchronous>, transform_indices = @transform_7, window_bounds = array<i64: 256, 1>}, {pipeline_mode = #tpu.pipeline_mode<synchronous>, transform_indices = @transform_8, window_bounds = array<i64: 1, 1>}, {transform_indices = @transform_9, window_bounds = array<i64: 2000, 1>}]} {
    %get3A = arith.constant 0 : index
    %get3A_0 = arith.constant 0 : index
    %get3A_1 = vector.load %arg1[%get3A, %get3A_0] : memref<2000x112xf32, #tpu.memory_space<vmem>>, vector<2000x112xf32>
    %get3A_2 = arith.constant 0 : index
    %get3A_3 = arith.constant 0 : index
    %get3A_4 = arith.constant 0 : index
    %get3A_5 = vector.load %arg2[%get3A_2, %get3A_3, %get3A_4] : memref<1x2000x112xf32, #tpu.memory_space<vmem>>, vector<1x2000x112xf32>
    %get3A_6 = vector.shape_cast %get3A_5 : vector<1x2000x112xf32> to vector<2000x112xf32>
    %add3A = arith.addf %get3A_1, %get3A_6 : vector<2000x112xf32>
    %get3A_7 = arith.constant 0 : index
    %get3A_8 = arith.constant 0 : index
    %get3A_9 = arith.constant 0 : index
    %get3A_10 = vector.load %arg3[%get3A_7, %get3A_8, %get3A_9] : memref<1x2000x112xf32, #tpu.memory_space<vmem>>, vector<1x2000x112xf32>
    %get3A_11 = vector.shape_cast %get3A_10 : vector<1x2000x112xf32> to vector<2000x112xf32>
    %add3A_12 = arith.addf %add3A, %get3A_11 : vector<2000x112xf32>
    %get3A_13 = arith.constant 0 : index
    %get3A_14 = arith.constant 0 : index
    %get3A_15 = vector.load %arg4[%get3A_13, %get3A_14] : memref<112x256xf32, #tpu.memory_space<vmem>>, vector<112x256xf32>
    %dot_general3A = arith.constant dense<0.000000e+00> : vector<2000x256xf32>
    %dot_general3A_16 = tpu.matmul %add3A_12, %get3A_15, %dot_general3A {dimension_numbers = #tpu.dot_dimension_numbers<[1], [0], [0], [1], [0, 0, 1, 1], [], []>, transpose_lhs_hint = false} : vector<2000x112xf32>, vector<112x256xf32>, vector<2000x256xf32> -> vector<2000x256xf32>
    %get3A_17 = arith.constant 0 : index
    %get3A_18 = arith.constant 0 : index
    %get3A_19 = vector.load %arg5[%get3A_17, %get3A_18] : memref<1x256xf32, #tpu.memory_space<vmem>>, vector<1x256xf32>
    %add3A_20 = vector.broadcast %get3A_19 : vector<1x256xf32> to vector<2000x256xf32>
    %add3A_21 = arith.addf %dot_general3A_16, %add3A_20 : vector<2000x256xf32>
    %max3A = arith.constant 0.000000e+00 : f32
    %max3A_22 = vector.broadcast %max3A : f32 to vector<2000x256xf32>
    %max3A_23 = arith.maximumf %add3A_21, %max3A_22 : vector<2000x256xf32>
    %get3A_24 = arith.constant 0 : index
    %get3A_25 = arith.constant 0 : index
    %get3A_26 = vector.load %arg6[%get3A_24, %get3A_25] : memref<256x256xf32, #tpu.memory_space<vmem>>, vector<256x256xf32>
    %dot_general3A_27 = arith.constant dense<0.000000e+00> : vector<2000x256xf32>
    %dot_general3A_28 = tpu.matmul %max3A_23, %get3A_26, %dot_general3A_27 {dimension_numbers = #tpu.dot_dimension_numbers<[1], [0], [0], [1], [0, 0, 1, 1], [], []>, transpose_lhs_hint = false} : vector<2000x256xf32>, vector<256x256xf32>, vector<2000x256xf32> -> vector<2000x256xf32>
    %get3A_29 = arith.constant 0 : index
    %get3A_30 = arith.constant 0 : index
    %get3A_31 = vector.load %arg7[%get3A_29, %get3A_30] : memref<1x256xf32, #tpu.memory_space<vmem>>, vector<1x256xf32>
    %add3A_32 = vector.broadcast %get3A_31 : vector<1x256xf32> to vector<2000x256xf32>
    %add3A_33 = arith.addf %dot_general3A_28, %add3A_32 : vector<2000x256xf32>
    %get3A_34 = arith.constant 0 : index
    %get3A_35 = arith.constant 0 : index
    %get3A_36 = vector.load %arg8[%get3A_34, %get3A_35] : memref<256x1xf32, #tpu.memory_space<vmem>>, vector<256x1xf32>
    %dot_general3A_37 = arith.constant dense<0.000000e+00> : vector<2000x1xf32>
    %dot_general3A_38 = tpu.matmul %add3A_33, %get3A_36, %dot_general3A_37 {dimension_numbers = #tpu.dot_dimension_numbers<[1], [0], [0], [1], [0, 0, 1, 1], [], []>, transpose_lhs_hint = false} : vector<2000x256xf32>, vector<256x1xf32>, vector<2000x1xf32> -> vector<2000x1xf32>
    %get3A_39 = arith.constant 0 : index
    %get3A_40 = arith.constant 0 : index
    %get3A_41 = vector.load %arg9[%get3A_39, %get3A_40] : memref<1x1xf32, #tpu.memory_space<vmem>>, vector<1x1xf32>
    %get3A_42 = vector.extract %get3A_41[0, 0] : f32 from vector<1x1xf32>
    %add3A_43 = vector.broadcast %get3A_42 : f32 to vector<2000x1xf32>
    %add3A_44 = arith.addf %dot_general3A_38, %add3A_43 : vector<2000x1xf32>
    %swap3A = arith.constant 0 : index
    %swap3A_45 = arith.constant 0 : index
    %swap3A_46 = vector.load %arg10[%swap3A, %swap3A_45] : memref<2000x1xf32, #tpu.memory_space<vmem>>, vector<2000x1xf32>
    tpu.vector_store %arg10[%swap3A, %swap3A_45], %add3A_44 {strides = array<i32>} : memref<2000x1xf32, #tpu.memory_space<vmem>>, vector<2000x1xf32>,
    return
  }
  func.func @transform_0(%arg0: i32) -> (i32, i32) {
    %c0_i32 = arith.constant 0 : i32
    %c0_i32_0 = arith.constant 0 : i32
    return %arg0, %c0_i32 : i32, i32
  }
  func.func @transform_1(%arg0: i32) -> (i32, i32, i32) {
    %c0_i32 = arith.constant 0 : i32
    %c0_i32_0 = arith.constant 0 : i32
    %c0_i32_1 = arith.constant 0 : i32
    return %c0_i32, %arg0, %c0_i32_0 : i32, i32, i32
  }
  func.func @transform_2(%arg0: i32) -> (i32, i32, i32) {
    %c1_i32 = arith.constant 1 : i32
    %c0_i32 = arith.constant 0 : i32
    %c0_i32_0 = arith.constant 0 : i32
    return %c1_i32, %arg0, %c0_i32 : i32, i32, i32
  }
  func.func @transform_3(%arg0: i32) -> (i32, i32) {
    %c0_i32 = arith.constant 0 : i32
    %c0_i32_0 = arith.constant 0 : i32
    %c0_i32_1 = arith.constant 0 : i32
    return %c0_i32, %c0_i32_0 : i32, i32
  }
  func.func @transform_4(%arg0: i32) -> (i32, i32) {
    %c0_i32 = arith.constant 0 : i32
    %c0_i32_0 = arith.constant 0 : i32
    %c0_i32_1 = arith.constant 0 : i32
    return %c0_i32, %c0_i32_0 : i32, i32
  }
  func.func @transform_5(%arg0: i32) -> (i32, i32) {
    %c0_i32 = arith.constant 0 : i32
    %c0_i32_0 = arith.constant 0 : i32
    %c0_i32_1 = arith.constant 0 : i32
    return %c0_i32, %c0_i32_0 : i32, i32
  }
  func.func @transform_6(%arg0: i32) -> (i32, i32) {
    %c0_i32 = arith.constant 0 : i32
    %c0_i32_0 = arith.constant 0 : i32
    %c0_i32_1 = arith.constant 0 : i32
    return %c0_i32, %c0_i32_0 : i32, i32
  }
  func.func @transform_7(%arg0: i32) -> (i32, i32) {
    %c0_i32 = arith.constant 0 : i32
    %c0_i32_0 = arith.constant 0 : i32
    %c0_i32_1 = arith.constant 0 : i32
    return %c0_i32, %c0_i32_0 : i32, i32
  }
  func.func @transform_8(%arg0: i32) -> (i32, i32) {
    %c0_i32 = arith.constant 0 : i32
    %c0_i32_0 = arith.constant 0 : i32
    %c0_i32_1 = arith.constant 0 : i32
    return %c0_i32, %c0_i32_0 : i32, i32
  }
  func.func @transform_9(%arg0: i32) -> (i32, i32) {
    %c0_i32 = arith.constant 0 : i32
    %c0_i32_0 = arith.constant 0 : i32
    return %arg0, %c0_i32 : i32, i32
  }
}

</mosaic_0001>

<sc_bundles>
// kernel: kernel.5.cloned.1.call-start
scs
__scs_entry_jumppad:
0x0: {  	(pc) =	sbr.rel $0x88, $3  }
0x1: {  	(tag) =	ssettag $0x0;
	lr =	simm.s32 $0x1  }
0x2: {  	[smem:$0x3F98] =	sst lr;
	_ =	strace $0xD0000000  }
0x3: {  	_ = 	snop  }
0x4: {  	_ = 	snop  }
0x5: {  	_ = 	snop  }
0x6: {  	_ = 	snop  }
0x7: {  	_ = 	snop  }
__scs_overlays_trampoline_lowered:
0x8: {  	[smem:$0x3FA7] =	sst s0  }
0x9: {  	[smem:$0x3FA8] =	sst s1  }
0xa: {  	[smem:$0x3FA9] =	sst s2  }
0xb: {  	[smem:$0x3FAA] =	sst s3  }
0xc: {  	[smem:$0x3FAB] =	sst s4  }
0xd: {  	[smem:$0x3FAC] =	sst s5  }
0xe: {  	[smem:$0x3FAD] =	sst s6  }
0xf: {  	[smem:$0x3FAE] =	sst s7  }
0x10: {  	[smem:$0x3FAF] =	sst s8  }
0x11: {  	[smem:$0x3FB0] =	sst s9;
	s0 =	simm.s32 @!p0 $0x0  }
0x12: {  	s1 =	sld [smem:$0x3F96];
	s0 =	simm.s32 @p0 $0x1  }
0x13: {  	[smem:$0x3FB1] =	sst s0;
	s0 =	simm.s32 @!p1 $0x0  }
0x14: {  	s2 =	sld [smem:$0x3F95];
	s0 =	simm.s32 @p1 $0x1  }
0x15: {  	[smem:$0x3FB2] =	sst s0;
	s0 =	simm.s32 @!p2 $0x0  }
0x16: {  	s3 =	sld [smem:$0x3FDB];
	s0 =	simm.s32 @p2 $0x1  }
0x17: {  	s4 =	simm.s32 $0x1BF5;
	[smem:$0x3FB4] =	sst s0  }
0x18: {  	s0 =	sld [smem:$0x3F97];
	_ =	swait.ge [sflag:s4], $0x0  }
0x19: {  	s7 =	sld [smem:$0x3F98]  }
0x1a: {  	s8 =	sadd.s32 $0xFFFFE003, lr  }
0x1b: {  	s9 =	sadd.s32 $0xFFFFFEF7, lr;
	s5 =	simm.s32 $0xFFFFFFFF;
	p2 =	slt.u32 s8, $0xFFFFF086  }
0x1c: {  	p1 =	slt.u32 s9, $0xF7A;
	s5 =	simm.s32 @!p2 $0x0  }
0x1d: {  	s5 =	simm.s32 @p1 $0x1;
	p0 =	seq.s32 s7, s2  }
0x1e: {  	s7 =	smul.u32 @!p0 $0xF7A, s2;
	p2 =	seq.s32 @!p0 s5, $0x0  }
0x1f: {  	s9 =	smul.u32 $0xF7A, s1;
	s8 =	simm.s32 @!p0 $0x1BF5;
	p2 =	por !p2, p0  }
0x20: {  	[sflag:s8] =	ssyncset.s32 @!p0 $0xFFFFF086;
	s6 =	sadd.s32 @!p0 s3, s7;
	s7 =	simm.s32 @!p0 $0x108  }
0x21: {  	s3 =	sadd.s32 s3, s9;
	s6 =	sadd.s32 @!p0 $0x88, s6;
	s7 =	simm.s32 @p2 $0x1082  }
0x22: {  	[simem:s7], [sflag:s8] =	dma.local @!p0 [hbm:s6], $0xF7A  }
0x23: {  	s9 =	sor.u32 $0xD0000000, s2;
	s6 =	simm.s32 $0x108;
	_ =	swait.ge @!p0 [sflag:s8], $0x0  }
0x24: {  	s3 =	sadd.s32 $0x88, s3;
	s6 =	simm.s32 @!p1 $0x1082;
	[sflag:s4] =	ssyncset.s32 $0xFFFFF086  }
0x25: {  	[simem:s6], [sflag:s4] =	dma.local [hbm:s3], $0xF7A  }
0x26: {  	[smem:$0x3F98] =	sst s1;
	(tag) =	ssettag s2;
	_ =	strace s9  }
0x27: {  	s1 =	sld [smem:$0x3FA8]  }
0x28: {  	s2 =	sld [smem:$0x3FA9]  }
0x29: {  	s4 =	sld [smem:$0x3FAB]  }
0x2a: {  	p0 =	seq.s32 s5, $0x0;
	s5 =	sld [smem:$0x3FAC]  }
0x2b: {  	s6 =	sld [smem:$0x3FAD]  }
0x2c: {  	s7 =	sld [smem:$0x3FAE]  }
0x2d: {  	s3 =	simm.s32 $0x108;
	s8 =	sld [smem:$0x3FAF]  }
0x2e: {  	s3 =	simm.s32 @!p0 $0x1082;
	s9 =	sld [smem:$0x3FB0]  }
0x2f: {  	lr =	sadd.s32 s0, s3;
	s0 =	sld [smem:$0x3FA7]  }
0x30: {  	s3 =	sld [smem:$0x3FAA]  }
0x31: {  	[smem:$0x3FB3] =	sst s10  }
0x32: {  	s10 =	sld [smem:$0x3FB1];
	_ =	sdelay $0x3  }
0x33: {  	p0 =	seq.s32 s10, $0x1;
	s10 =	sld [smem:$0x3FB3];
	_ =	sdelay $0x3  }
0x34: {  	[smem:$0x3FB3] =	sst s10  }
0x35: {  	s10 =	sld [smem:$0x3FB2];
	_ =	sdelay $0x3  }
0x36: {  	p1 =	seq.s32 s10, $0x1;
	s10 =	sld [smem:$0x3FB3];
	_ =	sdelay $0x3  }
0x37: {  	[smem:$0x3FB3] =	sst s10  }
0x38: {  	s10 =	sld [smem:$0x3FB4]  }
0x39: {  	_ = 	snop;
	(pc) =	sbr.ind lr, $3  }
0x3a: {  	_ = 	snop  }
0x3b: {  	_ = 	snop  }
0x3c: {  	p2 =	seq.s32 s10, $0x1;
	s10 =	sld [smem:$0x3FB3]  }
0x3d: {  	_ =	shalt  }
0x3e: {  	_ =	shalt  }
0x3f: {  	_ =	shalt  }
0x40: {  	_ =	shalt  }
0x41: {  	_ =	shalt  }
0x42: {  	_ =	shalt  }
0x43: {  	_ =	shalt  }
0x44: {  	_ =	shalt  }
0x45: {  	_ =	shalt  }
0x46: {  	_ =	shalt  }
0x47: {  	_ =	shalt  }
0x48: {  	_ =	shalt  }
0x49: {  	_ =	shalt  }
0x4a: {  	_ =	shalt  }
0x4b: {  	_ =	shalt  }
0x4c: {  	_ =	shalt  }
0x4d: {  	_ =	shalt  }
0x4e: {  	_ =	shalt  }
0x4f: {  	_ =	shalt  }
0x50: {  	_ =	shalt  }
0x51: {  	_ =	shalt  }
0x52: {  	_ =	shalt  }
0x53: {  	_ =	shalt  }
0x54: {  	_ =	shalt  }
0x55: {  	_ =	shalt  }
0x56: {  	_ =	shalt  }
0x57: {  	_ =	shalt  }
0x58: {  	_ =	shalt  }
0x59: {  	_ =	shalt  }
0x5a: {  	_ =	shalt  }
0x5b: {  	_ =	shalt  }
0x5c: {  	_ =	shalt  }
0x5d: {  	_ =	shalt  }
0x5e: {  	_ =	shalt  }
0x5f: {  	_ =	shalt  }
0x60: {  	_ =	shalt  }
0x61: {  	_ =	shalt  }
0x62: {  	_ =	shalt  }
0x63: {  	_ =	shalt  }
0x64: {  	_ =	shalt  }
0x65: {  	_ =	shalt  }
0x66: {  	_ =	shalt  }
0x67: {  	_ =	shalt  }
0x68: {  	_ =	shalt  }
0x69: {  	_ =	shalt  }
0x6a: {  	_ =	shalt  }
0x6b: {  	_ =	shalt  }
0x6c: {  	_ =	shalt  }
0x6d: {  	_ =	shalt  }
0x6e: {  	_ =	shalt  }
0x6f: {  	_ =	shalt  }
0x70: {  	_ =	shalt  }
0x71: {  	_ =	shalt  }
0x72: {  	_ =	shalt  }
0x73: {  	_ =	shalt  }
0x74: {  	_ =	shalt  }
0x75: {  	_ =	shalt  }
0x76: {  	_ =	shalt  }
0x77: {  	_ =	shalt  }
0x78: {  	_ =	shalt  }
0x79: {  	_ =	shalt  }
0x7a: {  	_ =	shalt  }
0x7b: {  	_ =	shalt  }
0x7c: {  	_ =	shalt  }
0x7d: {  	_ =	shalt  }
0x7e: {  	_ =	shalt  }
0x7f: {  	_ =	shalt  }
0x80: {  	_ =	shalt  }
0x81: {  	_ =	shalt  }
0x82: {  	_ =	shalt  }
0x83: {  	_ =	shalt  }
0x84: {  	_ =	shalt  }
0x85: {  	_ =	shalt  }
0x86: {  	_ =	shalt  }
0x87: {  	_ =	shalt  }
.Lfunc_end0:
.L_simem_size_0:
called_computation_lowered:
.L_overlay_start_0:
0x88: {  	s2 =	sld [smem:$0x3FD9]  }
0x89: {  	s3 =	sld [smem:$0x3FFE];
	_ =	sdelay $0x1  }
0x8a: {  	s1 =	srdreg.scid  }
0x8b: {  	s0 =	sand.u32 $0x1, s1  }
0x8c: {  	s17 =	sshll.u32 s0, $0xA;
	s2 =	sadd.s32 s3, s2  }
0x8d: {  	s2 =	sadd.s32 s2, s17  }
0x8e: {  	[smem:$0x3FBF] =	sst s2  }
0x8f: {  	_ = 	snop  }
0x90: {  	s2 =	sld [smem:$0x3FD0];
	(tm) =	ssettm $0x1  }
0x91: {  	s18 =	sld [smem:$0x3FFB];
	_ =	sdelay $0x3  }
0x92: {  	_ =	strace s18  }
0x93: {  	s3 =	sld [smem:$0x3FFC];
	_ =	sdelay $0x3  }
0x94: {  	_ =	strace s3  }
0x95: {  	s3 =	sld [smem:$0x3FFD];
	_ =	sdelay $0x3  }
0x96: {  	_ =	strace s3  }
0x97: {  	_ =	strace $0x8FFFFFFF  }
0x98: {  	s19 =	sld [smem:$0x3FDB];
	_ =	sdelay $0x1  }
0x99: {  	s4 =	simm.s32 $_scs_section_size  }
0x9a: {  	s5 =	simm.s32 $_size__tile_overlayer_lowered;
	s6 =	simm.s32 $_tile_overlayer_lowered  }
0x9b: {  	s22 =	simm.s32 $0x1BFF;
	s21 =	sshll.u32 s6, $0x1;
	s3 =	sadd.s32 s4, s19  }
0x9c: {  	s7 =	simm.s32 $0x0;
	s20 =	sshll.u32 s5, $0x1;
	s5 =	sadd.s32 s21, s3  }
0x9d: {  	[timem:s7], [sflag:s22] =	dma.local [hbm:s5], s20  }
0x9e: {  	_ =	swait.ge [sflag:s22], s20  }
0x9f: {  	s4 =	ssub.s32 $0x0, s20;
	[sflag:s22] =	ssyncset.done $0x0  }
0xa0: {  	[sflag:s22] =	ssyncadd.s32 s4;
	_ =	sdelay $0x1  }
0xa1: {  	s23 =	simm.s32 $0x1B8B  }
0xa2: {  	_ =	swait.ge [sflag:s23], $0x1  }
0xa3: {  	[sflag:s23] =	ssyncset.done $0x0  }
0xa4: {  	s25 =	simm.s32 $0x1B8E;
	s24 =	sld [smem:$0x3FFE];
	[sflag:s23] =	ssyncadd.s32 $0xFFFFFFFF  }
0xa5: {  	s26 =	simm.s32 $execute0_lowered;
	[smem:$0x3FD2] =	sst s25  }
0xa6: {  	s5 =	sshll.u32 s26, $0x1;
	_ =	strace $0x80000046;
	[dreg:$0x1] =	wrdreg $0xFFFFFFFF  }
0xa7: {  	s28 =	simm.s32 $_size_execute0_lowered;
	s3 =	sadd.s32 s3, s5;
	[dreg:$0x0] =	wrdreg $0x0  }
0xa8: {  	s5 =	sshll.u32 s28, $0x1;
	[dreg:$0x2] =	wrdreg s3  }
0xa9: {  	[dreg:$0x3] =	wrdreg s5  }
0xaa: {  	[dreg:$0x4] =	wrdreg $0xC0  }
0xab: {  	_ =	task [dreg:s7], $0x5FFFF  }
0xac: {  	[dreg:$0x1] =	wrdreg $0xFFFFFFFF  }
0xad: {  	[dreg:$0x0] =	wrdreg $0x60  }
0xae: {  	[dreg:$0x2] =	wrdreg s24  }
0xaf: {  	[dreg:$0x3] =	wrdreg s2  }
0xb0: {  	[dreg:$0x4] =	wrdreg $0xB2200  }
0xb1: {  	[dreg:$0x5] =	wrdreg $0x9  }
0xb2: {  	_ =	task.clear_ibuf [dreg:s7], $0x6FFFF;
	_ =	strace $0x90000046  }
0xb3: {  	s29 =	simm.s32 $0x9;
	_ =	strace $0x80000048  }
0xb4: {  	_ =	swait.ge [sflag:s29], $0x1  }
0xb5: {  	[sflag:s29] =	ssyncadd.s32 $0xFFFFFFFF  }
0xb6: {  	_ =	strace $0x90000048  }
0xb7: {  	_ =	sfence  }
0xb8: {  	s30 =	sld [smem:$0x0];
	_ =	sdelay $0x2  }
0xb9: {  	s31 =	sshll.u32 s1, $0xD;
	s1 =	sshrl.u32 s1, $0x2  }
0xba: {  	s3 =	sand.u32 $0x4000, s31;
	s1 =	sadd.s32 s1, s30  }
0xbb: {  	s0 =	sor.u32 s3, s0;
	s1 =	sshll.u32 s1, $0x11  }
0xbc: {  	s0 =	sor.u32 s1, s0  }
0xbd: {  	s0 =	sadd.s32 $0x8F2B, s0  }
0xbe: {  	[sflag:s0] =	ssyncadd.remote.s32 $0x1  }
0xbf: {  	_ =	sfence.sel $0xFFFF  }
0xc0: {  	[dreg:$0x0] =	wrdreg $0xFFFFFFFF;
	(pc) =	sbr.abs _section_cstart, $3  }
0xc1: {  	[dreg:$0x1] =	wrdreg $0xFFFFFFFF  }
0xc2: {  	_ =	task.clear_ibuf [dreg:s7], $0x2FFFF;
	_ =	strace $0x9FFFFFFF  }
0xc3: {  	(tm) =	ssettm $0x7FFFFFFF  }
tec
execute0_lowered:
.L_overlay_start_1:
0x0: {  	(tag) =	ssettag $0x1  }
0x1: {  	s0 =	rddreg [dreg:$0x0]  }
0x2: {  	s2 =	rddreg [dreg:$0x1];
	s1 =	srdreg.scid  }
0x3: {  	s11 =	stileid.u32;
	s26 =	rddreg [dreg:$0x2]  }
0x4: {  	s4 =	simm.s32 $0x0;
	s28 =	simm.s32 $0xC;
	s29 =	simm.s32 $0xE  }
0x5: {  	s30 =	simm.s32 $0x13;
	s31 =	simm.s32 $0xF;
	s10 =	smul.u32 $0x445C0, s11  }
0x6: {  	s1 =	sand.u32 $0x1, s1;
	s7 =	smul.u32 $0x11170, s11;
	[smem:$0x7FF] =	sst s4  }
0x7: {  	s5 =	sadd.s32 $0x14E00, s0;
	s17 =	sshll.u32 s11, $0x1;
	s10 =	sshrl.u32 s10, $0x2  }
0x8: {  	s6 =	smul.u32 $0x111700, s1;
	s13 =	sadd.s32 s7, s26;
	s18 =	sadd.s32 s10, s26  }
0x9: {  	_ =	strace $0x80000047;
	[dreg:$0x9] =	wrdreg s13;
	s19 =	sadd.s32 $0x2300, s18  }
0xa: {  	s9 =	ssub.s32 $0x2, s1;
	s20 =	sadd.s32 $0x4600, s18;
	[dreg:$0xa] =	wrdreg s19  }
0xb: {  	s1 =	sor.u32 s1, s17;
	s21 =	sadd.s32 $0x6900, s18;
	[dreg:$0xb] =	wrdreg s20  }
0xc: {  	s16 =	sshrl.u32 s9, $0x1;
	s22 =	sadd.s32 $0x8C00, s18;
	[dreg:$0xc] =	wrdreg s21  }
0xd: {  	s1 =	smul.u32 $0x4E20, s1;
	s23 =	sadd.s32 $0xAF00, s18;
	[dreg:$0xd] =	wrdreg s22  }
0xe: {  	s6 =	sadd.s32 s7, s6;
	s24 =	sadd.s32 $0xD200, s18;
	[dreg:$0xe] =	wrdreg s23  }
0xf: {  	s8 =	sshrl.u32 s6, $0x3;
	s7 =	sadd.s32 $0xF500, s18;
	[dreg:$0xf] =	wrdreg s24  }
0x10: {  	s6 =	sadd.s32 $0x1400, s0;
	s14 =	sadd.s32 $0x190, s1;
	[dreg:$0x10] =	wrdreg s7  }
0x11: {  	s25 =	sshrl.u32 s1, $0x3;
	s18 =	sadd.s32 $0x230, s1;
	[dreg:$0x4] =	wrdreg s14  }
0x12: {  	s0 =	sadd.s32 s8, s0;
	s3 =	sadd.s32 s2, s25;
	[dreg:$0x6] =	wrdreg s18  }
0x13: {  	s8 =	ssub.s32 s9, s16;
	s10 =	sadd.s32 s6, s25;
	[dreg:$0x11] =	wrdreg s3  }
0x14: {  	s11 =	sadd.s32 $0xA, s25;
	s16 =	sadd.s32 $0x1E0, s1;
	[dreg:$0x12] =	wrdreg s10  }
0x15: {  	s15 =	sadd.s32 $0x14, s25;
	s19 =	sadd.s32 $0x280, s1;
	[dreg:$0x5] =	wrdreg s16  }
0x16: {  	s20 =	sadd.s32 $0x1E, s25;
	s1 =	sadd.s32 $0x2D0, s1;
	[dreg:$0x7] =	wrdreg s19  }
0x17: {  	s22 =	sadd.s32 $0x28, s25;
	s12 =	sadd.s32 s2, s11;
	[dreg:$0x8] =	wrdreg s1  }
0x18: {  	s14 =	simm.s32 $0x6;
	s9 =	sadd.s32 s6, s11;
	[dreg:$0x13] =	wrdreg s12  }
0x19: {  	s18 =	simm.s32 $0xB0E0;
	s17 =	sadd.s32 s2, s15;
	[dreg:$0x14] =	wrdreg s9  }
0x1a: {  	s10 =	sadd.s32 s6, s15;
	s21 =	sadd.s32 s2, s20;
	[dreg:$0x15] =	wrdreg s17  }
0x1b: {  	s23 =	sadd.s32 s6, s20;
	s24 =	sadd.s32 s2, s22;
	[dreg:$0x16] =	wrdreg s10  }
0x1c: {  	s1 =	sadd.s32 s6, s22;
	s0 =	sadd.s32 $0x37200, s0;
	[dreg:$0x17] =	wrdreg s21  }
0x1d: {  	s25 =	smax.u32 s8, $0x1;
	s16 =	simm.s32 $0xAF00;
	[dreg:$0x18] =	wrdreg s23  }
0x1e: {  	s19 =	simm.s32 $0xAF50;
	s20 =	simm.s32 $0xAFA0;
	[dreg:$0x19] =	wrdreg s24  }
0x1f: {  	s22 =	simm.s32 $0xAFF0;
	s3 =	simm.s32 $0xB;
	[dreg:$0x1a] =	wrdreg s1  }
0x20: {  	s15 =	simm.s32 $0x50;
	s8 =	simm.s32 $0x2300;
	[dreg:$0x1b] =	wrdreg s0  }
0x21: {  	s11 =	simm.s32 $0x4600;
	[dreg:$0x1c] =	wrdreg s25;
	s17 =	simm.s32 $0xB090  }
0x22: {  	s21 =	simm.s32 $0xB130;
	s23 =	simm.s32 $0xB180;
	s24 =	simm.s32 $0xB040  }
0x23: {  	s25 =	simm.s32 $0xB1D0;
	s1 =	simm.s32 $0x10;
	s0 =	simm.s32 $0x11  }
0x24: {  	v0 =	vimm.f32 $0.0e+00;
	s9 =	simm.s32 $0xD;
	s10 =	simm.s32 $0x12;
	s12 =	simm.s32 $0x0  }
.LBB2_1:
0x25: {  	[dreg:$0x1d] =	wrdreg s12;
	s7 =	simm.s32 $0x0;
	s12 =	simm.s32 $0x1C0  }
.LBB2_2:
0x26: {  	p0 =	sne.s32 s12, $0x8A40;
	[tilespmem:s7+$0x60] =	vst v0  }
0x27: {  	[tilespmem:s7+$0x0] =	vst v0  }
.Ltmp0:
0x28: {  	[tilespmem:s7+$0x10] =	vst v0;
	(pc) =	sbr.rel @p0 .LBB2_2-.Ltmp0, $4  }
0x29: {  	[tilespmem:s7+$0x20] =	vst v0  }
0x2a: {  	[tilespmem:s7+$0x30] =	vst v0  }
0x2b: {  	[tilespmem:s7+$0x40] =	vst v0  }
0x2c: {  	[tilespmem:s7+$0x50] =	vst v0;
	s7 =	sshra.s32 s12, $0x2;
	s12 =	sadd.s32 $0x1C0, s12  }
0x2d: {  	[tilespmem:s7+$0x60] =	vst v0  }
0x2e: {  	[tilespmem:s7+$0x0] =	vst v0  }
0x2f: {  	[tilespmem:s7+$0x10] =	vst v0  }
0x30: {  	[tilespmem:s7+$0x20] =	vst v0  }
0x31: {  	[tilespmem:s7+$0x30] =	vst v0  }
0x32: {  	[tilespmem:s7+$0x40] =	vst v0  }
0x33: {  	[tilespmem:s7+$0x50] =	vst v0;
	s12 =	simm.s32 $0x0  }
0x34: {  	[spmem:s13] =	stream.linear.scatter [tilespmem:s12], [sflag:$0x6], $0x2300, $0x38;
	[tilespmem:$0x1C390] =	vst v63  }
0x35: {  	s13 =	rddreg [dreg:$0xa]  }
0x36: {  	[spmem:s13] =	stream.linear.scatter [tilespmem:s12], [sflag:$0x6], $0x2300, $0x38;
	[tilespmem:$0x1C390] =	vst v63  }
0x37: {  	s13 =	rddreg [dreg:$0xb]  }
0x38: {  	[spmem:s13] =	stream.linear.scatter [tilespmem:s12], [sflag:$0x6], $0x2300, $0x38;
	[tilespmem:$0x1C390] =	vst v63  }
0x39: {  	s13 =	rddreg [dreg:$0xc]  }
0x3a: {  	[spmem:s13] =	stream.linear.scatter [tilespmem:s12], [sflag:$0x6], $0x2300, $0x38;
	[tilespmem:$0x1C390] =	vst v63  }
0x3b: {  	s13 =	rddreg [dreg:$0xd]  }
0x3c: {  	[spmem:s13] =	stream.linear.scatter [tilespmem:s12], [sflag:$0x6], $0x2300, $0x38;
	[tilespmem:$0x1C390] =	vst v63  }
0x3d: {  	s13 =	rddreg [dreg:$0xe]  }
0x3e: {  	[spmem:s13] =	stream.linear.scatter [tilespmem:s12], [sflag:$0x6], $0x2300, $0x38;
	[tilespmem:$0x1C390] =	vst v63  }
0x3f: {  	s13 =	rddreg [dreg:$0xf]  }
0x40: {  	[spmem:s13] =	stream.linear.scatter [tilespmem:s12], [sflag:$0x6], $0x2300, $0x38;
	[tilespmem:$0x1C390] =	vst v63  }
0x41: {  	s13 =	rddreg [dreg:$0x10]  }
0x42: {  	[spmem:s13] =	stream.linear.scatter [tilespmem:s12], [sflag:$0x6], $0x1C70, $0x38;
	[tilespmem:$0x1C390] =	vst v63  }
0x43: {  	_ =	swait.ge [sflag:s14], $0x2300  }
0x44: {  	[sflag:s14] =	ssyncset.done $0x0  }
0x45: {  	[sflag:s14] =	ssyncadd.s32 $0xFFFFDD00  }
0x46: {  	_ =	swait.ge [sflag:s14], $0x2300  }
0x47: {  	[sflag:s14] =	ssyncset.done $0x0  }
0x48: {  	[sflag:s14] =	ssyncadd.s32 $0xFFFFDD00  }
0x49: {  	_ =	swait.ge [sflag:s14], $0x2300  }
0x4a: {  	[sflag:s14] =	ssyncset.done $0x0  }
0x4b: {  	[sflag:s14] =	ssyncadd.s32 $0xFFFFDD00  }
0x4c: {  	_ =	swait.ge [sflag:s14], $0x2300  }
0x4d: {  	[sflag:s14] =	ssyncset.done $0x0  }
0x4e: {  	[sflag:s14] =	ssyncadd.s32 $0xFFFFDD00  }
0x4f: {  	_ =	swait.ge [sflag:s14], $0x2300  }
0x50: {  	[sflag:s14] =	ssyncset.done $0x0  }
0x51: {  	[sflag:s14] =	ssyncadd.s32 $0xFFFFDD00  }
0x52: {  	_ =	swait.ge [sflag:s14], $0x2300  }
0x53: {  	[sflag:s14] =	ssyncset.done $0x0  }
0x54: {  	[sflag:s14] =	ssyncadd.s32 $0xFFFFDD00  }
0x55: {  	_ =	swait.ge [sflag:s14], $0x2300  }
0x56: {  	[sflag:s14] =	ssyncset.done $0x0  }
0x57: {  	[sflag:s14] =	ssyncadd.s32 $0xFFFFDD00  }
0x58: {  	_ =	swait.ge [sflag:s14], $0x1C70  }
0x59: {  	[sflag:s14] =	ssyncset.done $0x0  }
0x5a: {  	[sflag:s14] =	ssyncadd.s32 $0xFFFFE390  }
0x5b: {  	[bflag:$0x0] =	sbarrier.arrive $0xFFFF  }
0x5c: {  	s13 =	rddreg [dreg:$0x11]  }
0x5d: {  	[tilespmem:s16], [sflag:$0xB] =	stream.linear.gather [hbm4b:s13+s12], $0x50, $0x38;
	[tilespmem:$0x1C390] =	vst v63  }
0x5e: {  	s14 =	rddreg [dreg:$0x12]  }
0x5f: {  	[tilespmem:s17], [sflag:$0x10] =	stream.linear.gather [hbm4b:s14+s12], $0x50, $0x38;
	[tilespmem:$0x1C390] =	vst v63  }
0x60: {  	s17 =	rddreg [dreg:$0x13]  }
0x61: {  	[tilespmem:s19], [sflag:$0xC] =	stream.linear.gather [hbm4b:s17+s12], $0x50, $0x38;
	[tilespmem:$0x1C390] =	vst v63  }
0x62: {  	s13 =	rddreg [dreg:$0x14]  }
0x63: {  	[tilespmem:s18], [sflag:$0x11] =	stream.linear.gather [hbm4b:s13+s12], $0x50, $0x38;
	[tilespmem:$0x1C390] =	vst v63  }
0x64: {  	s14 =	rddreg [dreg:$0x15]  }
0x65: {  	[tilespmem:s20], [sflag:$0xD] =	stream.linear.gather [hbm4b:s14+s12], $0x50, $0x38;
	[tilespmem:$0x1C390] =	vst v63  }
0x66: {  	s17 =	rddreg [dreg:$0x16]  }
0x67: {  	[tilespmem:s21], [sflag:$0x12] =	stream.linear.gather [hbm4b:s17+s12], $0x50, $0x38;
	[tilespmem:$0x1C390] =	vst v63  }
0x68: {  	s18 =	rddreg [dreg:$0x17]  }
0x69: {  	[tilespmem:s22], [sflag:$0xE] =	stream.linear.gather [hbm4b:s18+s12], $0x50, $0x38;
	[tilespmem:$0x1C390] =	vst v63  }
0x6a: {  	s21 =	rddreg [dreg:$0x18]  }
0x6b: {  	[tilespmem:s23], [sflag:$0x13] =	stream.linear.gather [hbm4b:s21+s12], $0x50, $0x38;
	[tilespmem:$0x1C390] =	vst v63  }
0x6c: {  	s13 =	rddreg [dreg:$0x19]  }
0x6d: {  	[tilespmem:s24], [sflag:$0xF] =	stream.linear.gather [hbm4b:s13+s12], $0x50, $0x38;
	[tilespmem:$0x1C390] =	vst v63  }
0x6e: {  	s14 =	rddreg [dreg:$0x1a]  }
0x6f: {  	[tilespmem:s25], [sflag:$0x14] =	stream.linear.gather [hbm4b:s14+s12], $0x50, $0x38;
	[tilespmem:$0x1C390] =	vst v63  }
0x70: {  	_ =	swait.ge [sflag:s3], $0x50  }
0x71: {  	[sflag:s3] =	ssyncset.done $0x0  }
0x72: {  	[sflag:s3] =	ssyncadd.s32 $0xFFFFFFB0  }
0x73: {  	_ =	swait.ge [sflag:s1], $0x50  }
0x74: {  	[sflag:s1] =	ssyncset.done $0x0  }
0x75: {  	[sflag:s1] =	ssyncadd.s32 $0xFFFFFFB0  }
0x76: {  	[tilespmem:s4], [sflag:$0x1] =	stream.indirect.gather [hbm4b:s5+s15], $0x70, s16, s15, $0xb8;
	[tilespmem:$0x1C390] =	vst v63  }
0x77: {  	_ =	swait.ge [sflag:s28], $0x50  }
0x78: {  	[sflag:s28] =	ssyncset.done $0x0  }
0x79: {  	[sflag:s28] =	ssyncadd.s32 $0xFFFFFFB0  }
0x7a: {  	_ =	swait.ge [sflag:s0], $0x50  }
0x7b: {  	[sflag:s0] =	ssyncset.done $0x0  }
0x7c: {  	[sflag:s0] =	ssyncadd.s32 $0xFFFFFFB0  }
0x7d: {  	[tilespmem:s8], [sflag:$0x2] =	stream.indirect.gather [hbm4b:s5+s15], $0x70, s19, s15, $0xb8;
	[tilespmem:$0x1C390] =	vst v63  }
0x7e: {  	_ =	swait.ge [sflag:s9], $0x50  }
0x7f: {  	[sflag:s9] =	ssyncset.done $0x0  }
0x80: {  	[sflag:s9] =	ssyncadd.s32 $0xFFFFFFB0  }
0x81: {  	_ =	swait.ge [sflag:s10], $0x50  }
0x82: {  	[sflag:s10] =	ssyncset.done $0x0  }
0x83: {  	[sflag:s10] =	ssyncadd.s32 $0xFFFFFFB0  }
0x84: {  	[tilespmem:s11], [sflag:$0x3] =	stream.indirect.gather [hbm4b:s5+s15], $0x70, s20, s15, $0xb8;
	[tilespmem:$0x1C390] =	vst v63  }
0x85: {  	_ =	swait.ge [sflag:s29], $0x50  }
0x86: {  	[sflag:s29] =	ssyncset.done $0x0  }
0x87: {  	[sflag:s29] =	ssyncadd.s32 $0xFFFFFFB0  }
0x88: {  	_ =	swait.ge [sflag:s30], $0x50  }
0x89: {  	[sflag:s30] =	ssyncset.done $0x0  }
0x8a: {  	s3 =	simm.s32 $0x6900;
	[sflag:s30] =	ssyncadd.s32 $0xFFFFFFB0  }
0x8b: {  	[tilespmem:s3], [sflag:$0x4] =	stream.indirect.gather [hbm4b:s5+s15], $0x70, s22, s15, $0xb8;
	[tilespmem:$0x1C390] =	vst v63  }
0x8c: {  	_ =	swait.ge [sflag:s31], $0x50  }
0x8d: {  	[sflag:s31] =	ssyncset.done $0x0  }
0x8e: {  	s13 =	simm.s32 $0x14;
	[sflag:s31] =	ssyncadd.s32 $0xFFFFFFB0  }
0x8f: {  	_ =	swait.ge [sflag:s13], $0x50  }
0x90: {  	s17 =	simm.s32 $0x1;
	[sflag:s13] =	ssyncset.done $0x0  }
0x91: {  	s21 =	smin.u32 s12, $0xF4;
	s11 =	simm.s32 $0x8C00;
	[sflag:s13] =	ssyncadd.s32 $0xFFFFFFB0  }
0x92: {  	[tilespmem:s11], [sflag:$0x5] =	stream.indirect.gather [hbm4b:s5+s15], $0x70, s24, s15, $0xb8;
	[tilespmem:$0x1C390] =	vst v63  }
0x93: {  	s7 =	smul.u32 $0x50, s21;
	_ =	swait.ge [sflag:s17], $0x2300  }
0x94: {  	s22 =	rddreg [dreg:$0x4]  }
0x95: {  	s7 =	sadd.s32 s7, s22  }
0x96: {  	[sflag:s17] =	ssyncset.done $0x0;
	s7 =	sshrl.u32 s7, $0x3  }
0x97: {  	[sflag:s17] =	ssyncadd.s32 $0xFFFFDD00;
	s23 =	sadd.s32 s2, s7  }
0x98: {  	[tilespmem:s16], [sflag:$0xB] =	stream.linear.gather [hbm4b:s23+s4], $0x50, $0x38;
	[tilespmem:$0x1C390] =	vst v63  }
0x99: {  	s28 =	smin.u32 s12, $0xF3;
	s10 =	simm.s32 $0xB090;
	s24 =	simm.s32 $0x2  }
0x9a: {  	[spmem:s26] =	stream.indirect.scatter.add.f32 [tilespmem:s4], [sflag:$0x6], $0x70, s10, s15, $0xb8;
	[tilespmem:$0x1C390] =	vst v63  }
0x9b: {  	s18 =	smul.u32 $0x50, s28;
	_ =	swait.ge [sflag:s24], $0x2300  }
0x9c: {  	s31 =	rddreg [dreg:$0x5]  }
0x9d: {  	s18 =	sadd.s32 s18, s31  }
0x9e: {  	[sflag:s24] =	ssyncset.done $0x0;
	s18 =	sshrl.u32 s18, $0x3  }
0x9f: {  	s25 =	simm.s32 $0xB0E0;
	[sflag:s24] =	ssyncadd.s32 $0xFFFFDD00;
	s17 =	sadd.s32 s2, s18  }
0xa0: {  	[tilespmem:s19], [sflag:$0xC] =	stream.linear.gather [hbm4b:s17+s4], $0x50, $0x38;
	[tilespmem:$0x1C390] =	vst v63  }
0xa1: {  	s30 =	simm.s32 $0x2300;
	s24 =	smin.u32 s12, $0xF2;
	s19 =	simm.s32 $0x3  }
0xa2: {  	[spmem:s26] =	stream.indirect.scatter.add.f32 [tilespmem:s30], [sflag:$0x7], $0x70, s25, s15, $0xb8;
	[tilespmem:$0x1C390] =	vst v63  }
0xa3: {  	s21 =	smul.u32 $0x50, s24;
	_ =	swait.ge [sflag:s19], $0x2300  }
0xa4: {  	s28 =	rddreg [dreg:$0x6]  }
0xa5: {  	s21 =	sadd.s32 s21, s28  }
0xa6: {  	s0 =	simm.s32 $0x4600;
	[sflag:s19] =	ssyncset.done $0x0;
	s21 =	sshrl.u32 s21, $0x3  }
0xa7: {  	s23 =	simm.s32 $0xAFA0;
	[sflag:s19] =	ssyncadd.s32 $0xFFFFDD00;
	s30 =	sadd.s32 s2, s21  }
0xa8: {  	[tilespmem:s23], [sflag:$0xD] =	stream.linear.gather [hbm4b:s30+s4], $0x50, $0x38;
	[tilespmem:$0x1C390] =	vst v63  }
0xa9: {  	s9 =	simm.s32 $0xB130;
	s29 =	simm.s32 $0x4;
	s31 =	smin.u32 s12, $0xF1  }
0xaa: {  	[spmem:s26] =	stream.indirect.scatter.add.f32 [tilespmem:s0], [sflag:$0x8], $0x70, s9, s15, $0xb8;
	[tilespmem:$0x1C390] =	vst v63  }
0xab: {  	s24 =	smul.u32 $0x50, s31;
	_ =	swait.ge [sflag:s29], $0x2300  }
0xac: {  	s0 =	rddreg [dreg:$0x7]  }
0xad: {  	s24 =	sadd.s32 s24, s0  }
0xae: {  	[sflag:s29] =	ssyncset.done $0x0;
	s24 =	sshrl.u32 s24, $0x3  }
0xaf: {  	s8 =	simm.s32 $0xAFF0;
	[sflag:s29] =	ssyncadd.s32 $0xFFFFDD00;
	s17 =	sadd.s32 s2, s24  }
0xb0: {  	[tilespmem:s8], [sflag:$0xE] =	stream.linear.gather [hbm4b:s17+s4], $0x50, $0x38;
	[tilespmem:$0x1C390] =	vst v63  }
0xb1: {  	s22 =	simm.s32 $0xB180;
	s12 =	smin.u32 s12, $0xF0;
	s8 =	simm.s32 $0x5  }
0xb2: {  	[spmem:s26] =	stream.indirect.scatter.add.f32 [tilespmem:s3], [sflag:$0x9], $0x70, s22, s15, $0xb8;
	[tilespmem:$0x1C390] =	vst v63  }
0xb3: {  	s12 =	smul.u32 $0x50, s12;
	_ =	swait.ge [sflag:s8], $0x2300  }
0xb4: {  	s19 =	rddreg [dreg:$0x8]  }
0xb5: {  	s12 =	sadd.s32 s12, s19  }
0xb6: {  	[sflag:s8] =	ssyncset.done $0x0;
	s28 =	sshrl.u32 s12, $0x3  }
0xb7: {  	s16 =	simm.s32 $0xB040;
	[sflag:s8] =	ssyncadd.s32 $0xFFFFDD00;
	s12 =	sadd.s32 s2, s28  }
0xb8: {  	[tilespmem:s16], [sflag:$0xF] =	stream.linear.gather [hbm4b:s12+s4], $0x50, $0x38;
	[tilespmem:$0x1C390] =	vst v63  }
0xb9: {  	s14 =	simm.s32 $0xB1D0;
	s20 =	simm.s32 $0x6  }
0xba: {  	[spmem:s26] =	stream.indirect.scatter.add.f32 [tilespmem:s11], [sflag:$0xA], $0x70, s14, s15, $0xb8;
	[tilespmem:$0x1C390] =	vst v63  }
0xbb: {  	_ =	swait.ge [sflag:s20], $0x2300  }
0xbc: {  	[sflag:s20] =	ssyncset.done $0x0  }
0xbd: {  	s7 =	sadd.s32 s6, s7;
	s11 =	simm.s32 $0x7;
	[sflag:s20] =	ssyncadd.s32 $0xFFFFDD00  }
0xbe: {  	[tilespmem:s10], [sflag:$0x10] =	stream.linear.gather [hbm4b:s7+s4], $0x50, $0x38;
	[tilespmem:$0x1C390] =	vst v63  }
0xbf: {  	_ =	swait.ge [sflag:s11], $0x2300  }
0xc0: {  	[sflag:s11] =	ssyncset.done $0x0  }
0xc1: {  	s23 =	sadd.s32 s6, s18;
	s16 =	simm.s32 $0x8;
	[sflag:s11] =	ssyncadd.s32 $0xFFFFDD00  }
0xc2: {  	[tilespmem:s25], [sflag:$0x11] =	stream.linear.gather [hbm4b:s23+s4], $0x50, $0x38;
	[tilespmem:$0x1C390] =	vst v63  }
0xc3: {  	_ =	swait.ge [sflag:s16], $0x2300  }
0xc4: {  	[sflag:s16] =	ssyncset.done $0x0  }
0xc5: {  	s30 =	sadd.s32 s6, s21;
	s19 =	simm.s32 $0x9;
	[sflag:s16] =	ssyncadd.s32 $0xFFFFDD00  }
0xc6: {  	[tilespmem:s9], [sflag:$0x12] =	stream.linear.gather [hbm4b:s30+s4], $0x50, $0x38;
	[tilespmem:$0x1C390] =	vst v63  }
0xc7: {  	_ =	swait.ge [sflag:s19], $0x2300  }
0xc8: {  	[sflag:s19] =	ssyncset.done $0x0  }
0xc9: {  	s31 =	sadd.s32 s6, s24;
	s3 =	simm.s32 $0xA;
	[sflag:s19] =	ssyncadd.s32 $0xFFFFDD00  }
0xca: {  	[tilespmem:s22], [sflag:$0x13] =	stream.linear.gather [hbm4b:s31+s4], $0x50, $0x38;
	[tilespmem:$0x1C390] =	vst v63  }
0xcb: {  	_ =	swait.ge [sflag:s3], $0x2300  }
0xcc: {  	s1 =	simm.s32 $0x10;
	[sflag:s3] =	ssyncset.done $0x0  }
0xcd: {  	s12 =	simm.s32 $0x5;
	s7 =	sadd.s32 s6, s28;
	[sflag:s3] =	ssyncadd.s32 $0xFFFFDD00  }
.LBB2_4:
0xce: {  	s14 =	simm.s32 $0xB1D0;
	s0 =	simm.s32 $0xB  }
0xcf: {  	[tilespmem:s14], [sflag:$0x14] =	stream.linear.gather [hbm4b:s7+s4], $0x50, $0x38;
	[tilespmem:$0x1C390] =	vst v63  }
0xd0: {  	_ =	swait.ge [sflag:s0], $0x50  }
0xd1: {  	[sflag:s0] =	ssyncset.done $0x0  }
0xd2: {  	[sflag:s0] =	ssyncadd.s32 $0xFFFFFFB0  }
0xd3: {  	_ =	swait.ge [sflag:s1], $0x50  }
0xd4: {  	[sflag:s1] =	ssyncset.done $0x0  }
0xd5: {  	s10 =	simm.s32 $0xAF00;
	s28 =	simm.s32 $0xC;
	[sflag:s1] =	ssyncadd.s32 $0xFFFFFFB0  }
0xd6: {  	[tilespmem:s4], [sflag:$0x1] =	stream.indirect.gather [hbm4b:s5+s15], $0x70, s10, s15, $0xb8;
	[tilespmem:$0x1C390] =	vst v63  }
0xd7: {  	_ =	swait.ge [sflag:s28], $0x50  }
0xd8: {  	[sflag:s28] =	ssyncset.done $0x0  }
0xd9: {  	s30 =	simm.s32 $0x11;
	[sflag:s28] =	ssyncadd.s32 $0xFFFFFFB0  }
0xda: {  	_ =	swait.ge [sflag:s30], $0x50  }
0xdb: {  	s20 =	simm.s32 $0x2300;
	[sflag:s30] =	ssyncset.done $0x0  }
0xdc: {  	s17 =	simm.s32 $0xAF50;
	s31 =	simm.s32 $0xD;
	[sflag:s30] =	ssyncadd.s32 $0xFFFFFFB0  }
0xdd: {  	[tilespmem:s20], [sflag:$0x2] =	stream.indirect.gather [hbm4b:s5+s15], $0x70, s17, s15, $0xb8;
	[tilespmem:$0x1C390] =	vst v63  }
0xde: {  	_ =	swait.ge [sflag:s31], $0x50  }
0xdf: {  	[sflag:s31] =	ssyncset.done $0x0  }
0xe0: {  	s0 =	simm.s32 $0x12;
	[sflag:s31] =	ssyncadd.s32 $0xFFFFFFB0  }
0xe1: {  	_ =	swait.ge [sflag:s0], $0x50  }
0xe2: {  	s25 =	simm.s32 $0xAFA0;
	[sflag:s0] =	ssyncset.done $0x0  }
0xe3: {  	s9 =	simm.s32 $0xE;
	[sflag:s0] =	ssyncadd.s32 $0xFFFFFFB0;
	s0 =	simm.s32 $0x4600  }
0xe4: {  	[tilespmem:s0], [sflag:$0x3] =	stream.indirect.gather [hbm4b:s5+s15], $0x70, s25, s15, $0xb8;
	[tilespmem:$0x1C390] =	vst v63  }
0xe5: {  	_ =	swait.ge [sflag:s9], $0x50  }
0xe6: {  	[sflag:s9] =	ssyncset.done $0x0  }
0xe7: {  	s21 =	simm.s32 $0x13;
	[sflag:s9] =	ssyncadd.s32 $0xFFFFFFB0  }
0xe8: {  	_ =	swait.ge [sflag:s21], $0x50  }
0xe9: {  	s23 =	simm.s32 $0xAFF0;
	[sflag:s21] =	ssyncset.done $0x0  }
0xea: {  	s22 =	simm.s32 $0xF;
	s30 =	simm.s32 $0x6900;
	[sflag:s21] =	ssyncadd.s32 $0xFFFFFFB0  }
0xeb: {  	[tilespmem:s30], [sflag:$0x4] =	stream.indirect.gather [hbm4b:s5+s15], $0x70, s23, s15, $0xb8;
	[tilespmem:$0x1C390] =	vst v63  }
0xec: {  	_ =	swait.ge [sflag:s22], $0x50  }
0xed: {  	[sflag:s22] =	ssyncset.done $0x0  }
0xee: {  	[sflag:s22] =	ssyncadd.s32 $0xFFFFFFB0  }
0xef: {  	s18 =	smov.u32 s12;
	_ =	swait.ge [sflag:s13], $0x50  }
0xf0: {  	s24 =	smin.u32 s18, $0xF4;
	s31 =	simm.s32 $0xB040;
	[sflag:s13] =	ssyncset.done $0x0  }
0xf1: {  	s9 =	simm.s32 $0x1;
	s22 =	simm.s32 $0x8C00;
	[sflag:s13] =	ssyncadd.s32 $0xFFFFFFB0  }
0xf2: {  	[tilespmem:s22], [sflag:$0x5] =	stream.indirect.gather [hbm4b:s5+s15], $0x70, s31, s15, $0xb8;
	[tilespmem:$0x1C390] =	vst v63  }
0xf3: {  	s7 =	smul.u32 $0x50, s24;
	_ =	swait.ge [sflag:s9], $0x2300  }
0xf4: {  	s21 =	rddreg [dreg:$0x4]  }
0xf5: {  	s7 =	sadd.s32 s7, s21  }
0xf6: {  	[sflag:s9] =	ssyncset.done $0x0;
	s21 =	sshrl.u32 s7, $0x3  }
0xf7: {  	[sflag:s9] =	ssyncadd.s32 $0xFFFFDD00;
	s7 =	sadd.s32 s2, s21  }
0xf8: {  	[tilespmem:s10], [sflag:$0xB] =	stream.linear.gather [hbm4b:s7+s4], $0x50, $0x38;
	[tilespmem:$0x1C390] =	vst v63  }
0xf9: {  	s28 =	simm.s32 $0x2;
	s13 =	smin.u32 s18, $0xF3;
	s10 =	simm.s32 $0xB090  }
0xfa: {  	[spmem:s26] =	stream.indirect.scatter.add.f32 [tilespmem:s4], [sflag:$0x6], $0x70, s10, s15, $0xb8;
	[tilespmem:$0x1C390] =	vst v63  }
0xfb: {  	s7 =	smul.u32 $0x50, s13;
	_ =	swait.ge [sflag:s28], $0x2300  }
0xfc: {  	s24 =	rddreg [dreg:$0x5]  }
0xfd: {  	s7 =	sadd.s32 s7, s24  }
0xfe: {  	[sflag:s28] =	ssyncset.done $0x0;
	s24 =	sshrl.u32 s7, $0x3  }
0xff: {  	[sflag:s28] =	ssyncadd.s32 $0xFFFFDD00;
	s7 =	sadd.s32 s2, s24  }
0x100: {  	[tilespmem:s17], [sflag:$0xC] =	stream.linear.gather [hbm4b:s7+s4], $0x50, $0x38;
	[tilespmem:$0x1C390] =	vst v63  }
0x101: {  	s17 =	simm.s32 $0xB0E0  }
0x102: {  	[spmem:s26] =	stream.indirect.scatter.add.f32 [tilespmem:s20], [sflag:$0x7], $0x70, s17, s15, $0xb8;
	[tilespmem:$0x1C390] =	vst v63  }
0x103: {  	s13 =	smin.u32 s18, $0xF2;
	s20 =	simm.s32 $0x3  }
0x104: {  	s7 =	smul.u32 $0x50, s13;
	_ =	swait.ge [sflag:s20], $0x2300  }
0x105: {  	s28 =	rddreg [dreg:$0x6]  }
0x106: {  	s7 =	sadd.s32 s7, s28  }
0x107: {  	[sflag:s20] =	ssyncset.done $0x0;
	s7 =	sshrl.u32 s7, $0x3  }
0x108: {  	[sflag:s20] =	ssyncadd.s32 $0xFFFFDD00;
	s20 =	sadd.s32 s2, s7  }
0x109: {  	[tilespmem:s25], [sflag:$0xD] =	stream.linear.gather [hbm4b:s20+s4], $0x50, $0x38;
	[tilespmem:$0x1C390] =	vst v63  }
0x10a: {  	s20 =	simm.s32 $0xB130  }
0x10b: {  	[spmem:s26] =	stream.indirect.scatter.add.f32 [tilespmem:s0], [sflag:$0x8], $0x70, s20, s15, $0xb8;
	[tilespmem:$0x1C390] =	vst v63  }
0x10c: {  	s0 =	smin.u32 s18, $0xF1  }
0x10d: {  	_ =	swait.ge [sflag:s29], $0x2300;
	s28 =	smul.u32 $0x50, s0  }
0x10e: {  	s9 =	rddreg [dreg:$0x7]  }
0x10f: {  	s13 =	sadd.s32 s28, s9  }
0x110: {  	[sflag:s29] =	ssyncset.done $0x0;
	s28 =	sshrl.u32 s13, $0x3  }
0x111: {  	[sflag:s29] =	ssyncadd.s32 $0xFFFFDD00;
	s13 =	sadd.s32 s2, s28  }
0x112: {  	[tilespmem:s23], [sflag:$0xE] =	stream.linear.gather [hbm4b:s13+s4], $0x50, $0x38;
	[tilespmem:$0x1C390] =	vst v63  }
0x113: {  	s25 =	smin.u32 s18, $0xF0;
	s9 =	simm.s32 $0xB180  }
0x114: {  	[spmem:s26] =	stream.indirect.scatter.add.f32 [tilespmem:s30], [sflag:$0x9], $0x70, s9, s15, $0xb8;
	[tilespmem:$0x1C390] =	vst v63  }
0x115: {  	s13 =	smul.u32 $0x50, s25;
	_ =	swait.ge [sflag:s8], $0x2300  }
0x116: {  	s30 =	rddreg [dreg:$0x8]  }
0x117: {  	s13 =	sadd.s32 s13, s30  }
0x118: {  	[sflag:s8] =	ssyncset.done $0x0;
	s13 =	sshrl.u32 s13, $0x3  }
0x119: {  	[sflag:s8] =	ssyncadd.s32 $0xFFFFDD00;
	s0 =	sadd.s32 s2, s13  }
0x11a: {  	[tilespmem:s31], [sflag:$0xF] =	stream.linear.gather [hbm4b:s0+s4], $0x50, $0x38;
	[tilespmem:$0x1C390] =	vst v63  }
0x11b: {  	s23 =	simm.s32 $0x6  }
0x11c: {  	[spmem:s26] =	stream.indirect.scatter.add.f32 [tilespmem:s22], [sflag:$0xA], $0x70, s14, s15, $0xb8;
	[tilespmem:$0x1C390] =	vst v63  }
0x11d: {  	_ =	swait.ge [sflag:s23], $0x2300  }
0x11e: {  	[sflag:s23] =	ssyncset.done $0x0  }
0x11f: {  	s25 =	sadd.s32 s6, s21;
	[sflag:s23] =	ssyncadd.s32 $0xFFFFDD00  }
0x120: {  	[tilespmem:s10], [sflag:$0x10] =	stream.linear.gather [hbm4b:s25+s4], $0x50, $0x38;
	[tilespmem:$0x1C390] =	vst v63  }
0x121: {  	_ =	swait.ge [sflag:s11], $0x2300  }
0x122: {  	[sflag:s11] =	ssyncset.done $0x0  }
0x123: {  	s30 =	sadd.s32 s6, s24;
	[sflag:s11] =	ssyncadd.s32 $0xFFFFDD00  }
0x124: {  	[tilespmem:s17], [sflag:$0x11] =	stream.linear.gather [hbm4b:s30+s4], $0x50, $0x38;
	[tilespmem:$0x1C390] =	vst v63  }
0x125: {  	_ =	swait.ge [sflag:s16], $0x2300  }
0x126: {  	[sflag:s16] =	ssyncset.done $0x0  }
0x127: {  	s7 =	sadd.s32 s6, s7;
	[sflag:s16] =	ssyncadd.s32 $0xFFFFDD00  }
0x128: {  	[tilespmem:s20], [sflag:$0x12] =	stream.linear.gather [hbm4b:s7+s4], $0x50, $0x38;
	[tilespmem:$0x1C390] =	vst v63  }
0x129: {  	_ =	swait.ge [sflag:s19], $0x2300  }
0x12a: {  	p0 =	sne.s32 s12, $0xF5;
	[sflag:s19] =	ssyncset.done $0x0  }
.Ltmp1:
0x12b: {  	s31 =	sadd.s32 s6, s28;
	[sflag:s19] =	ssyncadd.s32 $0xFFFFDD00;
	(pc) =	sbr.rel @p0 .LBB2_4-.Ltmp1, $4  }
0x12c: {  	[tilespmem:s9], [sflag:$0x13] =	stream.linear.gather [hbm4b:s31+s4], $0x50, $0x38;
	[tilespmem:$0x1C390] =	vst v63  }
0x12d: {  	_ =	swait.ge [sflag:s3], $0x2300  }
0x12e: {  	s12 =	sadd.s32 $0x5, s12;
	s0 =	simm.s32 $0xB1D0;
	[sflag:s3] =	ssyncset.done $0x0  }
0x12f: {  	s7 =	sadd.s32 s6, s13;
	s13 =	simm.s32 $0x14;
	[sflag:s3] =	ssyncadd.s32 $0xFFFFDD00  }
0x130: {  	[tilespmem:s0], [sflag:$0x14] =	stream.linear.gather [hbm4b:s7+s4], $0x50, $0x38;
	[tilespmem:$0x1C390] =	vst v63  }
0x131: {  	s12 =	simm.s32 $0xB  }
0x132: {  	_ =	swait.ge [sflag:s12], $0x50  }
0x133: {  	[sflag:s12] =	ssyncset.done $0x0  }
0x134: {  	[sflag:s12] =	ssyncadd.s32 $0xFFFFFFB0  }
0x135: {  	_ =	swait.ge [sflag:s1], $0x50  }
0x136: {  	[sflag:s1] =	ssyncset.done $0x0  }
0x137: {  	s14 =	simm.s32 $0xC;
	[sflag:s1] =	ssyncadd.s32 $0xFFFFFFB0  }
0x138: {  	_ =	swait.ge [sflag:s14], $0x50  }
0x139: {  	[sflag:s14] =	ssyncset.done $0x0  }
0x13a: {  	s16 =	simm.s32 $0x11;
	[sflag:s14] =	ssyncadd.s32 $0xFFFFFFB0  }
0x13b: {  	_ =	swait.ge [sflag:s16], $0x50  }
0x13c: {  	[sflag:s16] =	ssyncset.done $0x0  }
0x13d: {  	s17 =	simm.s32 $0xD;
	[sflag:s16] =	ssyncadd.s32 $0xFFFFFFB0  }
0x13e: {  	_ =	swait.ge [sflag:s17], $0x50  }
0x13f: {  	[sflag:s17] =	ssyncset.done $0x0  }
0x140: {  	s18 =	simm.s32 $0x12;
	[sflag:s17] =	ssyncadd.s32 $0xFFFFFFB0  }
0x141: {  	_ =	swait.ge [sflag:s18], $0x50  }
0x142: {  	[sflag:s18] =	ssyncset.done $0x0  }
0x143: {  	s19 =	simm.s32 $0xE;
	[sflag:s18] =	ssyncadd.s32 $0xFFFFFFB0  }
0x144: {  	_ =	swait.ge [sflag:s19], $0x50  }
0x145: {  	[sflag:s19] =	ssyncset.done $0x0  }
0x146: {  	s20 =	simm.s32 $0x13;
	[sflag:s19] =	ssyncadd.s32 $0xFFFFFFB0  }
0x147: {  	_ =	swait.ge [sflag:s20], $0x50  }
0x148: {  	[sflag:s20] =	ssyncset.done $0x0  }
0x149: {  	s21 =	simm.s32 $0xF;
	[sflag:s20] =	ssyncadd.s32 $0xFFFFFFB0  }
0x14a: {  	_ =	swait.ge [sflag:s21], $0x50  }
0x14b: {  	[sflag:s21] =	ssyncset.done $0x0  }
0x14c: {  	[sflag:s21] =	ssyncadd.s32 $0xFFFFFFB0  }
0x14d: {  	_ =	swait.ge [sflag:s13], $0x50  }
0x14e: {  	[sflag:s13] =	ssyncset.done $0x0  }
0x14f: {  	s22 =	stileid.u32;
	s23 =	simm.s32 $0x15;
	[sflag:s13] =	ssyncadd.s32 $0xFFFFFFB0  }
0x150: {  	s3 =	simm.s32 $0xB;
	s28 =	simm.s32 $0xC;
	[bflag:$0x0] =	sbarrier.arrive $0xFFFF  }
0x151: {  	s0 =	simm.s32 $0x11;
	s7 =	sshll.u32 s22, $0x6;
	s13 =	rddreg [dreg:$0x9]  }
0x152: {  	s7 =	sor.u32 $0x1C15, s7;
	s18 =	rddreg [dreg:$0x1b];
	s12 =	sshrl.u32 s13, $0x3  }
0x153: {  	[hbm:s18], [sflag:s7] =	dma.local [spmem:s12], $0x222E  }
0x154: {  	s8 =	simm.s32 $0x2300;
	s9 =	simm.s32 $0xD;
	_ =	swait.ge [sflag:s23], $0x222E  }
0x155: {  	s10 =	simm.s32 $0x12;
	s11 =	simm.s32 $0x4600;
	s24 =	rddreg [dreg:$0x1d]  }
0x156: {  	s29 =	simm.s32 $0xE;
	s25 =	rddreg [dreg:$0x1c];
	s12 =	sadd.s32 $0x1, s24  }
0x157: {  	s30 =	simm.s32 $0x13;
	s31 =	simm.s32 $0xF;
	p0 =	sne.s32 s12, s25  }
.Ltmp2:
0x158: {  	s22 =	simm.s32 $0xAFF0;
	s1 =	simm.s32 $0x10;
	(pc) =	sbr.rel @p0 .LBB2_1-.Ltmp2, $4  }
0x159: {  	s14 =	simm.s32 $0x6;
	s16 =	simm.s32 $0xAF00;
	s17 =	simm.s32 $0xB090  }
0x15a: {  	s19 =	simm.s32 $0xAF50;
	s20 =	simm.s32 $0xAFA0;
	[sflag:s23] =	ssyncset.done $0x0  }
0x15b: {  	s21 =	simm.s32 $0xB130;
	s18 =	simm.s32 $0xB0E0;
	[sflag:s23] =	ssyncadd.s32 $0xFFFFDDD2  }
0x15c: {  	s23 =	simm.s32 $0xB180;
	s24 =	simm.s32 $0xB040;
	s25 =	simm.s32 $0xB1D0  }
0x15d: {  	_ =	sfence.sel $0x180000  }
0x15e: {  	[bflag:$0x0] =	sbarrier.arrive $0xFFFF  }
0x15f: {  	_ =	strace $0x90000047  }
0x160: {  	s0 =	stileid.u32;
	[bflag:$0x2] =	sbarrier.arrive $0xFFFF  }
0x161: {  	p0 =	sne.s32 s0, $0x0;
	s0 =	rddreg [dreg:$0x3]  }
0x162: {  	s0 =	sadd.s32 @!p0 $0x100000, s0  }
0x163: {  	[sflag:s0] =	ssyncadd.tile.s32 @!p0 $0x1;
	_ =	shalt  }
.Lfunc_end2:
_tile_overlayer_lowered:
.L_overlay_start_2:
0x164: {  	(tag) =	ssettag $0x2  }
0x165: {  	s0 =	rddreg [dreg:$0x0];
	s2 =	stileid.u32  }
0x166: {  	s1 =	rddreg [dreg:$0x1];
	p0 =	sne.s32 s2, $0x0  }
0x167: {  	s3 =	rddreg [dreg:$0x2];
	[bflag:$0x3] =	sbarrier.arrive $0xFFFF;
	s2 =	simm.s32 @!p0 $0x1C15  }
0x168: {  	[timem:s3], [sflag:s2] =	dma.local @!p0 [hbm:s0], s1  }
0x169: {  	s0 =	simm.s32 @!p0 $0x15  }
0x16a: {  	_ =	swait.ge @!p0 [sflag:s0], s1  }
0x16b: {  	s1 =	ssub.s32 @!p0 $0x0, s1;
	[sflag:s0] =	ssyncset.done @!p0 $0x0  }
0x16c: {  	[sflag:s0] =	ssyncadd.s32 @!p0 s1  }
0x16d: {  	[bflag:$0x3] =	sbarrier.arrive $0xFFFF  }
0x16e: {  	_ =	shalt  }

// kernel: kernel.8.cloned.1.call-start
scs
__scs_entry_jumppad:
0x0: {  	(pc) =	sbr.rel $0x88, $3  }
0x1: {  	(tag) =	ssettag $0x0;
	lr =	simm.s32 $0x1  }
0x2: {  	[smem:$0x3F98] =	sst lr;
	_ =	strace $0xD0000000  }
0x3: {  	_ = 	snop  }
0x4: {  	_ = 	snop  }
0x5: {  	_ = 	snop  }
0x6: {  	_ = 	snop  }
0x7: {  	_ = 	snop  }
__scs_overlays_trampoline_lowered:
0x8: {  	[smem:$0x3FA7] =	sst s0  }
0x9: {  	[smem:$0x3FA8] =	sst s1  }
0xa: {  	[smem:$0x3FA9] =	sst s2  }
0xb: {  	[smem:$0x3FAA] =	sst s3  }
0xc: {  	[smem:$0x3FAB] =	sst s4  }
0xd: {  	[smem:$0x3FAC] =	sst s5  }
0xe: {  	[smem:$0x3FAD] =	sst s6  }
0xf: {  	[smem:$0x3FAE] =	sst s7  }
0x10: {  	[smem:$0x3FAF] =	sst s8  }
0x11: {  	[smem:$0x3FB0] =	sst s9;
	s0 =	simm.s32 @!p0 $0x0  }
0x12: {  	s1 =	sld [smem:$0x3F96];
	s0 =	simm.s32 @p0 $0x1  }
0x13: {  	[smem:$0x3FB1] =	sst s0;
	s0 =	simm.s32 @!p1 $0x0  }
0x14: {  	s2 =	sld [smem:$0x3F95];
	s0 =	simm.s32 @p1 $0x1  }
0x15: {  	[smem:$0x3FB2] =	sst s0;
	s0 =	simm.s32 @!p2 $0x0  }
0x16: {  	s3 =	sld [smem:$0x3FDB];
	s0 =	simm.s32 @p2 $0x1  }
0x17: {  	s4 =	simm.s32 $0x1BF5;
	[smem:$0x3FB4] =	sst s0  }
0x18: {  	s0 =	sld [smem:$0x3F97];
	_ =	swait.ge [sflag:s4], $0x0  }
0x19: {  	s7 =	sld [smem:$0x3F98]  }
0x1a: {  	s8 =	sadd.s32 $0xFFFFE003, lr  }
0x1b: {  	s9 =	sadd.s32 $0xFFFFFEF7, lr;
	s5 =	simm.s32 $0xFFFFFFFF;
	p2 =	slt.u32 s8, $0xFFFFF086  }
0x1c: {  	p1 =	slt.u32 s9, $0xF7A;
	s5 =	simm.s32 @!p2 $0x0  }
0x1d: {  	s5 =	simm.s32 @p1 $0x1;
	p0 =	seq.s32 s7, s2  }
0x1e: {  	s7 =	smul.u32 @!p0 $0xF7A, s2;
	p2 =	seq.s32 @!p0 s5, $0x0  }
0x1f: {  	s9 =	smul.u32 $0xF7A, s1;
	s8 =	simm.s32 @!p0 $0x1BF5;
	p2 =	por !p2, p0  }
0x20: {  	[sflag:s8] =	ssyncset.s32 @!p0 $0xFFFFF086;
	s6 =	sadd.s32 @!p0 s3, s7;
	s7 =	simm.s32 @!p0 $0x108  }
0x21: {  	s3 =	sadd.s32 s3, s9;
	s6 =	sadd.s32 @!p0 $0x88, s6;
	s7 =	simm.s32 @p2 $0x1082  }
0x22: {  	[simem:s7], [sflag:s8] =	dma.local @!p0 [hbm:s6], $0xF7A  }
0x23: {  	s9 =	sor.u32 $0xD0000000, s2;
	s6 =	simm.s32 $0x108;
	_ =	swait.ge @!p0 [sflag:s8], $0x0  }
0x24: {  	s3 =	sadd.s32 $0x88, s3;
	s6 =	simm.s32 @!p1 $0x1082;
	[sflag:s4] =	ssyncset.s32 $0xFFFFF086  }
0x25: {  	[simem:s6], [sflag:s4] =	dma.local [hbm:s3], $0xF7A  }
0x26: {  	[smem:$0x3F98] =	sst s1;
	(tag) =	ssettag s2;
	_ =	strace s9  }
0x27: {  	s1 =	sld [smem:$0x3FA8]  }
0x28: {  	s2 =	sld [smem:$0x3FA9]  }
0x29: {  	s4 =	sld [smem:$0x3FAB]  }
0x2a: {  	p0 =	seq.s32 s5, $0x0;
	s5 =	sld [smem:$0x3FAC]  }
0x2b: {  	s6 =	sld [smem:$0x3FAD]  }
0x2c: {  	s7 =	sld [smem:$0x3FAE]  }
0x2d: {  	s3 =	simm.s32 $0x108;
	s8 =	sld [smem:$0x3FAF]  }
0x2e: {  	s3 =	simm.s32 @!p0 $0x1082;
	s9 =	sld [smem:$0x3FB0]  }
0x2f: {  	lr =	sadd.s32 s0, s3;
	s0 =	sld [smem:$0x3FA7]  }
0x30: {  	s3 =	sld [smem:$0x3FAA]  }
0x31: {  	[smem:$0x3FB3] =	sst s10  }
0x32: {  	s10 =	sld [smem:$0x3FB1];
	_ =	sdelay $0x3  }
0x33: {  	p0 =	seq.s32 s10, $0x1;
	s10 =	sld [smem:$0x3FB3];
	_ =	sdelay $0x3  }
0x34: {  	[smem:$0x3FB3] =	sst s10  }
0x35: {  	s10 =	sld [smem:$0x3FB2];
	_ =	sdelay $0x3  }
0x36: {  	p1 =	seq.s32 s10, $0x1;
	s10 =	sld [smem:$0x3FB3];
	_ =	sdelay $0x3  }
0x37: {  	[smem:$0x3FB3] =	sst s10  }
0x38: {  	s10 =	sld [smem:$0x3FB4]  }
0x39: {  	_ = 	snop;
	(pc) =	sbr.ind lr, $3  }
0x3a: {  	_ = 	snop  }
0x3b: {  	_ = 	snop  }
0x3c: {  	p2 =	seq.s32 s10, $0x1;
	s10 =	sld [smem:$0x3FB3]  }
0x3d: {  	_ =	shalt  }
0x3e: {  	_ =	shalt  }
0x3f: {  	_ =	shalt  }
0x40: {  	_ =	shalt  }
0x41: {  	_ =	shalt  }
0x42: {  	_ =	shalt  }
0x43: {  	_ =	shalt  }
0x44: {  	_ =	shalt  }
0x45: {  	_ =	shalt  }
0x46: {  	_ =	shalt  }
0x47: {  	_ =	shalt  }
0x48: {  	_ =	shalt  }
0x49: {  	_ =	shalt  }
0x4a: {  	_ =	shalt  }
0x4b: {  	_ =	shalt  }
0x4c: {  	_ =	shalt  }
0x4d: {  	_ =	shalt  }
0x4e: {  	_ =	shalt  }
0x4f: {  	_ =	shalt  }
0x50: {  	_ =	shalt  }
0x51: {  	_ =	shalt  }
0x52: {  	_ =	shalt  }
0x53: {  	_ =	shalt  }
0x54: {  	_ =	shalt  }
0x55: {  	_ =	shalt  }
0x56: {  	_ =	shalt  }
0x57: {  	_ =	shalt  }
0x58: {  	_ =	shalt  }
0x59: {  	_ =	shalt  }
0x5a: {  	_ =	shalt  }
0x5b: {  	_ =	shalt  }
0x5c: {  	_ =	shalt  }
0x5d: {  	_ =	shalt  }
0x5e: {  	_ =	shalt  }
0x5f: {  	_ =	shalt  }
0x60: {  	_ =	shalt  }
0x61: {  	_ =	shalt  }
0x62: {  	_ =	shalt  }
0x63: {  	_ =	shalt  }
0x64: {  	_ =	shalt  }
0x65: {  	_ =	shalt  }
0x66: {  	_ =	shalt  }
0x67: {  	_ =	shalt  }
0x68: {  	_ =	shalt  }
0x69: {  	_ =	shalt  }
0x6a: {  	_ =	shalt  }
0x6b: {  	_ =	shalt  }
0x6c: {  	_ =	shalt  }
0x6d: {  	_ =	shalt  }
0x6e: {  	_ =	shalt  }
0x6f: {  	_ =	shalt  }
0x70: {  	_ =	shalt  }
0x71: {  	_ =	shalt  }
0x72: {  	_ =	shalt  }
0x73: {  	_ =	shalt  }
0x74: {  	_ =	shalt  }
0x75: {  	_ =	shalt  }
0x76: {  	_ =	shalt  }
0x77: {  	_ =	shalt  }
0x78: {  	_ =	shalt  }
0x79: {  	_ =	shalt  }
0x7a: {  	_ =	shalt  }
0x7b: {  	_ =	shalt  }
0x7c: {  	_ =	shalt  }
0x7d: {  	_ =	shalt  }
0x7e: {  	_ =	shalt  }
0x7f: {  	_ =	shalt  }
0x80: {  	_ =	shalt  }
0x81: {  	_ =	shalt  }
0x82: {  	_ =	shalt  }
0x83: {  	_ =	shalt  }
0x84: {  	_ =	shalt  }
0x85: {  	_ =	shalt  }
0x86: {  	_ =	shalt  }
0x87: {  	_ =	shalt  }
.Lfunc_end0:
.L_simem_size_0:
called_computation.1_lowered:
.L_overlay_start_0:
0x88: {  	s2 =	sld [smem:$0x3FD9]  }
0x89: {  	s3 =	sld [smem:$0x3FFE];
	_ =	sdelay $0x1  }
0x8a: {  	s1 =	srdreg.scid  }
0x8b: {  	s0 =	sand.u32 $0x1, s1  }
0x8c: {  	s17 =	sshll.u32 s0, $0xA;
	s2 =	sadd.s32 s3, s2  }
0x8d: {  	s2 =	sadd.s32 s2, s17  }
0x8e: {  	[smem:$0x3FBF] =	sst s2  }
0x8f: {  	_ = 	snop  }
0x90: {  	s2 =	sld [smem:$0x3FD0];
	(tm) =	ssettm $0x1  }
0x91: {  	s18 =	sld [smem:$0x3FFB];
	_ =	sdelay $0x3  }
0x92: {  	_ =	strace s18  }
0x93: {  	s3 =	sld [smem:$0x3FFC];
	_ =	sdelay $0x3  }
0x94: {  	_ =	strace s3  }
0x95: {  	s3 =	sld [smem:$0x3FFD];
	_ =	sdelay $0x3  }
0x96: {  	_ =	strace s3  }
0x97: {  	_ =	strace $0x8FFFFFFF  }
0x98: {  	s19 =	sld [smem:$0x3FDB];
	_ =	sdelay $0x1  }
0x99: {  	s4 =	simm.s32 $_scs_section_size  }
0x9a: {  	s5 =	simm.s32 $_size__tile_overlayer_lowered;
	s6 =	simm.s32 $_tile_overlayer_lowered  }
0x9b: {  	s22 =	simm.s32 $0x1BFF;
	s21 =	sshll.u32 s6, $0x1;
	s3 =	sadd.s32 s4, s19  }
0x9c: {  	s7 =	simm.s32 $0x0;
	s20 =	sshll.u32 s5, $0x1;
	s5 =	sadd.s32 s21, s3  }
0x9d: {  	[timem:s7], [sflag:s22] =	dma.local [hbm:s5], s20  }
0x9e: {  	_ =	swait.ge [sflag:s22], s20  }
0x9f: {  	s4 =	ssub.s32 $0x0, s20;
	[sflag:s22] =	ssyncset.done $0x0  }
0xa0: {  	[sflag:s22] =	ssyncadd.s32 s4;
	_ =	sdelay $0x1  }
0xa1: {  	s23 =	simm.s32 $0x1B8B  }
0xa2: {  	_ =	swait.ge [sflag:s23], $0x1  }
0xa3: {  	[sflag:s23] =	ssyncset.done $0x0  }
0xa4: {  	s25 =	simm.s32 $0x1B8E;
	s24 =	sld [smem:$0x3FFE];
	[sflag:s23] =	ssyncadd.s32 $0xFFFFFFFF  }
0xa5: {  	s26 =	simm.s32 $execute0_lowered;
	[smem:$0x3FD2] =	sst s25  }
0xa6: {  	s5 =	sshll.u32 s26, $0x1;
	_ =	strace $0x80000049;
	[dreg:$0x1] =	wrdreg $0xFFFFFFFF  }
0xa7: {  	s28 =	simm.s32 $_size_execute0_lowered;
	s3 =	sadd.s32 s3, s5;
	[dreg:$0x0] =	wrdreg $0x0  }
0xa8: {  	s5 =	sshll.u32 s28, $0x1;
	[dreg:$0x2] =	wrdreg s3  }
0xa9: {  	[dreg:$0x3] =	wrdreg s5  }
0xaa: {  	[dreg:$0x4] =	wrdreg $0xC0  }
0xab: {  	_ =	task [dreg:s7], $0x5FFFF  }
0xac: {  	[dreg:$0x1] =	wrdreg $0xFFFFFFFF  }
0xad: {  	[dreg:$0x0] =	wrdreg $0x60  }
0xae: {  	[dreg:$0x2] =	wrdreg s24  }
0xaf: {  	[dreg:$0x3] =	wrdreg s2  }
0xb0: {  	[dreg:$0x4] =	wrdreg $0x9C400  }
0xb1: {  	[dreg:$0x5] =	wrdreg $0x9  }
0xb2: {  	_ =	task.clear_ibuf [dreg:s7], $0x6FFFF;
	_ =	strace $0x90000049  }
0xb3: {  	s29 =	simm.s32 $0x9;
	_ =	strace $0x8000004B  }
0xb4: {  	_ =	swait.ge [sflag:s29], $0x1  }
0xb5: {  	[sflag:s29] =	ssyncadd.s32 $0xFFFFFFFF  }
0xb6: {  	_ =	strace $0x9000004B  }
0xb7: {  	_ =	sfence  }
0xb8: {  	s30 =	sld [smem:$0x0];
	_ =	sdelay $0x2  }
0xb9: {  	s31 =	sshll.u32 s1, $0xD;
	s1 =	sshrl.u32 s1, $0x2  }
0xba: {  	s3 =	sand.u32 $0x4000, s31;
	s1 =	sadd.s32 s1, s30  }
0xbb: {  	s0 =	sor.u32 s3, s0;
	s1 =	sshll.u32 s1, $0x11  }
0xbc: {  	s0 =	sor.u32 s1, s0  }
0xbd: {  	s0 =	sadd.s32 $0x8F2B, s0  }
0xbe: {  	[sflag:s0] =	ssyncadd.remote.s32 $0x1  }
0xbf: {  	_ =	sfence.sel $0xFFFF  }
0xc0: {  	[dreg:$0x0] =	wrdreg $0xFFFFFFFF;
	(pc) =	sbr.abs _section_cstart, $3  }
0xc1: {  	[dreg:$0x1] =	wrdreg $0xFFFFFFFF  }
0xc2: {  	_ =	task.clear_ibuf [dreg:s7], $0x2FFFF;
	_ =	strace $0x9FFFFFFF  }
0xc3: {  	(tm) =	ssettm $0x7FFFFFFF  }
tec
execute0_lowered:
.L_overlay_start_1:
0x0: {  	(tag) =	ssettag $0x1  }
0x1: {  	s3 =	rddreg [dreg:$0x0];
	s0 =	srdreg.scid  }
0x2: {  	s7 =	stileid.u32;
	s5 =	rddreg [dreg:$0x1]  }
0x3: {  	s1 =	rddreg [dreg:$0x2];
	s2 =	simm.s32 $0x0;
	s10 =	simm.s32 $0x1  }
0x4: {  	s11 =	simm.s32 $0x4E20;
	s4 =	sand.u32 $0x1, s0;
	s31 =	sshll.u32 s7, $0x1  }
0x5: {  	s12 =	simm.s32 $0x0;
	s0 =	rddreg [dreg:$0x3];
	s6 =	sor.u32 s4, s31  }
0x6: {  	[smem:$0x7FF] =	sst s2;
	s4 =	ssub.s32 $0x2, s4;
	s6 =	smul.u32 $0x9C4, s6  }
0x7: {  	p0 =	sne.s32 s7, $0x0;
	_ =	strace $0x8000004A;
	s9 =	sshrl.u32 s4, $0x1  }
0x8: {  	s7 =	sshrl.u32 @!p0 s1, $0x3;
	s9 =	ssub.s32 s4, s9;
	s8 =	sadd.s32 s6, s3  }
0x9: {  	s3 =	sadd.s32 $0x14E00, s3;
	s5 =	sadd.s32 s5, s6;
	s6 =	smax.u32 s9, $0x1  }
0xa: {  	s9 =	simm.s32 $0x50;
	s4 =	sadd.s32 $0x1400, s8;
	s8 =	simm.s32 $0x2  }
.LBB2_1:
0xb: {  	s13 =	simm.s32 @!p0 $0x1C02  }
0xc: {  	[spmem:s7], [sflag:s13] =	dma.local @!p0 [hbm:s3], $0x4E2  }
0xd: {  	s13 =	simm.s32 @!p0 $0x2  }
0xe: {  	_ =	swait.ge @!p0 [sflag:s13], $0x4E2  }
0xf: {  	[sflag:s13] =	ssyncset.done @!p0 $0x0  }
0x10: {  	[sflag:s13] =	ssyncadd.s32 @!p0 $0xFFFFFB1E  }
0x11: {  	[tilespmem:s2], [sflag:$0x2] =	stream.linear.gather [hbm4b:s4+s2], $0x4E20, $0x38;
	[tilespmem:$0x9EB8] =	vst v63  }
0x12: {  	_ =	swait.ge [sflag:s8], $0x4E20  }
0x13: {  	[sflag:s8] =	ssyncset.done $0x0  }
0x14: {  	p1 =	por $0x1, $0x1;
	[sflag:s8] =	ssyncadd.s32 $0xFFFFB1E0  }
0x15: {  	s16 =	simm.s32 @!p1 $0x1;
	[bflag:$0x0] =	sbarrier.arrive $0xFFFF  }
0x16: {  	[tilespmem:s11], [sflag:$0x1] =	stream.indirect.gather [spmem:s1], $0x1, s2, s9, $0xb8;
	[tilespmem:$0x9EB8] =	vst v63  }
0x17: {  	s14 =	simm.s32 $0x4E70;
	_ =	swait.ge @!p1 [sflag:s16], $0x50  }
0x18: {  	s15 =	simm.s32 $0x0;
	s13 =	simm.s32 $0x1;
	[sflag:s16] =	ssyncset.done @!p1 $0x0  }
.LBB2_2:
0x19: {  	[sflag:s16] =	ssyncadd.s32 @!p1 $0xFFFFFFB0  }
0x1a: {  	s15 =	sadd.s32 $0x50, s15;
	s16 =	smov.u32 s13;
	s13 =	sadd.s32 $0x1, s13  }
0x1b: {  	p2 =	sne.s32 s13, $0xFA  }
0x1c: {  	[tilespmem:s14], [sflag:$0x1] =	stream.indirect.gather [spmem:s1], $0x1, s15, s9, $0xb8;
	[tilespmem:$0x9EB8] =	vst v63  }
.Ltmp0:
0x1d: {  	_ = 	snop;
	(pc) =	sbr.rel @p2 .LBB2_2-.Ltmp0, $4  }
0x1e: {  	p1 =	slt.u32 s16, $0x20  }
0x1f: {  	s16 =	simm.s32 @!p1 $0x1  }
0x20: {  	_ =	swait.ge @!p1 [sflag:s16], $0x50  }
0x21: {  	s14 =	sadd.s32 $0x50, s14;
	[sflag:s16] =	ssyncset.done @!p1 $0x0  }
0x22: {  	[sflag:s16] =	ssyncadd.s32 @!p1 $0xFFFFFFB0  }
0x23: {  	_ =	swait.ge [sflag:s10], $0x50  }
0x24: {  	[sflag:s10] =	ssyncset.done $0x0  }
0x25: {  	[sflag:s10] =	ssyncadd.s32 $0xFFFFFFB0  }
0x26: {  	_ =	swait.ge [sflag:s10], $0x50  }
0x27: {  	[sflag:s10] =	ssyncset.done $0x0  }
0x28: {  	[sflag:s10] =	ssyncadd.s32 $0xFFFFFFB0  }
0x29: {  	_ =	swait.ge [sflag:s10], $0x50  }
0x2a: {  	[sflag:s10] =	ssyncset.done $0x0  }
0x2b: {  	[sflag:s10] =	ssyncadd.s32 $0xFFFFFFB0  }
0x2c: {  	_ =	swait.ge [sflag:s10], $0x50  }
0x2d: {  	[sflag:s10] =	ssyncset.done $0x0  }
0x2e: {  	[sflag:s10] =	ssyncadd.s32 $0xFFFFFFB0  }
0x2f: {  	_ =	swait.ge [sflag:s10], $0x50  }
0x30: {  	[sflag:s10] =	ssyncset.done $0x0  }
0x31: {  	[sflag:s10] =	ssyncadd.s32 $0xFFFFFFB0  }
0x32: {  	_ =	swait.ge [sflag:s10], $0x50  }
0x33: {  	[sflag:s10] =	ssyncset.done $0x0  }
0x34: {  	[sflag:s10] =	ssyncadd.s32 $0xFFFFFFB0  }
0x35: {  	_ =	swait.ge [sflag:s10], $0x50  }
0x36: {  	[sflag:s10] =	ssyncset.done $0x0  }
0x37: {  	[sflag:s10] =	ssyncadd.s32 $0xFFFFFFB0  }
0x38: {  	_ =	swait.ge [sflag:s10], $0x50  }
0x39: {  	[sflag:s10] =	ssyncset.done $0x0  }
0x3a: {  	[sflag:s10] =	ssyncadd.s32 $0xFFFFFFB0  }
0x3b: {  	_ =	swait.ge [sflag:s10], $0x50  }
0x3c: {  	[sflag:s10] =	ssyncset.done $0x0  }
0x3d: {  	[sflag:s10] =	ssyncadd.s32 $0xFFFFFFB0  }
0x3e: {  	_ =	swait.ge [sflag:s10], $0x50  }
0x3f: {  	[sflag:s10] =	ssyncset.done $0x0  }
0x40: {  	[sflag:s10] =	ssyncadd.s32 $0xFFFFFFB0  }
0x41: {  	_ =	swait.ge [sflag:s10], $0x50  }
0x42: {  	[sflag:s10] =	ssyncset.done $0x0  }
0x43: {  	[sflag:s10] =	ssyncadd.s32 $0xFFFFFFB0  }
0x44: {  	_ =	swait.ge [sflag:s10], $0x50  }
0x45: {  	[sflag:s10] =	ssyncset.done $0x0  }
0x46: {  	[sflag:s10] =	ssyncadd.s32 $0xFFFFFFB0  }
0x47: {  	_ =	swait.ge [sflag:s10], $0x50  }
0x48: {  	[sflag:s10] =	ssyncset.done $0x0  }
0x49: {  	[sflag:s10] =	ssyncadd.s32 $0xFFFFFFB0  }
0x4a: {  	_ =	swait.ge [sflag:s10], $0x50  }
0x4b: {  	[sflag:s10] =	ssyncset.done $0x0  }
0x4c: {  	[sflag:s10] =	ssyncadd.s32 $0xFFFFFFB0  }
0x4d: {  	_ =	swait.ge [sflag:s10], $0x50  }
0x4e: {  	[sflag:s10] =	ssyncset.done $0x0  }
0x4f: {  	[sflag:s10] =	ssyncadd.s32 $0xFFFFFFB0  }
0x50: {  	_ =	swait.ge [sflag:s10], $0x50  }
0x51: {  	[sflag:s10] =	ssyncset.done $0x0  }
0x52: {  	[sflag:s10] =	ssyncadd.s32 $0xFFFFFFB0  }
0x53: {  	_ =	swait.ge [sflag:s10], $0x50  }
0x54: {  	[sflag:s10] =	ssyncset.done $0x0  }
0x55: {  	[sflag:s10] =	ssyncadd.s32 $0xFFFFFFB0  }
0x56: {  	_ =	swait.ge [sflag:s10], $0x50  }
0x57: {  	[sflag:s10] =	ssyncset.done $0x0  }
0x58: {  	[sflag:s10] =	ssyncadd.s32 $0xFFFFFFB0  }
0x59: {  	_ =	swait.ge [sflag:s10], $0x50  }
0x5a: {  	[sflag:s10] =	ssyncset.done $0x0  }
0x5b: {  	[sflag:s10] =	ssyncadd.s32 $0xFFFFFFB0  }
0x5c: {  	_ =	swait.ge [sflag:s10], $0x50  }
0x5d: {  	[sflag:s10] =	ssyncset.done $0x0  }
0x5e: {  	[sflag:s10] =	ssyncadd.s32 $0xFFFFFFB0  }
0x5f: {  	_ =	swait.ge [sflag:s10], $0x50  }
0x60: {  	[sflag:s10] =	ssyncset.done $0x0  }
0x61: {  	[sflag:s10] =	ssyncadd.s32 $0xFFFFFFB0  }
0x62: {  	_ =	swait.ge [sflag:s10], $0x50  }
0x63: {  	[sflag:s10] =	ssyncset.done $0x0  }
0x64: {  	[sflag:s10] =	ssyncadd.s32 $0xFFFFFFB0  }
0x65: {  	_ =	swait.ge [sflag:s10], $0x50  }
0x66: {  	[sflag:s10] =	ssyncset.done $0x0  }
0x67: {  	[sflag:s10] =	ssyncadd.s32 $0xFFFFFFB0  }
0x68: {  	_ =	swait.ge [sflag:s10], $0x50  }
0x69: {  	[sflag:s10] =	ssyncset.done $0x0  }
0x6a: {  	[sflag:s10] =	ssyncadd.s32 $0xFFFFFFB0  }
0x6b: {  	_ =	swait.ge [sflag:s10], $0x50  }
0x6c: {  	[sflag:s10] =	ssyncset.done $0x0  }
0x6d: {  	[sflag:s10] =	ssyncadd.s32 $0xFFFFFFB0  }
0x6e: {  	_ =	swait.ge [sflag:s10], $0x50  }
0x6f: {  	[sflag:s10] =	ssyncset.done $0x0  }
0x70: {  	[sflag:s10] =	ssyncadd.s32 $0xFFFFFFB0  }
0x71: {  	_ =	swait.ge [sflag:s10], $0x50  }
0x72: {  	[sflag:s10] =	ssyncset.done $0x0  }
0x73: {  	[sflag:s10] =	ssyncadd.s32 $0xFFFFFFB0  }
0x74: {  	_ =	swait.ge [sflag:s10], $0x50  }
0x75: {  	[sflag:s10] =	ssyncset.done $0x0  }
0x76: {  	[sflag:s10] =	ssyncadd.s32 $0xFFFFFFB0  }
0x77: {  	_ =	swait.ge [sflag:s10], $0x50  }
0x78: {  	[sflag:s10] =	ssyncset.done $0x0  }
0x79: {  	[sflag:s10] =	ssyncadd.s32 $0xFFFFFFB0  }
0x7a: {  	_ =	swait.ge [sflag:s10], $0x50  }
0x7b: {  	[sflag:s10] =	ssyncset.done $0x0  }
0x7c: {  	[sflag:s10] =	ssyncadd.s32 $0xFFFFFFB0  }
0x7d: {  	_ =	swait.ge [sflag:s10], $0x50  }
0x7e: {  	[sflag:s10] =	ssyncset.done $0x0  }
0x7f: {  	[sflag:s10] =	ssyncadd.s32 $0xFFFFFFB0  }
0x80: {  	s12 =	sadd.s32 $0x1, s12;
	_ =	swait.ge [sflag:s10], $0x50  }
0x81: {  	p1 =	sne.s32 s12, s6;
	[sflag:s10] =	ssyncset.done $0x0  }
.Ltmp1:
0x82: {  	[sflag:s10] =	ssyncadd.s32 $0xFFFFFFB0;
	(pc) =	sbr.rel @p1 .LBB2_1-.Ltmp1, $4  }
0x83: {  	[hbm4b:s5+s2] =	stream.linear.scatter [tilespmem:s11], [sflag:$0x2], $0x4E20, $0x38;
	[tilespmem:$0x9EB8] =	vst v63  }
0x84: {  	_ =	swait.ge [sflag:s8], $0x4E20  }
0x85: {  	[sflag:s8] =	ssyncset.done $0x0  }
0x86: {  	[sflag:s8] =	ssyncadd.s32 $0xFFFFB1E0  }
0x87: {  	_ =	sfence.sel $0x180000  }
0x88: {  	[bflag:$0x0] =	sbarrier.arrive $0xFFFF  }
0x89: {  	_ =	strace $0x9000004A  }
0x8a: {  	s0 =	sadd.s32 @!p0 $0x100000, s0;
	[bflag:$0x2] =	sbarrier.arrive $0xFFFF  }
0x8b: {  	[sflag:s0] =	ssyncadd.tile.s32 @!p0 $0x1;
	_ =	shalt  }
.Lfunc_end2:
_tile_overlayer_lowered:
.L_overlay_start_2:
0x8c: {  	(tag) =	ssettag $0x2  }
0x8d: {  	s0 =	rddreg [dreg:$0x0];
	s2 =	stileid.u32  }
0x8e: {  	s1 =	rddreg [dreg:$0x1];
	p0 =	sne.s32 s2, $0x0  }
0x8f: {  	s3 =	rddreg [dreg:$0x2];
	[bflag:$0x3] =	sbarrier.arrive $0xFFFF;
	s2 =	simm.s32 @!p0 $0x1C02  }
0x90: {  	[timem:s3], [sflag:s2] =	dma.local @!p0 [hbm:s0], s1  }
0x91: {  	s0 =	simm.s32 @!p0 $0x2  }
0x92: {  	_ =	swait.ge @!p0 [sflag:s0], s1  }
0x93: {  	s1 =	ssub.s32 @!p0 $0x0, s1;
	[sflag:s0] =	ssyncset.done @!p0 $0x0  }
0x94: {  	[sflag:s0] =	ssyncadd.s32 @!p0 s1  }
0x95: {  	[bflag:$0x3] =	sbarrier.arrive $0xFFFF  }
0x96: {  	_ =	shalt  }

</sc_bundles>
